<compile_context>
chip_gen: v7x
topology: tpu7x:2x2x1
jax: 0.10.2.dev20260603
libtpu: 0.0.44.dev20260713+nightly
codegen_flags: <defaults>
</compile_context>

<pallas_src>
import jax
import jax.numpy as jnp
from jax import lax
from jax.experimental import pallas as pl
from jax.experimental.pallas import tpu as pltpu
from jax.experimental.pallas import tpu_sc as plsc

DIM = 128
CAP = 100000

BLK = 4096
NBLK = 20
TC_ROWS = NBLK * BLK
SC_START = TC_ROWS
SC_ROWS = CAP - TC_ROWS

NC = 1
NS = 16
NW = NC * NS
LANES = 16
CHUNK = 160
GROUPS = CHUNK // LANES
NCHUNKS = SC_ROWS // CHUNK
KMAX = -(-NCHUNKS // NW)
HVECS = DIM // LANES

assert SC_ROWS % CHUNK == 0


def _sc_scan_body(query_hbm, mem_hbm, imp_hbm, encw_hbm, encb_hbm,
                  t_out, i_out,
                  qbuf, wbuf, bbuf, qebuf, membuf0, membuf1,
                  impbuf0, impbuf1, btbuf, bibuf, sem0, sem1):
    membufs = (membuf0, membuf1)
    impbufs = (impbuf0, impbuf1)
    sems = (sem0, sem1)
    cid = lax.axis_index("c")
    sid = lax.axis_index("s")
    wid = cid * NS + sid

    iota = lax.iota(jnp.int32, LANES)

    pltpu.sync_copy(query_hbm, qbuf)
    pltpu.sync_copy(encw_hbm, wbuf)
    pltpu.sync_copy(encb_hbm, bbuf)

    widx = [(iota + h * LANES) * DIM for h in range(HVECS)]

    def enc_step(_, carry):
        qskew, acc = carry
        qd = plsc.load_gather(qbuf, [qskew])
        acc = tuple(
            acc[h] + qd * plsc.load_gather(wbuf, [widx[h] + qskew])
            for h in range(HVECS)
        )
        return (qskew + 1) & (DIM - 1), acc

    acc0 = tuple(jnp.zeros((LANES,), jnp.float32) for _ in range(HVECS))
    _, acc = lax.fori_loop(0, DIM, enc_step, (iota, acc0), unroll=8)
    for h in range(HVECS):
        qebuf[pl.ds(h * LANES, LANES)] = acc[h] + bbuf[pl.ds(h * LANES, LANES)]

    btbuf[...] = jnp.full((LANES,), -jnp.inf, jnp.float32)
    bibuf[...] = jnp.zeros((LANES,), jnp.int32)

    bidx = [(iota + g * LANES) * DIM for g in range(GROUPS)]

    def _start(c, b):
        @pl.when(c < NCHUNKS)
        def _():
            base = SC_START + c * CHUNK
            pltpu.async_copy(mem_hbm.at[pl.ds(base * DIM, CHUNK * DIM)],
                             membufs[b], sems[b])
            pltpu.async_copy(imp_hbm.at[pl.ds(base, CHUNK)],
                             impbufs[b], sems[b])

    def _compute(c, b):
        @pl.when(c < NCHUNKS)
        def _():
            base = SC_START + c * CHUNK
            pltpu.make_async_copy(
                mem_hbm.at[pl.ds(base * DIM, CHUNK * DIM)],
                membufs[b], sems[b]).wait()
            pltpu.make_async_copy(
                imp_hbm.at[pl.ds(base, CHUNK)],
                impbufs[b], sems[b]).wait()

            def d_step(_, carry):
                qskew, dots, sqs = carry
                qd = plsc.load_gather(qebuf, [qskew])
                new_dots, new_sqs = [], []
                for g in range(GROUPS):
                    v = plsc.load_gather(membufs[b], [bidx[g] + qskew])
                    new_dots.append(dots[g] + v * qd)
                    new_sqs.append(sqs[g] + v * v)
                return ((qskew + 1) & (DIM - 1), tuple(new_dots),
                        tuple(new_sqs))

            z = tuple(jnp.zeros((LANES,), jnp.float32) for _ in range(GROUPS))
            _, dots, sqs = lax.fori_loop(0, DIM, d_step, (iota, z, z),
                                         unroll=8)

            bt = btbuf[...]
            bi = bibuf[...]
            for g in range(GROUPS):
                impv = impbufs[b][pl.ds(g * LANES, LANES)]
                sq = jnp.maximum(sqs[g], 1e-16)
                t = (dots[g] * jnp.abs(dots[g])) * (impv * impv) / sq
                ridx = base + g * LANES + iota
                upd = t > bt
                bt = jnp.where(upd, t, bt)
                bi = jnp.where(upd, ridx, bi)
            btbuf[...] = bt
            bibuf[...] = bi

            _start(c + 2 * NW, b)

    _start(wid, 0)
    _start(NW + wid, 1)

    def two_step(i, _):
        _compute(i * 2 * NW + wid, 0)
        _compute((i * 2 + 1) * NW + wid, 1)
        return 0

    lax.fori_loop(0, (KMAX + 1) // 2, two_step, 0)

    pltpu.sync_copy(btbuf, t_out.at[wid])
    pltpu.sync_copy(bibuf, i_out.at[wid])


_sc_scan = pl.kernel(
    _sc_scan_body,
    out_type=(jax.ShapeDtypeStruct((NW, LANES), jnp.float32),
              jax.ShapeDtypeStruct((NW, LANES), jnp.int32)),
    mesh=plsc.VectorSubcoreMesh(core_axis_name="c", subcore_axis_name="s",
                                num_cores=NC, num_subcores=NS),
    compiler_params=pltpu.CompilerParams(needs_layout_passes=False),
    scratch_types=[
        pltpu.VMEM((DIM,), jnp.float32),
        pltpu.VMEM((DIM * DIM,), jnp.float32),
        pltpu.VMEM((DIM,), jnp.float32),
        pltpu.VMEM((DIM,), jnp.float32),
        pltpu.VMEM((CHUNK * DIM,), jnp.float32),
        pltpu.VMEM((CHUNK * DIM,), jnp.float32),
        pltpu.VMEM((CHUNK,), jnp.float32),
        pltpu.VMEM((CHUNK,), jnp.float32),
        pltpu.VMEM((LANES,), jnp.float32),
        pltpu.VMEM((LANES,), jnp.int32),
        pltpu.SemaphoreType.DMA,
        pltpu.SemaphoreType.DMA,
    ],
)


TCW = 512


def _tc_scan_body(query_ref, encw_ref, encb_ref, imp_ref, x_ref,
                  t_out, i_out, qe_scr, bt_scr, bi_scr):
    step = pl.program_id(0)

    @pl.when(step == 0)
    def _():
        qe_scr[...] = lax.dot_general(
            query_ref[...], encw_ref[...], (((1,), (1,)), ((), ())),
            preferred_element_type=jnp.float32) + encb_ref[...]
        bt_scr[...] = jnp.full((1, TCW), -jnp.inf, jnp.float32)
        bi_scr[...] = jnp.zeros((1, TCW), jnp.int32)

    x = x_ref[...]
    qe = qe_scr[...]
    dot = lax.dot_general(qe, x, (((1,), (1,)), ((), ())),
                          preferred_element_type=jnp.float32)
    ones = jnp.ones((1, DIM), jnp.float32)
    sq = lax.dot_general(ones, x * x, (((1,), (1,)), ((), ())),
                         preferred_element_type=jnp.float32)
    imp = imp_ref[...]
    t = (dot * jnp.abs(dot)) * (imp * imp) / jnp.maximum(sq, 1e-16)
    rows = lax.broadcasted_iota(jnp.int32, (1, BLK), 1) + step * BLK

    w = BLK
    while w > TCW:
        w //= 2
        ta, tb = t[:, :w], t[:, w:2 * w]
        ra, rb = rows[:, :w], rows[:, w:2 * w]
        upd = tb > ta
        t = jnp.where(upd, tb, ta)
        rows = jnp.where(upd, rb, ra)
    bt = bt_scr[...]
    upd = t > bt
    bt_scr[...] = jnp.where(upd, t, bt)
    bi_scr[...] = jnp.where(upd, rows, bi_scr[...])

    @pl.when(step == NBLK - 1)
    def _():
        t_out[...] = bt_scr[...]
        i_out[...] = bi_scr[...]


def _tc_merge_decode(tsc_ref, isc_ref, ttc_ref, itc_ref, mem_ref,
                     w_ref, b_ref, out_ref, row_buf, sem):
    t = tsc_ref[...]
    idx = isc_ref[...]
    ttc = ttc_ref[...]
    itc = itc_ref[...]
    m = jnp.maximum(jnp.max(t), jnp.max(ttc))
    big = jnp.int32(2**31 - 1)
    r_sc = jnp.min(jnp.where(t == m, idx, big))
    r = jnp.minimum(r_sc, jnp.min(jnp.where(ttc == m, itc, big)))
    cp = pltpu.make_async_copy(mem_ref.at[pl.ds(r, 1)], row_buf, sem)
    cp.start()
    cp.wait()
    out_ref[...] = lax.dot_general(
        row_buf[...], w_ref[...], (((1,), (1,)), ((), ())),
        preferred_element_type=jnp.float32) + b_ref[...]


def kernel(query, mem_embeddings, importances, enc_W, enc_b, dec_W, dec_b):
    q2 = query.reshape(1, DIM)
    eb2 = enc_b.reshape(1, DIM)

    t_sc, i_sc = _sc_scan(query, mem_embeddings.reshape(-1), importances,
                          enc_W.reshape(-1), enc_b)

    t_tc, i_tc = pl.pallas_call(
        _tc_scan_body,
        grid=(NBLK,),
        out_shape=(jax.ShapeDtypeStruct((1, TCW), jnp.float32),
                   jax.ShapeDtypeStruct((1, TCW), jnp.int32)),
        in_specs=[
            pl.BlockSpec((1, DIM), lambda i: (0, 0)),
            pl.BlockSpec((DIM, DIM), lambda i: (0, 0)),
            pl.BlockSpec((1, DIM), lambda i: (0, 0)),
            pl.BlockSpec((1, BLK), lambda i: (0, i)),
            pl.BlockSpec((BLK, DIM), lambda i: (i, 0)),
        ],
        out_specs=(pl.BlockSpec((1, TCW), lambda i: (0, 0)),
                   pl.BlockSpec((1, TCW), lambda i: (0, 0))),
        scratch_shapes=[pltpu.VMEM((1, DIM), jnp.float32),
                        pltpu.VMEM((1, TCW), jnp.float32),
                        pltpu.VMEM((1, TCW), jnp.int32)],
    )(q2, enc_W, eb2, importances.reshape(1, CAP), mem_embeddings)

    out = pl.pallas_call(
        _tc_merge_decode,
        out_shape=jax.ShapeDtypeStruct((1, DIM), jnp.float32),
        in_specs=[
            pl.BlockSpec(memory_space=pltpu.VMEM),
            pl.BlockSpec(memory_space=pltpu.VMEM),
            pl.BlockSpec(memory_space=pltpu.VMEM),
            pl.BlockSpec(memory_space=pltpu.VMEM),
            pl.BlockSpec(memory_space=pl.ANY),
            pl.BlockSpec(memory_space=pltpu.VMEM),
            pl.BlockSpec(memory_space=pltpu.VMEM),
        ],
        out_specs=pl.BlockSpec(memory_space=pltpu.VMEM),
        scratch_shapes=[pltpu.VMEM((1, DIM), jnp.float32),
                        pltpu.SemaphoreType.DMA],
    )(t_sc, i_sc, t_tc, i_tc, mem_embeddings, dec_W, dec_b.reshape(1, DIM))
    return out.reshape(DIM)

# --- scband reference (transcript-rebuilt; emitter-appended) ---
"""Pipeline reference for scband-biological-memory-2602750181563 (READ-ONLY COPY).

The authoritative reference and input builder live on the scoring server;
editing this copy changes nothing except your own understanding.
"""

import jax, jax.numpy as jnp
import numpy as np

DIM = 128
CAP = 100000

def setup_inputs(seed: int = 0) -> dict:
    key = jax.random.key(seed)
    ks = jax.random.split(key, 7)
    query = jax.random.normal(ks[0], (DIM,), dtype=jnp.float32)
    mem_embeddings = jax.random.normal(ks[1], (CAP, DIM), dtype=jnp.float32)
    importances = jax.random.uniform(ks[2], (CAP,), dtype=jnp.float32)
    s = 1.0 / np.sqrt(DIM)
    enc_W = jax.random.uniform(ks[3], (DIM, DIM), minval=-s, maxval=s, dtype=jnp.float32)
    enc_b = jax.random.uniform(ks[4], (DIM,), minval=-s, maxval=s, dtype=jnp.float32)
    dec_W = jax.random.uniform(ks[5], (DIM, DIM), minval=-s, maxval=s, dtype=jnp.float32)
    dec_b = jax.random.uniform(ks[6], (DIM,), minval=-s, maxval=s, dtype=jnp.float32)
    return {"query": query, "mem_embeddings": mem_embeddings, "importances": importances,
            "enc_W": enc_W, "enc_b": enc_b, "dec_W": dec_W, "dec_b": dec_b}

def reference(query, mem_embeddings, importances, enc_W, enc_b, dec_W, dec_b):
    # encoder: query_enc = Linear(query)
    q_enc = query @ enc_W.T + enc_b  # [DIM]
    # cosine similarity of query_enc vs each stored memory embedding (eps=1e-8 like torch)
    q_norm = jnp.maximum(jnp.linalg.norm(q_enc), 1e-8)
    m_norm = jnp.maximum(jnp.linalg.norm(mem_embeddings, axis=-1), 1e-8)  # [CAP]
    sims = (mem_embeddings @ q_enc) / (m_norm * q_norm)  # [CAP]
    # importance-weighted best match (the python loop's running max == argmax)
    weighted = sims * importances
    best = jnp.argmax(weighted)
    best_emb = mem_embeddings[best]  # gather of winning trace
    # decoder: reconstructive recall
    out = best_emb @ dec_W.T + dec_b  # [DIM]
    return out

if __name__ == "__main__":
    import jax
    _d = setup_inputs()
    print(jax.jit(kernel)(*tuple(_d.values())))

</pallas_src>

<mosaic_0001>
#map = affine_map<(d0, d1) -> (0)>
#map1 = affine_map<(d0, d1) -> (0, 0)>
module attributes {stable_mosaic.version = 14 : i64} {
  func.func @_sc_scan_body(%arg0: i32, %arg1: i32, %arg2: memref<128xf32, #tpu.memory_space<hbm>>, %arg3: memref<12800000xf32, #tpu.memory_space<hbm>>, %arg4: memref<100000xf32, #tpu.memory_space<hbm>>, %arg5: memref<16384xf32, #tpu.memory_space<hbm>>, %arg6: memref<128xf32, #tpu.memory_space<hbm>>, %arg7: memref<16x16xf32, #tpu.memory_space<hbm>>, %arg8: memref<16x16xi32, #tpu.memory_space<hbm>>, %arg9: memref<128xf32, #tpu.memory_space<vmem>>, %arg10: memref<16384xf32, #tpu.memory_space<vmem>>, %arg11: memref<128xf32, #tpu.memory_space<vmem>>, %arg12: memref<128xf32, #tpu.memory_space<vmem>>, %arg13: memref<20480xf32, #tpu.memory_space<vmem>>, %arg14: memref<20480xf32, #tpu.memory_space<vmem>>, %arg15: memref<160xf32, #tpu.memory_space<vmem>>, %arg16: memref<160xf32, #tpu.memory_space<vmem>>, %arg17: memref<16xf32, #tpu.memory_space<vmem>>, %arg18: memref<16xi32, #tpu.memory_space<vmem>>, %arg19: memref<!tpu.dma_semaphore, #tpu.memory_space<semaphore_mem>>, %arg20: memref<!tpu.dma_semaphore, #tpu.memory_space<semaphore_mem>>) attributes {dimension_semantics = [#tpu.dimension_semantics<core_parallel>, #tpu.dimension_semantics<subcore_parallel>], iteration_bounds = array<i64: 1, 16>, scalar_prefetch = 0 : i64, scratch_operands = 12 : i64, tpu.core_type = #tpu.core_type<sc_vector_subcore>, window_params = [{transform_indices = #map}, {transform_indices = #map}, {transform_indices = #map}, {transform_indices = #map}, {transform_indices = #map}, {transform_indices = #map1}, {transform_indices = #map1}]} {
    %mul3A = arith.constant 16 : i32
    %mul3A_0 = arith.muli %arg0, %mul3A : i32
    %add3A = arith.addi %mul3A_0, %arg1 : i32
    %iota3A = tpu.iota {dimensions = array<i32: 0>} : vector<16xi32>
    "tpu.region"() ({
      %run_scoped3A = tpu.sem_alloc : memref<!tpu.dma_semaphore, #tpu.memory_space<semaphore_mem>>
      tpu.enqueue_dma source(%arg2 : memref<128xf32, #tpu.memory_space<hbm>>) target(%arg9 : memref<128xf32, #tpu.memory_space<vmem>>) target_semaphore(%run_scoped3A : memref<!tpu.dma_semaphore, #tpu.memory_space<semaphore_mem>>)
      tpu.wait_dma2 semaphore(%run_scoped3A : memref<!tpu.dma_semaphore, #tpu.memory_space<semaphore_mem>>) src(%arg2 : memref<128xf32, #tpu.memory_space<hbm>>) dst(%arg9 : memref<128xf32, #tpu.memory_space<vmem>>)
      tpu.yield
    }) : () -> ()
    "tpu.region"() ({
      %run_scoped3A = tpu.sem_alloc : memref<!tpu.dma_semaphore, #tpu.memory_space<semaphore_mem>>
      tpu.enqueue_dma source(%arg5 : memref<16384xf32, #tpu.memory_space<hbm>>) target(%arg10 : memref<16384xf32, #tpu.memory_space<vmem>>) target_semaphore(%run_scoped3A : memref<!tpu.dma_semaphore, #tpu.memory_space<semaphore_mem>>)
      tpu.wait_dma2 semaphore(%run_scoped3A : memref<!tpu.dma_semaphore, #tpu.memory_space<semaphore_mem>>) src(%arg5 : memref<16384xf32, #tpu.memory_space<hbm>>) dst(%arg10 : memref<16384xf32, #tpu.memory_space<vmem>>)
      tpu.yield
    }) : () -> ()
    "tpu.region"() ({
      %run_scoped3A = tpu.sem_alloc : memref<!tpu.dma_semaphore, #tpu.memory_space<semaphore_mem>>
      tpu.enqueue_dma source(%arg6 : memref<128xf32, #tpu.memory_space<hbm>>) target(%arg11 : memref<128xf32, #tpu.memory_space<vmem>>) target_semaphore(%run_scoped3A : memref<!tpu.dma_semaphore, #tpu.memory_space<semaphore_mem>>)
      tpu.wait_dma2 semaphore(%run_scoped3A : memref<!tpu.dma_semaphore, #tpu.memory_space<semaphore_mem>>) src(%arg6 : memref<128xf32, #tpu.memory_space<hbm>>) dst(%arg11 : memref<128xf32, #tpu.memory_space<vmem>>)
      tpu.yield
    }) : () -> ()
    %add3A_1 = arith.constant 0 : i32
    %add3A_2 = vector.broadcast %add3A_1 : i32 to vector<16xi32>
    %add3A_3 = arith.addi %iota3A, %add3A_2 : vector<16xi32>
    %mul3A_4 = arith.constant 128 : i32
    %mul3A_5 = vector.broadcast %mul3A_4 : i32 to vector<16xi32>
    %mul3A_6 = arith.muli %add3A_3, %mul3A_5 : vector<16xi32>
    %add3A_7 = arith.constant 16 : i32
    %add3A_8 = vector.broadcast %add3A_7 : i32 to vector<16xi32>
    %add3A_9 = arith.addi %iota3A, %add3A_8 : vector<16xi32>
    %mul3A_10 = arith.constant 128 : i32
    %mul3A_11 = vector.broadcast %mul3A_10 : i32 to vector<16xi32>
    %mul3A_12 = arith.muli %add3A_9, %mul3A_11 : vector<16xi32>
    %add3A_13 = arith.constant 32 : i32
    %add3A_14 = vector.broadcast %add3A_13 : i32 to vector<16xi32>
    %add3A_15 = arith.addi %iota3A, %add3A_14 : vector<16xi32>
    %mul3A_16 = arith.constant 128 : i32
    %mul3A_17 = vector.broadcast %mul3A_16 : i32 to vector<16xi32>
    %mul3A_18 = arith.muli %add3A_15, %mul3A_17 : vector<16xi32>
    %add3A_19 = arith.constant 48 : i32
    %add3A_20 = vector.broadcast %add3A_19 : i32 to vector<16xi32>
    %add3A_21 = arith.addi %iota3A, %add3A_20 : vector<16xi32>
    %mul3A_22 = arith.constant 128 : i32
    %mul3A_23 = vector.broadcast %mul3A_22 : i32 to vector<16xi32>
    %mul3A_24 = arith.muli %add3A_21, %mul3A_23 : vector<16xi32>
    %add3A_25 = arith.constant 64 : i32
    %add3A_26 = vector.broadcast %add3A_25 : i32 to vector<16xi32>
    %add3A_27 = arith.addi %iota3A, %add3A_26 : vector<16xi32>
    %mul3A_28 = arith.constant 128 : i32
    %mul3A_29 = vector.broadcast %mul3A_28 : i32 to vector<16xi32>
    %mul3A_30 = arith.muli %add3A_27, %mul3A_29 : vector<16xi32>
    %add3A_31 = arith.constant 80 : i32
    %add3A_32 = vector.broadcast %add3A_31 : i32 to vector<16xi32>
    %add3A_33 = arith.addi %iota3A, %add3A_32 : vector<16xi32>
    %mul3A_34 = arith.constant 128 : i32
    %mul3A_35 = vector.broadcast %mul3A_34 : i32 to vector<16xi32>
    %mul3A_36 = arith.muli %add3A_33, %mul3A_35 : vector<16xi32>
    %add3A_37 = arith.constant 96 : i32
    %add3A_38 = vector.broadcast %add3A_37 : i32 to vector<16xi32>
    %add3A_39 = arith.addi %iota3A, %add3A_38 : vector<16xi32>
    %mul3A_40 = arith.constant 128 : i32
    %mul3A_41 = vector.broadcast %mul3A_40 : i32 to vector<16xi32>
    %mul3A_42 = arith.muli %add3A_39, %mul3A_41 : vector<16xi32>
    %add3A_43 = arith.constant 112 : i32
    %add3A_44 = vector.broadcast %add3A_43 : i32 to vector<16xi32>
    %add3A_45 = arith.addi %iota3A, %add3A_44 : vector<16xi32>
    %mul3A_46 = arith.constant 128 : i32
    %mul3A_47 = vector.broadcast %mul3A_46 : i32 to vector<16xi32>
    %mul3A_48 = arith.muli %add3A_45, %mul3A_47 : vector<16xi32>
    %broadcast_in_dim3A = arith.constant 0.000000e+00 : f32
    %broadcast_in_dim3A_49 = vector.broadcast %broadcast_in_dim3A : f32 to vector<16xf32>
    %broadcast_in_dim3A_50 = arith.constant 0.000000e+00 : f32
    %broadcast_in_dim3A_51 = vector.broadcast %broadcast_in_dim3A_50 : f32 to vector<16xf32>
    %broadcast_in_dim3A_52 = arith.constant 0.000000e+00 : f32
    %broadcast_in_dim3A_53 = vector.broadcast %broadcast_in_dim3A_52 : f32 to vector<16xf32>
    %broadcast_in_dim3A_54 = arith.constant 0.000000e+00 : f32
    %broadcast_in_dim3A_55 = vector.broadcast %broadcast_in_dim3A_54 : f32 to vector<16xf32>
    %broadcast_in_dim3A_56 = arith.constant 0.000000e+00 : f32
    %broadcast_in_dim3A_57 = vector.broadcast %broadcast_in_dim3A_56 : f32 to vector<16xf32>
    %broadcast_in_dim3A_58 = arith.constant 0.000000e+00 : f32
    %broadcast_in_dim3A_59 = vector.broadcast %broadcast_in_dim3A_58 : f32 to vector<16xf32>
    %broadcast_in_dim3A_60 = arith.constant 0.000000e+00 : f32
    %broadcast_in_dim3A_61 = vector.broadcast %broadcast_in_dim3A_60 : f32 to vector<16xf32>
    %broadcast_in_dim3A_62 = arith.constant 0.000000e+00 : f32
    %broadcast_in_dim3A_63 = vector.broadcast %broadcast_in_dim3A_62 : f32 to vector<16xf32>
    %scan3A = arith.constant 0 : i32
    %scan3A_64 = arith.constant 128 : i32
    %scan3A_65 = arith.addi %scan3A, %scan3A_64 : i32
    %scan3A_66 = arith.constant 8 : i32
    %scan3A_67:9 = scf.for %scan3A_191 = %scan3A to %scan3A_65 step %scan3A_66 iter_args(%scan3A_192 = %iota3A, %scan3A_193 = %broadcast_in_dim3A_49, %scan3A_194 = %broadcast_in_dim3A_51, %scan3A_195 = %broadcast_in_dim3A_53, %scan3A_196 = %broadcast_in_dim3A_55, %scan3A_197 = %broadcast_in_dim3A_57, %scan3A_198 = %broadcast_in_dim3A_59, %scan3A_199 = %broadcast_in_dim3A_61, %scan3A_200 = %broadcast_in_dim3A_63) -> (vector<16xi32>, vector<16xf32>, vector<16xf32>, vector<16xf32>, vector<16xf32>, vector<16xf32>, vector<16xf32>, vector<16xf32>, vector<16xf32>)  : i32 {
      %gather3A = tpu.vector_load_idx %arg9[%scan3A_192] : memref<128xf32, #tpu.memory_space<vmem>>[vector<16xi32>], vector<16xf32>,
      %add3A_201 = arith.addi %mul3A_6, %scan3A_192 : vector<16xi32>
      %gather3A_202 = tpu.vector_load_idx %arg10[%add3A_201] : memref<16384xf32, #tpu.memory_space<vmem>>[vector<16xi32>], vector<16xf32>,
      %mul3A_203 = arith.mulf %gather3A, %gather3A_202 : vector<16xf32>
      %add3A_204 = arith.addf %scan3A_193, %mul3A_203 : vector<16xf32>
      %add3A_205 = arith.addi %mul3A_12, %scan3A_192 : vector<16xi32>
      %gather3A_206 = tpu.vector_load_idx %arg10[%add3A_205] : memref<16384xf32, #tpu.memory_space<vmem>>[vector<16xi32>], vector<16xf32>,
      %mul3A_207 = arith.mulf %gather3A, %gather3A_206 : vector<16xf32>
      %add3A_208 = arith.addf %scan3A_194, %mul3A_207 : vector<16xf32>
      %add3A_209 = arith.addi %mul3A_18, %scan3A_192 : vector<16xi32>
      %gather3A_210 = tpu.vector_load_idx %arg10[%add3A_209] : memref<16384xf32, #tpu.memory_space<vmem>>[vector<16xi32>], vector<16xf32>,
      %mul3A_211 = arith.mulf %gather3A, %gather3A_210 : vector<16xf32>
      %add3A_212 = arith.addf %scan3A_195, %mul3A_211 : vector<16xf32>
      %add3A_213 = arith.addi %mul3A_24, %scan3A_192 : vector<16xi32>
      %gather3A_214 = tpu.vector_load_idx %arg10[%add3A_213] : memref<16384xf32, #tpu.memory_space<vmem>>[vector<16xi32>], vector<16xf32>,
      %mul3A_215 = arith.mulf %gather3A, %gather3A_214 : vector<16xf32>
      %add3A_216 = arith.addf %scan3A_196, %mul3A_215 : vector<16xf32>
      %add3A_217 = arith.addi %mul3A_30, %scan3A_192 : vector<16xi32>
      %gather3A_218 = tpu.vector_load_idx %arg10[%add3A_217] : memref<16384xf32, #tpu.memory_space<vmem>>[vector<16xi32>], vector<16xf32>,
      %mul3A_219 = arith.mulf %gather3A, %gather3A_218 : vector<16xf32>
      %add3A_220 = arith.addf %scan3A_197, %mul3A_219 : vector<16xf32>
      %add3A_221 = arith.addi %mul3A_36, %scan3A_192 : vector<16xi32>
      %gather3A_222 = tpu.vector_load_idx %arg10[%add3A_221] : memref<16384xf32, #tpu.memory_space<vmem>>[vector<16xi32>], vector<16xf32>,
      %mul3A_223 = arith.mulf %gather3A, %gather3A_222 : vector<16xf32>
      %add3A_224 = arith.addf %scan3A_198, %mul3A_223 : vector<16xf32>
      %add3A_225 = arith.addi %mul3A_42, %scan3A_192 : vector<16xi32>
      %gather3A_226 = tpu.vector_load_idx %arg10[%add3A_225] : memref<16384xf32, #tpu.memory_space<vmem>>[vector<16xi32>], vector<16xf32>,
      %mul3A_227 = arith.mulf %gather3A, %gather3A_226 : vector<16xf32>
      %add3A_228 = arith.addf %scan3A_199, %mul3A_227 : vector<16xf32>
      %add3A_229 = arith.addi %mul3A_48, %scan3A_192 : vector<16xi32>
      %gather3A_230 = tpu.vector_load_idx %arg10[%add3A_229] : memref<16384xf32, #tpu.memory_space<vmem>>[vector<16xi32>], vector<16xf32>,
      %mul3A_231 = arith.mulf %gather3A, %gather3A_230 : vector<16xf32>
      %add3A_232 = arith.addf %scan3A_200, %mul3A_231 : vector<16xf32>
      %add3A_233 = arith.constant 1 : i32
      %add3A_234 = vector.broadcast %add3A_233 : i32 to vector<16xi32>
      %add3A_235 = arith.addi %scan3A_192, %add3A_234 : vector<16xi32>
      %and3A = arith.constant 127 : i32
      %and3A_236 = vector.broadcast %and3A : i32 to vector<16xi32>
      %and3A_237 = arith.andi %add3A_235, %and3A_236 : vector<16xi32>
      %scan3A_238 = arith.constant 1 : i32
      %scan3A_239 = arith.addi %scan3A_191, %scan3A_238 : i32
      %gather3A_240 = tpu.vector_load_idx %arg9[%and3A_237] : memref<128xf32, #tpu.memory_space<vmem>>[vector<16xi32>], vector<16xf32>,
      %add3A_241 = arith.addi %mul3A_6, %and3A_237 : vector<16xi32>
      %gather3A_242 = tpu.vector_load_idx %arg10[%add3A_241] : memref<16384xf32, #tpu.memory_space<vmem>>[vector<16xi32>], vector<16xf32>,
      %mul3A_243 = arith.mulf %gather3A_240, %gather3A_242 : vector<16xf32>
      %add3A_244 = arith.addf %add3A_204, %mul3A_243 : vector<16xf32>
      %add3A_245 = arith.addi %mul3A_12, %and3A_237 : vector<16xi32>
      %gather3A_246 = tpu.vector_load_idx %arg10[%add3A_245] : memref<16384xf32, #tpu.memory_space<vmem>>[vector<16xi32>], vector<16xf32>,
      %mul3A_247 = arith.mulf %gather3A_240, %gather3A_246 : vector<16xf32>
      %add3A_248 = arith.addf %add3A_208, %mul3A_247 : vector<16xf32>
      %add3A_249 = arith.addi %mul3A_18, %and3A_237 : vector<16xi32>
      %gather3A_250 = tpu.vector_load_idx %arg10[%add3A_249] : memref<16384xf32, #tpu.memory_space<vmem>>[vector<16xi32>], vector<16xf32>,
      %mul3A_251 = arith.mulf %gather3A_240, %gather3A_250 : vector<16xf32>
      %add3A_252 = arith.addf %add3A_212, %mul3A_251 : vector<16xf32>
      %add3A_253 = arith.addi %mul3A_24, %and3A_237 : vector<16xi32>
      %gather3A_254 = tpu.vector_load_idx %arg10[%add3A_253] : memref<16384xf32, #tpu.memory_space<vmem>>[vector<16xi32>], vector<16xf32>,
      %mul3A_255 = arith.mulf %gather3A_240, %gather3A_254 : vector<16xf32>
      %add3A_256 = arith.addf %add3A_216, %mul3A_255 : vector<16xf32>
      %add3A_257 = arith.addi %mul3A_30, %and3A_237 : vector<16xi32>
      %gather3A_258 = tpu.vector_load_idx %arg10[%add3A_257] : memref<16384xf32, #tpu.memory_space<vmem>>[vector<16xi32>], vector<16xf32>,
      %mul3A_259 = arith.mulf %gather3A_240, %gather3A_258 : vector<16xf32>
      %add3A_260 = arith.addf %add3A_220, %mul3A_259 : vector<16xf32>
      %add3A_261 = arith.addi %mul3A_36, %and3A_237 : vector<16xi32>
      %gather3A_262 = tpu.vector_load_idx %arg10[%add3A_261] : memref<16384xf32, #tpu.memory_space<vmem>>[vector<16xi32>], vector<16xf32>,
      %mul3A_263 = arith.mulf %gather3A_240, %gather3A_262 : vector<16xf32>
      %add3A_264 = arith.addf %add3A_224, %mul3A_263 : vector<16xf32>
      %add3A_265 = arith.addi %mul3A_42, %and3A_237 : vector<16xi32>
      %gather3A_266 = tpu.vector_load_idx %arg10[%add3A_265] : memref<16384xf32, #tpu.memory_space<vmem>>[vector<16xi32>], vector<16xf32>,
      %mul3A_267 = arith.mulf %gather3A_240, %gather3A_266 : vector<16xf32>
      %add3A_268 = arith.addf %add3A_228, %mul3A_267 : vector<16xf32>
      %add3A_269 = arith.addi %mul3A_48, %and3A_237 : vector<16xi32>
      %gather3A_270 = tpu.vector_load_idx %arg10[%add3A_269] : memref<16384xf32, #tpu.memory_space<vmem>>[vector<16xi32>], vector<16xf32>,
      %mul3A_271 = arith.mulf %gather3A_240, %gather3A_270 : vector<16xf32>
      %add3A_272 = arith.addf %add3A_232, %mul3A_271 : vector<16xf32>
      %add3A_273 = arith.constant 1 : i32
      %add3A_274 = vector.broadcast %add3A_273 : i32 to vector<16xi32>
      %add3A_275 = arith.addi %and3A_237, %add3A_274 : vector<16xi32>
      %and3A_276 = arith.constant 127 : i32
      %and3A_277 = vector.broadcast %and3A_276 : i32 to vector<16xi32>
      %and3A_278 = arith.andi %add3A_275, %and3A_277 : vector<16xi32>
      %scan3A_279 = arith.constant 2 : i32
      %scan3A_280 = arith.addi %scan3A_191, %scan3A_279 : i32
      %gather3A_281 = tpu.vector_load_idx %arg9[%and3A_278] : memref<128xf32, #tpu.memory_space<vmem>>[vector<16xi32>], vector<16xf32>,
      %add3A_282 = arith.addi %mul3A_6, %and3A_278 : vector<16xi32>
      %gather3A_283 = tpu.vector_load_idx %arg10[%add3A_282] : memref<16384xf32, #tpu.memory_space<vmem>>[vector<16xi32>], vector<16xf32>,
      %mul3A_284 = arith.mulf %gather3A_281, %gather3A_283 : vector<16xf32>
      %add3A_285 = arith.addf %add3A_244, %mul3A_284 : vector<16xf32>
      %add3A_286 = arith.addi %mul3A_12, %and3A_278 : vector<16xi32>
      %gather3A_287 = tpu.vector_load_idx %arg10[%add3A_286] : memref<16384xf32, #tpu.memory_space<vmem>>[vector<16xi32>], vector<16xf32>,
      %mul3A_288 = arith.mulf %gather3A_281, %gather3A_287 : vector<16xf32>
      %add3A_289 = arith.addf %add3A_248, %mul3A_288 : vector<16xf32>
      %add3A_290 = arith.addi %mul3A_18, %and3A_278 : vector<16xi32>
      %gather3A_291 = tpu.vector_load_idx %arg10[%add3A_290] : memref<16384xf32, #tpu.memory_space<vmem>>[vector<16xi32>], vector<16xf32>,
      %mul3A_292 = arith.mulf %gather3A_281, %gather3A_291 : vector<16xf32>
      %add3A_293 = arith.addf %add3A_252, %mul3A_292 : vector<16xf32>
      %add3A_294 = arith.addi %mul3A_24, %and3A_278 : vector<16xi32>
      %gather3A_295 = tpu.vector_load_idx %arg10[%add3A_294] : memref<16384xf32, #tpu.memory_space<vmem>>[vector<16xi32>], vector<16xf32>,
      %mul3A_296 = arith.mulf %gather3A_281, %gather3A_295 : vector<16xf32>
      %add3A_297 = arith.addf %add3A_256, %mul3A_296 : vector<16xf32>
      %add3A_298 = arith.addi %mul3A_30, %and3A_278 : vector<16xi32>
      %gather3A_299 = tpu.vector_load_idx %arg10[%add3A_298] : memref<16384xf32, #tpu.memory_space<vmem>>[vector<16xi32>], vector<16xf32>,
      %mul3A_300 = arith.mulf %gather3A_281, %gather3A_299 : vector<16xf32>
      %add3A_301 = arith.addf %add3A_260, %mul3A_300 : vector<16xf32>
      %add3A_302 = arith.addi %mul3A_36, %and3A_278 : vector<16xi32>
      %gather3A_303 = tpu.vector_load_idx %arg10[%add3A_302] : memref<16384xf32, #tpu.memory_space<vmem>>[vector<16xi32>], vector<16xf32>,
      %mul3A_304 = arith.mulf %gather3A_281, %gather3A_303 : vector<16xf32>
      %add3A_305 = arith.addf %add3A_264, %mul3A_304 : vector<16xf32>
      %add3A_306 = arith.addi %mul3A_42, %and3A_278 : vector<16xi32>
      %gather3A_307 = tpu.vector_load_idx %arg10[%add3A_306] : memref<16384xf32, #tpu.memory_space<vmem>>[vector<16xi32>], vector<16xf32>,
      %mul3A_308 = arith.mulf %gather3A_281, %gather3A_307 : vector<16xf32>
      %add3A_309 = arith.addf %add3A_268, %mul3A_308 : vector<16xf32>
      %add3A_310 = arith.addi %mul3A_48, %and3A_278 : vector<16xi32>
      %gather3A_311 = tpu.vector_load_idx %arg10[%add3A_310] : memref<16384xf32, #tpu.memory_space<vmem>>[vector<16xi32>], vector<16xf32>,
      %mul3A_312 = arith.mulf %gather3A_281, %gather3A_311 : vector<16xf32>
      %add3A_313 = arith.addf %add3A_272, %mul3A_312 : vector<16xf32>
      %add3A_314 = arith.constant 1 : i32
      %add3A_315 = vector.broadcast %add3A_314 : i32 to vector<16xi32>
      %add3A_316 = arith.addi %and3A_278, %add3A_315 : vector<16xi32>
      %and3A_317 = arith.constant 127 : i32
      %and3A_318 = vector.broadcast %and3A_317 : i32 to vector<16xi32>
      %and3A_319 = arith.andi %add3A_316, %and3A_318 : vector<16xi32>
      %scan3A_320 = arith.constant 3 : i32
      %scan3A_321 = arith.addi %scan3A_191, %scan3A_320 : i32
      %gather3A_322 = tpu.vector_load_idx %arg9[%and3A_319] : memref<128xf32, #tpu.memory_space<vmem>>[vector<16xi32>], vector<16xf32>,
      %add3A_323 = arith.addi %mul3A_6, %and3A_319 : vector<16xi32>
      %gather3A_324 = tpu.vector_load_idx %arg10[%add3A_323] : memref<16384xf32, #tpu.memory_space<vmem>>[vector<16xi32>], vector<16xf32>,
      %mul3A_325 = arith.mulf %gather3A_322, %gather3A_324 : vector<16xf32>
      %add3A_326 = arith.addf %add3A_285, %mul3A_325 : vector<16xf32>
      %add3A_327 = arith.addi %mul3A_12, %and3A_319 : vector<16xi32>
      %gather3A_328 = tpu.vector_load_idx %arg10[%add3A_327] : memref<16384xf32, #tpu.memory_space<vmem>>[vector<16xi32>], vector<16xf32>,
      %mul3A_329 = arith.mulf %gather3A_322, %gather3A_328 : vector<16xf32>
      %add3A_330 = arith.addf %add3A_289, %mul3A_329 : vector<16xf32>
      %add3A_331 = arith.addi %mul3A_18, %and3A_319 : vector<16xi32>
      %gather3A_332 = tpu.vector_load_idx %arg10[%add3A_331] : memref<16384xf32, #tpu.memory_space<vmem>>[vector<16xi32>], vector<16xf32>,
      %mul3A_333 = arith.mulf %gather3A_322, %gather3A_332 : vector<16xf32>
      %add3A_334 = arith.addf %add3A_293, %mul3A_333 : vector<16xf32>
      %add3A_335 = arith.addi %mul3A_24, %and3A_319 : vector<16xi32>
      %gather3A_336 = tpu.vector_load_idx %arg10[%add3A_335] : memref<16384xf32, #tpu.memory_space<vmem>>[vector<16xi32>], vector<16xf32>,
      %mul3A_337 = arith.mulf %gather3A_322, %gather3A_336 : vector<16xf32>
      %add3A_338 = arith.addf %add3A_297, %mul3A_337 : vector<16xf32>
      %add3A_339 = arith.addi %mul3A_30, %and3A_319 : vector<16xi32>
      %gather3A_340 = tpu.vector_load_idx %arg10[%add3A_339] : memref<16384xf32, #tpu.memory_space<vmem>>[vector<16xi32>], vector<16xf32>,
      %mul3A_341 = arith.mulf %gather3A_322, %gather3A_340 : vector<16xf32>
      %add3A_342 = arith.addf %add3A_301, %mul3A_341 : vector<16xf32>
      %add3A_343 = arith.addi %mul3A_36, %and3A_319 : vector<16xi32>
      %gather3A_344 = tpu.vector_load_idx %arg10[%add3A_343] : memref<16384xf32, #tpu.memory_space<vmem>>[vector<16xi32>], vector<16xf32>,
      %mul3A_345 = arith.mulf %gather3A_322, %gather3A_344 : vector<16xf32>
      %add3A_346 = arith.addf %add3A_305, %mul3A_345 : vector<16xf32>
      %add3A_347 = arith.addi %mul3A_42, %and3A_319 : vector<16xi32>
      %gather3A_348 = tpu.vector_load_idx %arg10[%add3A_347] : memref<16384xf32, #tpu.memory_space<vmem>>[vector<16xi32>], vector<16xf32>,
      %mul3A_349 = arith.mulf %gather3A_322, %gather3A_348 : vector<16xf32>
      %add3A_350 = arith.addf %add3A_309, %mul3A_349 : vector<16xf32>
      %add3A_351 = arith.addi %mul3A_48, %and3A_319 : vector<16xi32>
      %gather3A_352 = tpu.vector_load_idx %arg10[%add3A_351] : memref<16384xf32, #tpu.memory_space<vmem>>[vector<16xi32>], vector<16xf32>,
      %mul3A_353 = arith.mulf %gather3A_322, %gather3A_352 : vector<16xf32>
      %add3A_354 = arith.addf %add3A_313, %mul3A_353 : vector<16xf32>
      %add3A_355 = arith.constant 1 : i32
      %add3A_356 = vector.broadcast %add3A_355 : i32 to vector<16xi32>
      %add3A_357 = arith.addi %and3A_319, %add3A_356 : vector<16xi32>
      %and3A_358 = arith.constant 127 : i32
      %and3A_359 = vector.broadcast %and3A_358 : i32 to vector<16xi32>
      %and3A_360 = arith.andi %add3A_357, %and3A_359 : vector<16xi32>
      %scan3A_361 = arith.constant 4 : i32
      %scan3A_362 = arith.addi %scan3A_191, %scan3A_361 : i32
      %gather3A_363 = tpu.vector_load_idx %arg9[%and3A_360] : memref<128xf32, #tpu.memory_space<vmem>>[vector<16xi32>], vector<16xf32>,
      %add3A_364 = arith.addi %mul3A_6, %and3A_360 : vector<16xi32>
      %gather3A_365 = tpu.vector_load_idx %arg10[%add3A_364] : memref<16384xf32, #tpu.memory_space<vmem>>[vector<16xi32>], vector<16xf32>,
      %mul3A_366 = arith.mulf %gather3A_363, %gather3A_365 : vector<16xf32>
      %add3A_367 = arith.addf %add3A_326, %mul3A_366 : vector<16xf32>
      %add3A_368 = arith.addi %mul3A_12, %and3A_360 : vector<16xi32>
      %gather3A_369 = tpu.vector_load_idx %arg10[%add3A_368] : memref<16384xf32, #tpu.memory_space<vmem>>[vector<16xi32>], vector<16xf32>,
      %mul3A_370 = arith.mulf %gather3A_363, %gather3A_369 : vector<16xf32>
      %add3A_371 = arith.addf %add3A_330, %mul3A_370 : vector<16xf32>
      %add3A_372 = arith.addi %mul3A_18, %and3A_360 : vector<16xi32>
      %gather3A_373 = tpu.vector_load_idx %arg10[%add3A_372] : memref<16384xf32, #tpu.memory_space<vmem>>[vector<16xi32>], vector<16xf32>,
      %mul3A_374 = arith.mulf %gather3A_363, %gather3A_373 : vector<16xf32>
      %add3A_375 = arith.addf %add3A_334, %mul3A_374 : vector<16xf32>
      %add3A_376 = arith.addi %mul3A_24, %and3A_360 : vector<16xi32>
      %gather3A_377 = tpu.vector_load_idx %arg10[%add3A_376] : memref<16384xf32, #tpu.memory_space<vmem>>[vector<16xi32>], vector<16xf32>,
      %mul3A_378 = arith.mulf %gather3A_363, %gather3A_377 : vector<16xf32>
      %add3A_379 = arith.addf %add3A_338, %mul3A_378 : vector<16xf32>
      %add3A_380 = arith.addi %mul3A_30, %and3A_360 : vector<16xi32>
      %gather3A_381 = tpu.vector_load_idx %arg10[%add3A_380] : memref<16384xf32, #tpu.memory_space<vmem>>[vector<16xi32>], vector<16xf32>,
      %mul3A_382 = arith.mulf %gather3A_363, %gather3A_381 : vector<16xf32>
      %add3A_383 = arith.addf %add3A_342, %mul3A_382 : vector<16xf32>
      %add3A_384 = arith.addi %mul3A_36, %and3A_360 : vector<16xi32>
      %gather3A_385 = tpu.vector_load_idx %arg10[%add3A_384] : memref<16384xf32, #tpu.memory_space<vmem>>[vector<16xi32>], vector<16xf32>,
      %mul3A_386 = arith.mulf %gather3A_363, %gather3A_385 : vector<16xf32>
      %add3A_387 = arith.addf %add3A_346, %mul3A_386 : vector<16xf32>
      %add3A_388 = arith.addi %mul3A_42, %and3A_360 : vector<16xi32>
      %gather3A_389 = tpu.vector_load_idx %arg10[%add3A_388] : memref<16384xf32, #tpu.memory_space<vmem>>[vector<16xi32>], vector<16xf32>,
      %mul3A_390 = arith.mulf %gather3A_363, %gather3A_389 : vector<16xf32>
      %add3A_391 = arith.addf %add3A_350, %mul3A_390 : vector<16xf32>
      %add3A_392 = arith.addi %mul3A_48, %and3A_360 : vector<16xi32>
      %gather3A_393 = tpu.vector_load_idx %arg10[%add3A_392] : memref<16384xf32, #tpu.memory_space<vmem>>[vector<16xi32>], vector<16xf32>,
      %mul3A_394 = arith.mulf %gather3A_363, %gather3A_393 : vector<16xf32>
      %add3A_395 = arith.addf %add3A_354, %mul3A_394 : vector<16xf32>
      %add3A_396 = arith.constant 1 : i32
      %add3A_397 = vector.broadcast %add3A_396 : i32 to vector<16xi32>
      %add3A_398 = arith.addi %and3A_360, %add3A_397 : vector<16xi32>
      %and3A_399 = arith.constant 127 : i32
      %and3A_400 = vector.broadcast %and3A_399 : i32 to vector<16xi32>
      %and3A_401 = arith.andi %add3A_398, %and3A_400 : vector<16xi32>
      %scan3A_402 = arith.constant 5 : i32
      %scan3A_403 = arith.addi %scan3A_191, %scan3A_402 : i32
      %gather3A_404 = tpu.vector_load_idx %arg9[%and3A_401] : memref<128xf32, #tpu.memory_space<vmem>>[vector<16xi32>], vector<16xf32>,
      %add3A_405 = arith.addi %mul3A_6, %and3A_401 : vector<16xi32>
      %gather3A_406 = tpu.vector_load_idx %arg10[%add3A_405] : memref<16384xf32, #tpu.memory_space<vmem>>[vector<16xi32>], vector<16xf32>,
      %mul3A_407 = arith.mulf %gather3A_404, %gather3A_406 : vector<16xf32>
      %add3A_408 = arith.addf %add3A_367, %mul3A_407 : vector<16xf32>
      %add3A_409 = arith.addi %mul3A_12, %and3A_401 : vector<16xi32>
      %gather3A_410 = tpu.vector_load_idx %arg10[%add3A_409] : memref<16384xf32, #tpu.memory_space<vmem>>[vector<16xi32>], vector<16xf32>,
      %mul3A_411 = arith.mulf %gather3A_404, %gather3A_410 : vector<16xf32>
      %add3A_412 = arith.addf %add3A_371, %mul3A_411 : vector<16xf32>
      %add3A_413 = arith.addi %mul3A_18, %and3A_401 : vector<16xi32>
      %gather3A_414 = tpu.vector_load_idx %arg10[%add3A_413] : memref<16384xf32, #tpu.memory_space<vmem>>[vector<16xi32>], vector<16xf32>,
      %mul3A_415 = arith.mulf %gather3A_404, %gather3A_414 : vector<16xf32>
      %add3A_416 = arith.addf %add3A_375, %mul3A_415 : vector<16xf32>
      %add3A_417 = arith.addi %mul3A_24, %and3A_401 : vector<16xi32>
      %gather3A_418 = tpu.vector_load_idx %arg10[%add3A_417] : memref<16384xf32, #tpu.memory_space<vmem>>[vector<16xi32>], vector<16xf32>,
      %mul3A_419 = arith.mulf %gather3A_404, %gather3A_418 : vector<16xf32>
      %add3A_420 = arith.addf %add3A_379, %mul3A_419 : vector<16xf32>
      %add3A_421 = arith.addi %mul3A_30, %and3A_401 : vector<16xi32>
      %gather3A_422 = tpu.vector_load_idx %arg10[%add3A_421] : memref<16384xf32, #tpu.memory_space<vmem>>[vector<16xi32>], vector<16xf32>,
      %mul3A_423 = arith.mulf %gather3A_404, %gather3A_422 : vector<16xf32>
      %add3A_424 = arith.addf %add3A_383, %mul3A_423 : vector<16xf32>
      %add3A_425 = arith.addi %mul3A_36, %and3A_401 : vector<16xi32>
      %gather3A_426 = tpu.vector_load_idx %arg10[%add3A_425] : memref<16384xf32, #tpu.memory_space<vmem>>[vector<16xi32>], vector<16xf32>,
      %mul3A_427 = arith.mulf %gather3A_404, %gather3A_426 : vector<16xf32>
      %add3A_428 = arith.addf %add3A_387, %mul3A_427 : vector<16xf32>
      %add3A_429 = arith.addi %mul3A_42, %and3A_401 : vector<16xi32>
      %gather3A_430 = tpu.vector_load_idx %arg10[%add3A_429] : memref<16384xf32, #tpu.memory_space<vmem>>[vector<16xi32>], vector<16xf32>,
      %mul3A_431 = arith.mulf %gather3A_404, %gather3A_430 : vector<16xf32>
      %add3A_432 = arith.addf %add3A_391, %mul3A_431 : vector<16xf32>
      %add3A_433 = arith.addi %mul3A_48, %and3A_401 : vector<16xi32>
      %gather3A_434 = tpu.vector_load_idx %arg10[%add3A_433] : memref<16384xf32, #tpu.memory_space<vmem>>[vector<16xi32>], vector<16xf32>,
      %mul3A_435 = arith.mulf %gather3A_404, %gather3A_434 : vector<16xf32>
      %add3A_436 = arith.addf %add3A_395, %mul3A_435 : vector<16xf32>
      %add3A_437 = arith.constant 1 : i32
      %add3A_438 = vector.broadcast %add3A_437 : i32 to vector<16xi32>
      %add3A_439 = arith.addi %and3A_401, %add3A_438 : vector<16xi32>
      %and3A_440 = arith.constant 127 : i32
      %and3A_441 = vector.broadcast %and3A_440 : i32 to vector<16xi32>
      %and3A_442 = arith.andi %add3A_439, %and3A_441 : vector<16xi32>
      %scan3A_443 = arith.constant 6 : i32
      %scan3A_444 = arith.addi %scan3A_191, %scan3A_443 : i32
      %gather3A_445 = tpu.vector_load_idx %arg9[%and3A_442] : memref<128xf32, #tpu.memory_space<vmem>>[vector<16xi32>], vector<16xf32>,
      %add3A_446 = arith.addi %mul3A_6, %and3A_442 : vector<16xi32>
      %gather3A_447 = tpu.vector_load_idx %arg10[%add3A_446] : memref<16384xf32, #tpu.memory_space<vmem>>[vector<16xi32>], vector<16xf32>,
      %mul3A_448 = arith.mulf %gather3A_445, %gather3A_447 : vector<16xf32>
      %add3A_449 = arith.addf %add3A_408, %mul3A_448 : vector<16xf32>
      %add3A_450 = arith.addi %mul3A_12, %and3A_442 : vector<16xi32>
      %gather3A_451 = tpu.vector_load_idx %arg10[%add3A_450] : memref<16384xf32, #tpu.memory_space<vmem>>[vector<16xi32>], vector<16xf32>,
      %mul3A_452 = arith.mulf %gather3A_445, %gather3A_451 : vector<16xf32>
      %add3A_453 = arith.addf %add3A_412, %mul3A_452 : vector<16xf32>
      %add3A_454 = arith.addi %mul3A_18, %and3A_442 : vector<16xi32>
      %gather3A_455 = tpu.vector_load_idx %arg10[%add3A_454] : memref<16384xf32, #tpu.memory_space<vmem>>[vector<16xi32>], vector<16xf32>,
      %mul3A_456 = arith.mulf %gather3A_445, %gather3A_455 : vector<16xf32>
      %add3A_457 = arith.addf %add3A_416, %mul3A_456 : vector<16xf32>
      %add3A_458 = arith.addi %mul3A_24, %and3A_442 : vector<16xi32>
      %gather3A_459 = tpu.vector_load_idx %arg10[%add3A_458] : memref<16384xf32, #tpu.memory_space<vmem>>[vector<16xi32>], vector<16xf32>,
      %mul3A_460 = arith.mulf %gather3A_445, %gather3A_459 : vector<16xf32>
      %add3A_461 = arith.addf %add3A_420, %mul3A_460 : vector<16xf32>
      %add3A_462 = arith.addi %mul3A_30, %and3A_442 : vector<16xi32>
      %gather3A_463 = tpu.vector_load_idx %arg10[%add3A_462] : memref<16384xf32, #tpu.memory_space<vmem>>[vector<16xi32>], vector<16xf32>,
      %mul3A_464 = arith.mulf %gather3A_445, %gather3A_463 : vector<16xf32>
      %add3A_465 = arith.addf %add3A_424, %mul3A_464 : vector<16xf32>
      %add3A_466 = arith.addi %mul3A_36, %and3A_442 : vector<16xi32>
      %gather3A_467 = tpu.vector_load_idx %arg10[%add3A_466] : memref<16384xf32, #tpu.memory_space<vmem>>[vector<16xi32>], vector<16xf32>,
      %mul3A_468 = arith.mulf %gather3A_445, %gather3A_467 : vector<16xf32>
      %add3A_469 = arith.addf %add3A_428, %mul3A_468 : vector<16xf32>
      %add3A_470 = arith.addi %mul3A_42, %and3A_442 : vector<16xi32>
      %gather3A_471 = tpu.vector_load_idx %arg10[%add3A_470] : memref<16384xf32, #tpu.memory_space<vmem>>[vector<16xi32>], vector<16xf32>,
      %mul3A_472 = arith.mulf %gather3A_445, %gather3A_471 : vector<16xf32>
      %add3A_473 = arith.addf %add3A_432, %mul3A_472 : vector<16xf32>
      %add3A_474 = arith.addi %mul3A_48, %and3A_442 : vector<16xi32>
      %gather3A_475 = tpu.vector_load_idx %arg10[%add3A_474] : memref<16384xf32, #tpu.memory_space<vmem>>[vector<16xi32>], vector<16xf32>,
      %mul3A_476 = arith.mulf %gather3A_445, %gather3A_475 : vector<16xf32>
      %add3A_477 = arith.addf %add3A_436, %mul3A_476 : vector<16xf32>
      %add3A_478 = arith.constant 1 : i32
      %add3A_479 = vector.broadcast %add3A_478 : i32 to vector<16xi32>
      %add3A_480 = arith.addi %and3A_442, %add3A_479 : vector<16xi32>
      %and3A_481 = arith.constant 127 : i32
      %and3A_482 = vector.broadcast %and3A_481 : i32 to vector<16xi32>
      %and3A_483 = arith.andi %add3A_480, %and3A_482 : vector<16xi32>
      %scan3A_484 = arith.constant 7 : i32
      %scan3A_485 = arith.addi %scan3A_191, %scan3A_484 : i32
      %gather3A_486 = tpu.vector_load_idx %arg9[%and3A_483] : memref<128xf32, #tpu.memory_space<vmem>>[vector<16xi32>], vector<16xf32>,
      %add3A_487 = arith.addi %mul3A_6, %and3A_483 : vector<16xi32>
      %gather3A_488 = tpu.vector_load_idx %arg10[%add3A_487] : memref<16384xf32, #tpu.memory_space<vmem>>[vector<16xi32>], vector<16xf32>,
      %mul3A_489 = arith.mulf %gather3A_486, %gather3A_488 : vector<16xf32>
      %add3A_490 = arith.addf %add3A_449, %mul3A_489 : vector<16xf32>
      %add3A_491 = arith.addi %mul3A_12, %and3A_483 : vector<16xi32>
      %gather3A_492 = tpu.vector_load_idx %arg10[%add3A_491] : memref<16384xf32, #tpu.memory_space<vmem>>[vector<16xi32>], vector<16xf32>,
      %mul3A_493 = arith.mulf %gather3A_486, %gather3A_492 : vector<16xf32>
      %add3A_494 = arith.addf %add3A_453, %mul3A_493 : vector<16xf32>
      %add3A_495 = arith.addi %mul3A_18, %and3A_483 : vector<16xi32>
      %gather3A_496 = tpu.vector_load_idx %arg10[%add3A_495] : memref<16384xf32, #tpu.memory_space<vmem>>[vector<16xi32>], vector<16xf32>,
      %mul3A_497 = arith.mulf %gather3A_486, %gather3A_496 : vector<16xf32>
      %add3A_498 = arith.addf %add3A_457, %mul3A_497 : vector<16xf32>
      %add3A_499 = arith.addi %mul3A_24, %and3A_483 : vector<16xi32>
      %gather3A_500 = tpu.vector_load_idx %arg10[%add3A_499] : memref<16384xf32, #tpu.memory_space<vmem>>[vector<16xi32>], vector<16xf32>,
      %mul3A_501 = arith.mulf %gather3A_486, %gather3A_500 : vector<16xf32>
      %add3A_502 = arith.addf %add3A_461, %mul3A_501 : vector<16xf32>
      %add3A_503 = arith.addi %mul3A_30, %and3A_483 : vector<16xi32>
      %gather3A_504 = tpu.vector_load_idx %arg10[%add3A_503] : memref<16384xf32, #tpu.memory_space<vmem>>[vector<16xi32>], vector<16xf32>,
      %mul3A_505 = arith.mulf %gather3A_486, %gather3A_504 : vector<16xf32>
      %add3A_506 = arith.addf %add3A_465, %mul3A_505 : vector<16xf32>
      %add3A_507 = arith.addi %mul3A_36, %and3A_483 : vector<16xi32>
      %gather3A_508 = tpu.vector_load_idx %arg10[%add3A_507] : memref<16384xf32, #tpu.memory_space<vmem>>[vector<16xi32>], vector<16xf32>,
      %mul3A_509 = arith.mulf %gather3A_486, %gather3A_508 : vector<16xf32>
      %add3A_510 = arith.addf %add3A_469, %mul3A_509 : vector<16xf32>
      %add3A_511 = arith.addi %mul3A_42, %and3A_483 : vector<16xi32>
      %gather3A_512 = tpu.vector_load_idx %arg10[%add3A_511] : memref<16384xf32, #tpu.memory_space<vmem>>[vector<16xi32>], vector<16xf32>,
      %mul3A_513 = arith.mulf %gather3A_486, %gather3A_512 : vector<16xf32>
      %add3A_514 = arith.addf %add3A_473, %mul3A_513 : vector<16xf32>
      %add3A_515 = arith.addi %mul3A_48, %and3A_483 : vector<16xi32>
      %gather3A_516 = tpu.vector_load_idx %arg10[%add3A_515] : memref<16384xf32, #tpu.memory_space<vmem>>[vector<16xi32>], vector<16xf32>,
      %mul3A_517 = arith.mulf %gather3A_486, %gather3A_516 : vector<16xf32>
      %add3A_518 = arith.addf %add3A_477, %mul3A_517 : vector<16xf32>
      %add3A_519 = arith.constant 1 : i32
      %add3A_520 = vector.broadcast %add3A_519 : i32 to vector<16xi32>
      %add3A_521 = arith.addi %and3A_483, %add3A_520 : vector<16xi32>
      %and3A_522 = arith.constant 127 : i32
      %and3A_523 = vector.broadcast %and3A_522 : i32 to vector<16xi32>
      %and3A_524 = arith.andi %add3A_521, %and3A_523 : vector<16xi32>
      scf.yield %and3A_524, %add3A_490, %add3A_494, %add3A_498, %add3A_502, %add3A_506, %add3A_510, %add3A_514, %add3A_518 : vector<16xi32>, vector<16xf32>, vector<16xf32>, vector<16xf32>, vector<16xf32>, vector<16xf32>, vector<16xf32>, vector<16xf32>, vector<16xf32>
    }
    %scan3A_68 = arith.constant 128 : i32
    %get3A = arith.constant 0 : index
    %get3A_69 = tpu.vector_load %arg11[%get3A] {strides = array<i32>} : memref<128xf32, #tpu.memory_space<vmem>>, vector<16xf32>,
    %add3A_70 = arith.addf %scan3A_67#1, %get3A_69 : vector<16xf32>
    %swap3A = arith.constant 0 : index
    %swap3A_71 = tpu.vector_load %arg12[%swap3A] {strides = array<i32>} : memref<128xf32, #tpu.memory_space<vmem>>, vector<16xf32>,
    tpu.vector_store %arg12[%swap3A], %add3A_70 {strides = array<i32>} : memref<128xf32, #tpu.memory_space<vmem>>, vector<16xf32>,
    %get3A_72 = arith.constant 16 : index
    %get3A_73 = tpu.vector_load %arg11[%get3A_72] {strides = array<i32>} : memref<128xf32, #tpu.memory_space<vmem>>, vector<16xf32>,
    %add3A_74 = arith.addf %scan3A_67#2, %get3A_73 : vector<16xf32>
    %swap3A_75 = arith.constant 16 : index
    %swap3A_76 = tpu.vector_load %arg12[%swap3A_75] {strides = array<i32>} : memref<128xf32, #tpu.memory_space<vmem>>, vector<16xf32>,
    tpu.vector_store %arg12[%swap3A_75], %add3A_74 {strides = array<i32>} : memref<128xf32, #tpu.memory_space<vmem>>, vector<16xf32>,
    %get3A_77 = arith.constant 32 : index
    %get3A_78 = tpu.vector_load %arg11[%get3A_77] {strides = array<i32>} : memref<128xf32, #tpu.memory_space<vmem>>, vector<16xf32>,
    %add3A_79 = arith.addf %scan3A_67#3, %get3A_78 : vector<16xf32>
    %swap3A_80 = arith.constant 32 : index
    %swap3A_81 = tpu.vector_load %arg12[%swap3A_80] {strides = array<i32>} : memref<128xf32, #tpu.memory_space<vmem>>, vector<16xf32>,
    tpu.vector_store %arg12[%swap3A_80], %add3A_79 {strides = array<i32>} : memref<128xf32, #tpu.memory_space<vmem>>, vector<16xf32>,
    %get3A_82 = arith.constant 48 : index
    %get3A_83 = tpu.vector_load %arg11[%get3A_82] {strides = array<i32>} : memref<128xf32, #tpu.memory_space<vmem>>, vector<16xf32>,
    %add3A_84 = arith.addf %scan3A_67#4, %get3A_83 : vector<16xf32>
    %swap3A_85 = arith.constant 48 : index
    %swap3A_86 = tpu.vector_load %arg12[%swap3A_85] {strides = array<i32>} : memref<128xf32, #tpu.memory_space<vmem>>, vector<16xf32>,
    tpu.vector_store %arg12[%swap3A_85], %add3A_84 {strides = array<i32>} : memref<128xf32, #tpu.memory_space<vmem>>, vector<16xf32>,
    %get3A_87 = arith.constant 64 : index
    %get3A_88 = tpu.vector_load %arg11[%get3A_87] {strides = array<i32>} : memref<128xf32, #tpu.memory_space<vmem>>, vector<16xf32>,
    %add3A_89 = arith.addf %scan3A_67#5, %get3A_88 : vector<16xf32>
    %swap3A_90 = arith.constant 64 : index
    %swap3A_91 = tpu.vector_load %arg12[%swap3A_90] {strides = array<i32>} : memref<128xf32, #tpu.memory_space<vmem>>, vector<16xf32>,
    tpu.vector_store %arg12[%swap3A_90], %add3A_89 {strides = array<i32>} : memref<128xf32, #tpu.memory_space<vmem>>, vector<16xf32>,
    %get3A_92 = arith.constant 80 : index
    %get3A_93 = tpu.vector_load %arg11[%get3A_92] {strides = array<i32>} : memref<128xf32, #tpu.memory_space<vmem>>, vector<16xf32>,
    %add3A_94 = arith.addf %scan3A_67#6, %get3A_93 : vector<16xf32>
    %swap3A_95 = arith.constant 80 : index
    %swap3A_96 = tpu.vector_load %arg12[%swap3A_95] {strides = array<i32>} : memref<128xf32, #tpu.memory_space<vmem>>, vector<16xf32>,
    tpu.vector_store %arg12[%swap3A_95], %add3A_94 {strides = array<i32>} : memref<128xf32, #tpu.memory_space<vmem>>, vector<16xf32>,
    %get3A_97 = arith.constant 96 : index
    %get3A_98 = tpu.vector_load %arg11[%get3A_97] {strides = array<i32>} : memref<128xf32, #tpu.memory_space<vmem>>, vector<16xf32>,
    %add3A_99 = arith.addf %scan3A_67#7, %get3A_98 : vector<16xf32>
    %swap3A_100 = arith.constant 96 : index
    %swap3A_101 = tpu.vector_load %arg12[%swap3A_100] {strides = array<i32>} : memref<128xf32, #tpu.memory_space<vmem>>, vector<16xf32>,
    tpu.vector_store %arg12[%swap3A_100], %add3A_99 {strides = array<i32>} : memref<128xf32, #tpu.memory_space<vmem>>, vector<16xf32>,
    %get3A_102 = arith.constant 112 : index
    %get3A_103 = tpu.vector_load %arg11[%get3A_102] {strides = array<i32>} : memref<128xf32, #tpu.memory_space<vmem>>, vector<16xf32>,
    %add3A_104 = arith.addf %scan3A_67#8, %get3A_103 : vector<16xf32>
    %swap3A_105 = arith.constant 112 : index
    %swap3A_106 = tpu.vector_load %arg12[%swap3A_105] {strides = array<i32>} : memref<128xf32, #tpu.memory_space<vmem>>, vector<16xf32>,
    tpu.vector_store %arg12[%swap3A_105], %add3A_104 {strides = array<i32>} : memref<128xf32, #tpu.memory_space<vmem>>, vector<16xf32>,
    %broadcast_in_dim3A_107 = arith.constant 0xFF800000 : f32
    %broadcast_in_dim3A_108 = vector.broadcast %broadcast_in_dim3A_107 : f32 to vector<16xf32>
    %swap3A_109 = arith.constant 0 : index
    %swap3A_110 = tpu.vector_load %arg17[%swap3A_109] {strides = array<i32>} : memref<16xf32, #tpu.memory_space<vmem>>, vector<16xf32>,
    tpu.vector_store %arg17[%swap3A_109], %broadcast_in_dim3A_108 {strides = array<i32>} : memref<16xf32, #tpu.memory_space<vmem>>, vector<16xf32>,
    %broadcast_in_dim3A_111 = arith.constant 0 : i32
    %broadcast_in_dim3A_112 = vector.broadcast %broadcast_in_dim3A_111 : i32 to vector<16xi32>
    %swap3A_113 = arith.constant 0 : index
    %swap3A_114 = tpu.vector_load %arg18[%swap3A_113] {strides = array<i32>} : memref<16xi32, #tpu.memory_space<vmem>>, vector<16xi32>,
    tpu.vector_store %arg18[%swap3A_113], %broadcast_in_dim3A_112 {strides = array<i32>} : memref<16xi32, #tpu.memory_space<vmem>>, vector<16xi32>,
    %add3A_115 = arith.constant 0 : i32
    %add3A_116 = vector.broadcast %add3A_115 : i32 to vector<16xi32>
    %add3A_117 = arith.addi %iota3A, %add3A_116 : vector<16xi32>
    %mul3A_118 = arith.constant 128 : i32
    %mul3A_119 = vector.broadcast %mul3A_118 : i32 to vector<16xi32>
    %mul3A_120 = arith.muli %add3A_117, %mul3A_119 : vector<16xi32>
    %add3A_121 = arith.constant 16 : i32
    %add3A_122 = vector.broadcast %add3A_121 : i32 to vector<16xi32>
    %add3A_123 = arith.addi %iota3A, %add3A_122 : vector<16xi32>
    %mul3A_124 = arith.constant 128 : i32
    %mul3A_125 = vector.broadcast %mul3A_124 : i32 to vector<16xi32>
    %mul3A_126 = arith.muli %add3A_123, %mul3A_125 : vector<16xi32>
    %add3A_127 = arith.constant 32 : i32
    %add3A_128 = vector.broadcast %add3A_127 : i32 to vector<16xi32>
    %add3A_129 = arith.addi %iota3A, %add3A_128 : vector<16xi32>
    %mul3A_130 = arith.constant 128 : i32
    %mul3A_131 = vector.broadcast %mul3A_130 : i32 to vector<16xi32>
    %mul3A_132 = arith.muli %add3A_129, %mul3A_131 : vector<16xi32>
    %add3A_133 = arith.constant 48 : i32
    %add3A_134 = vector.broadcast %add3A_133 : i32 to vector<16xi32>
    %add3A_135 = arith.addi %iota3A, %add3A_134 : vector<16xi32>
    %mul3A_136 = arith.constant 128 : i32
    %mul3A_137 = vector.broadcast %mul3A_136 : i32 to vector<16xi32>
    %mul3A_138 = arith.muli %add3A_135, %mul3A_137 : vector<16xi32>
    %add3A_139 = arith.constant 64 : i32
    %add3A_140 = vector.broadcast %add3A_139 : i32 to vector<16xi32>
    %add3A_141 = arith.addi %iota3A, %add3A_140 : vector<16xi32>
    %mul3A_142 = arith.constant 128 : i32
    %mul3A_143 = vector.broadcast %mul3A_142 : i32 to vector<16xi32>
    %mul3A_144 = arith.muli %add3A_141, %mul3A_143 : vector<16xi32>
    %add3A_145 = arith.constant 80 : i32
    %add3A_146 = vector.broadcast %add3A_145 : i32 to vector<16xi32>
    %add3A_147 = arith.addi %iota3A, %add3A_146 : vector<16xi32>
    %mul3A_148 = arith.constant 128 : i32
    %mul3A_149 = vector.broadcast %mul3A_148 : i32 to vector<16xi32>
    %mul3A_150 = arith.muli %add3A_147, %mul3A_149 : vector<16xi32>
    %add3A_151 = arith.constant 96 : i32
    %add3A_152 = vector.broadcast %add3A_151 : i32 to vector<16xi32>
    %add3A_153 = arith.addi %iota3A, %add3A_152 : vector<16xi32>
    %mul3A_154 = arith.constant 128 : i32
    %mul3A_155 = vector.broadcast %mul3A_154 : i32 to vector<16xi32>
    %mul3A_156 = arith.muli %add3A_153, %mul3A_155 : vector<16xi32>
    %add3A_157 = arith.constant 112 : i32
    %add3A_158 = vector.broadcast %add3A_157 : i32 to vector<16xi32>
    %add3A_159 = arith.addi %iota3A, %add3A_158 : vector<16xi32>
    %mul3A_160 = arith.constant 128 : i32
    %mul3A_161 = vector.broadcast %mul3A_160 : i32 to vector<16xi32>
    %mul3A_162 = arith.muli %add3A_159, %mul3A_161 : vector<16xi32>
    %add3A_163 = arith.constant 128 : i32
    %add3A_164 = vector.broadcast %add3A_163 : i32 to vector<16xi32>
    %add3A_165 = arith.addi %iota3A, %add3A_164 : vector<16xi32>
    %mul3A_166 = arith.constant 128 : i32
    %mul3A_167 = vector.broadcast %mul3A_166 : i32 to vector<16xi32>
    %mul3A_168 = arith.muli %add3A_165, %mul3A_167 : vector<16xi32>
    %add3A_169 = arith.constant 144 : i32
    %add3A_170 = vector.broadcast %add3A_169 : i32 to vector<16xi32>
    %add3A_171 = arith.addi %iota3A, %add3A_170 : vector<16xi32>
    %mul3A_172 = arith.constant 128 : i32
    %mul3A_173 = vector.broadcast %mul3A_172 : i32 to vector<16xi32>
    %mul3A_174 = arith.muli %add3A_171, %mul3A_173 : vector<16xi32>
    %lt3A = arith.constant 113 : i32
    %lt3A_175 = arith.cmpi slt, %add3A, %lt3A : i32
    %convert_element_type3A = arith.extui %lt3A_175 : i1 to i32
    %cond3A = arith.constant 0 : i32
    %cond3A_176 = arith.cmpi ne, %convert_element_type3A, %cond3A : i32
    scf.if %cond3A_176 {
      %mul3A_191 = arith.constant 160 : i32
      %mul3A_192 = arith.muli %add3A, %mul3A_191 : i32
      %add3A_193 = arith.constant 81920 : i32
      %add3A_194 = arith.addi %add3A_193, %mul3A_192 : i32
      %mul3A_195 = arith.constant 128 : i32
      %mul3A_196 = arith.muli %add3A_194, %mul3A_195 : i32
      %dma_start3A = tpu.memref_slice %arg3[%mul3A_196] : memref<12800000xf32, #tpu.memory_space<hbm>> -> memref<20480xf32, #tpu.memory_space<hbm>>
      %dma_start3A_197 = tpu.memref_slice %arg3[%mul3A_196] : memref<12800000xf32, #tpu.memory_space<hbm>> -> memref<20480xf32, #tpu.memory_space<hbm>>
      tpu.enqueue_dma source(%dma_start3A_197 : memref<20480xf32, #tpu.memory_space<hbm>>) target(%arg13 : memref<20480xf32, #tpu.memory_space<vmem>>) target_semaphore(%arg19 : memref<!tpu.dma_semaphore, #tpu.memory_space<semaphore_mem>>)
      %dma_start3A_198 = tpu.memref_slice %arg4[%add3A_194] : memref<100000xf32, #tpu.memory_space<hbm>> -> memref<160xf32, #tpu.memory_space<hbm>>
      %dma_start3A_199 = tpu.memref_slice %arg4[%add3A_194] : memref<100000xf32, #tpu.memory_space<hbm>> -> memref<160xf32, #tpu.memory_space<hbm>>
      tpu.enqueue_dma source(%dma_start3A_199 : memref<160xf32, #tpu.memory_space<hbm>>) target(%arg15 : memref<160xf32, #tpu.memory_space<vmem>>) target_semaphore(%arg19 : memref<!tpu.dma_semaphore, #tpu.memory_space<semaphore_mem>>)
    } else {
    }
    %add3A_177 = arith.constant 16 : i32
    %add3A_178 = arith.addi %add3A_177, %add3A : i32
    %lt3A_179 = arith.constant 113 : i32
    %lt3A_180 = arith.cmpi slt, %add3A_178, %lt3A_179 : i32
    %convert_element_type3A_181 = arith.extui %lt3A_180 : i1 to i32
    %cond3A_182 = arith.constant 0 : i32
    %cond3A_183 = arith.cmpi ne, %convert_element_type3A_181, %cond3A_182 : i32
    scf.if %cond3A_183 {
      %mul3A_191 = arith.constant 160 : i32
      %mul3A_192 = arith.muli %add3A_178, %mul3A_191 : i32
      %add3A_193 = arith.constant 81920 : i32
      %add3A_194 = arith.addi %add3A_193, %mul3A_192 : i32
      %mul3A_195 = arith.constant 128 : i32
      %mul3A_196 = arith.muli %add3A_194, %mul3A_195 : i32
      %dma_start3A = tpu.memref_slice %arg3[%mul3A_196] : memref<12800000xf32, #tpu.memory_space<hbm>> -> memref<20480xf32, #tpu.memory_space<hbm>>
      %dma_start3A_197 = tpu.memref_slice %arg3[%mul3A_196] : memref<12800000xf32, #tpu.memory_space<hbm>> -> memref<20480xf32, #tpu.memory_space<hbm>>
      tpu.enqueue_dma source(%dma_start3A_197 : memref<20480xf32, #tpu.memory_space<hbm>>) target(%arg14 : memref<20480xf32, #tpu.memory_space<vmem>>) target_semaphore(%arg20 : memref<!tpu.dma_semaphore, #tpu.memory_space<semaphore_mem>>)
      %dma_start3A_198 = tpu.memref_slice %arg4[%add3A_194] : memref<100000xf32, #tpu.memory_space<hbm>> -> memref<160xf32, #tpu.memory_space<hbm>>
      %dma_start3A_199 = tpu.memref_slice %arg4[%add3A_194] : memref<100000xf32, #tpu.memory_space<hbm>> -> memref<160xf32, #tpu.memory_space<hbm>>
      tpu.enqueue_dma source(%dma_start3A_199 : memref<160xf32, #tpu.memory_space<hbm>>) target(%arg16 : memref<160xf32, #tpu.memory_space<vmem>>) target_semaphore(%arg20 : memref<!tpu.dma_semaphore, #tpu.memory_space<semaphore_mem>>)
    } else {
    }
    %scan3A_184 = arith.constant 0 : i32
    %scan3A_185 = arith.constant 0 : i32
    %scan3A_186 = arith.constant 4 : i32
    %scan3A_187 = arith.addi %scan3A_185, %scan3A_186 : i32
    %scan3A_188 = arith.constant 1 : i32
    %scan3A_189 = scf.for %scan3A_191 = %scan3A_185 to %scan3A_187 step %scan3A_188 iter_args(%scan3A_192 = %scan3A_184) -> (i32)  : i32 {
      %mul3A_193 = arith.constant 2 : i32
      %mul3A_194 = arith.muli %scan3A_191, %mul3A_193 : i32
      %mul3A_195 = arith.constant 16 : i32
      %mul3A_196 = arith.muli %mul3A_194, %mul3A_195 : i32
      %add3A_197 = arith.addi %mul3A_196, %add3A : i32
      %lt3A_198 = arith.constant 113 : i32
      %lt3A_199 = arith.cmpi slt, %add3A_197, %lt3A_198 : i32
      %convert_element_type3A_200 = arith.extui %lt3A_199 : i1 to i32
      %cond3A_201 = arith.constant 0 : i32
      %cond3A_202 = arith.cmpi ne, %convert_element_type3A_200, %cond3A_201 : i32
      scf.if %cond3A_202 {
        %mul3A_216 = arith.constant 160 : i32
        %mul3A_217 = arith.muli %add3A_197, %mul3A_216 : i32
        %add3A_218 = arith.constant 81920 : i32
        %add3A_219 = arith.addi %add3A_218, %mul3A_217 : i32
        %mul3A_220 = arith.constant 128 : i32
        %mul3A_221 = arith.muli %add3A_219, %mul3A_220 : i32
        %dma_wait3A = tpu.memref_slice %arg3[%mul3A_221] : memref<12800000xf32, #tpu.memory_space<hbm>> -> memref<20480xf32, #tpu.memory_space<hbm>>
        %dma_wait3A_222 = tpu.memref_slice %arg3[%mul3A_221] : memref<12800000xf32, #tpu.memory_space<hbm>> -> memref<20480xf32, #tpu.memory_space<hbm>>
        tpu.wait_dma2 semaphore(%arg19 : memref<!tpu.dma_semaphore, #tpu.memory_space<semaphore_mem>>) src(%dma_wait3A_222 : memref<20480xf32, #tpu.memory_space<hbm>>) dst(%arg13 : memref<20480xf32, #tpu.memory_space<vmem>>)
        %dma_wait3A_223 = tpu.memref_slice %arg4[%add3A_219] : memref<100000xf32, #tpu.memory_space<hbm>> -> memref<160xf32, #tpu.memory_space<hbm>>
        %dma_wait3A_224 = tpu.memref_slice %arg4[%add3A_219] : memref<100000xf32, #tpu.memory_space<hbm>> -> memref<160xf32, #tpu.memory_space<hbm>>
        tpu.wait_dma2 semaphore(%arg19 : memref<!tpu.dma_semaphore, #tpu.memory_space<semaphore_mem>>) src(%dma_wait3A_224 : memref<160xf32, #tpu.memory_space<hbm>>) dst(%arg15 : memref<160xf32, #tpu.memory_space<vmem>>)
        %broadcast_in_dim3A_225 = arith.constant 0.000000e+00 : f32
        %broadcast_in_dim3A_226 = vector.broadcast %broadcast_in_dim3A_225 : f32 to vector<16xf32>
        %broadcast_in_dim3A_227 = arith.constant 0.000000e+00 : f32
        %broadcast_in_dim3A_228 = vector.broadcast %broadcast_in_dim3A_227 : f32 to vector<16xf32>
        %broadcast_in_dim3A_229 = arith.constant 0.000000e+00 : f32
        %broadcast_in_dim3A_230 = vector.broadcast %broadcast_in_dim3A_229 : f32 to vector<16xf32>
        %broadcast_in_dim3A_231 = arith.constant 0.000000e+00 : f32
        %broadcast_in_dim3A_232 = vector.broadcast %broadcast_in_dim3A_231 : f32 to vector<16xf32>
        %broadcast_in_dim3A_233 = arith.constant 0.000000e+00 : f32
        %broadcast_in_dim3A_234 = vector.broadcast %broadcast_in_dim3A_233 : f32 to vector<16xf32>
        %broadcast_in_dim3A_235 = arith.constant 0.000000e+00 : f32
        %broadcast_in_dim3A_236 = vector.broadcast %broadcast_in_dim3A_235 : f32 to vector<16xf32>
        %broadcast_in_dim3A_237 = arith.constant 0.000000e+00 : f32
        %broadcast_in_dim3A_238 = vector.broadcast %broadcast_in_dim3A_237 : f32 to vector<16xf32>
        %broadcast_in_dim3A_239 = arith.constant 0.000000e+00 : f32
        %broadcast_in_dim3A_240 = vector.broadcast %broadcast_in_dim3A_239 : f32 to vector<16xf32>
        %broadcast_in_dim3A_241 = arith.constant 0.000000e+00 : f32
        %broadcast_in_dim3A_242 = vector.broadcast %broadcast_in_dim3A_241 : f32 to vector<16xf32>
        %broadcast_in_dim3A_243 = arith.constant 0.000000e+00 : f32
        %broadcast_in_dim3A_244 = vector.broadcast %broadcast_in_dim3A_243 : f32 to vector<16xf32>
        %scan3A_245 = arith.constant 0 : i32
        %scan3A_246 = arith.constant 128 : i32
        %scan3A_247 = arith.addi %scan3A_245, %scan3A_246 : i32
        %scan3A_248 = arith.constant 8 : i32
        %scan3A_249:21 = scf.for %scan3A_431 = %scan3A_245 to %scan3A_247 step %scan3A_248 iter_args(%scan3A_432 = %iota3A, %scan3A_433 = %broadcast_in_dim3A_226, %scan3A_434 = %broadcast_in_dim3A_228, %scan3A_435 = %broadcast_in_dim3A_230, %scan3A_436 = %broadcast_in_dim3A_232, %scan3A_437 = %broadcast_in_dim3A_234, %scan3A_438 = %broadcast_in_dim3A_236, %scan3A_439 = %broadcast_in_dim3A_238, %scan3A_440 = %broadcast_in_dim3A_240, %scan3A_441 = %broadcast_in_dim3A_242, %scan3A_442 = %broadcast_in_dim3A_244, %scan3A_443 = %broadcast_in_dim3A_226, %scan3A_444 = %broadcast_in_dim3A_228, %scan3A_445 = %broadcast_in_dim3A_230, %scan3A_446 = %broadcast_in_dim3A_232, %scan3A_447 = %broadcast_in_dim3A_234, %scan3A_448 = %broadcast_in_dim3A_236, %scan3A_449 = %broadcast_in_dim3A_238, %scan3A_450 = %broadcast_in_dim3A_240, %scan3A_451 = %broadcast_in_dim3A_242, %scan3A_452 = %broadcast_in_dim3A_244) -> (vector<16xi32>, vector<16xf32>, vector<16xf32>, vector<16xf32>, vector<16xf32>, vector<16xf32>, vector<16xf32>, vector<16xf32>, vector<16xf32>, vector<16xf32>, vector<16xf32>, vector<16xf32>, vector<16xf32>, vector<16xf32>, vector<16xf32>, vector<16xf32>, vector<16xf32>, vector<16xf32>, vector<16xf32>, vector<16xf32>, vector<16xf32>)  : i32 {
          %gather3A = tpu.vector_load_idx %arg12[%scan3A_432] : memref<128xf32, #tpu.memory_space<vmem>>[vector<16xi32>], vector<16xf32>,
          %add3A_453 = arith.addi %mul3A_120, %scan3A_432 : vector<16xi32>
          %gather3A_454 = tpu.vector_load_idx %arg13[%add3A_453] : memref<20480xf32, #tpu.memory_space<vmem>>[vector<16xi32>], vector<16xf32>,
          %mul3A_455 = arith.mulf %gather3A_454, %gather3A : vector<16xf32>
          %add3A_456 = arith.addf %scan3A_433, %mul3A_455 : vector<16xf32>
          %mul3A_457 = arith.mulf %gather3A_454, %gather3A_454 : vector<16xf32>
          %add3A_458 = arith.addf %scan3A_443, %mul3A_457 : vector<16xf32>
          %add3A_459 = arith.addi %mul3A_126, %scan3A_432 : vector<16xi32>
          %gather3A_460 = tpu.vector_load_idx %arg13[%add3A_459] : memref<20480xf32, #tpu.memory_space<vmem>>[vector<16xi32>], vector<16xf32>,
          %mul3A_461 = arith.mulf %gather3A_460, %gather3A : vector<16xf32>
          %add3A_462 = arith.addf %scan3A_434, %mul3A_461 : vector<16xf32>
          %mul3A_463 = arith.mulf %gather3A_460, %gather3A_460 : vector<16xf32>
          %add3A_464 = arith.addf %scan3A_444, %mul3A_463 : vector<16xf32>
          %add3A_465 = arith.addi %mul3A_132, %scan3A_432 : vector<16xi32>
          %gather3A_466 = tpu.vector_load_idx %arg13[%add3A_465] : memref<20480xf32, #tpu.memory_space<vmem>>[vector<16xi32>], vector<16xf32>,
          %mul3A_467 = arith.mulf %gather3A_466, %gather3A : vector<16xf32>
          %add3A_468 = arith.addf %scan3A_435, %mul3A_467 : vector<16xf32>
          %mul3A_469 = arith.mulf %gather3A_466, %gather3A_466 : vector<16xf32>
          %add3A_470 = arith.addf %scan3A_445, %mul3A_469 : vector<16xf32>
          %add3A_471 = arith.addi %mul3A_138, %scan3A_432 : vector<16xi32>
          %gather3A_472 = tpu.vector_load_idx %arg13[%add3A_471] : memref<20480xf32, #tpu.memory_space<vmem>>[vector<16xi32>], vector<16xf32>,
          %mul3A_473 = arith.mulf %gather3A_472, %gather3A : vector<16xf32>
          %add3A_474 = arith.addf %scan3A_436, %mul3A_473 : vector<16xf32>
          %mul3A_475 = arith.mulf %gather3A_472, %gather3A_472 : vector<16xf32>
          %add3A_476 = arith.addf %scan3A_446, %mul3A_475 : vector<16xf32>
          %add3A_477 = arith.addi %mul3A_144, %scan3A_432 : vector<16xi32>
          %gather3A_478 = tpu.vector_load_idx %arg13[%add3A_477] : memref<20480xf32, #tpu.memory_space<vmem>>[vector<16xi32>], vector<16xf32>,
          %mul3A_479 = arith.mulf %gather3A_478, %gather3A : vector<16xf32>
          %add3A_480 = arith.addf %scan3A_437, %mul3A_479 : vector<16xf32>
          %mul3A_481 = arith.mulf %gather3A_478, %gather3A_478 : vector<16xf32>
          %add3A_482 = arith.addf %scan3A_447, %mul3A_481 : vector<16xf32>
          %add3A_483 = arith.addi %mul3A_150, %scan3A_432 : vector<16xi32>
          %gather3A_484 = tpu.vector_load_idx %arg13[%add3A_483] : memref<20480xf32, #tpu.memory_space<vmem>>[vector<16xi32>], vector<16xf32>,
          %mul3A_485 = arith.mulf %gather3A_484, %gather3A : vector<16xf32>
          %add3A_486 = arith.addf %scan3A_438, %mul3A_485 : vector<16xf32>
          %mul3A_487 = arith.mulf %gather3A_484, %gather3A_484 : vector<16xf32>
          %add3A_488 = arith.addf %scan3A_448, %mul3A_487 : vector<16xf32>
          %add3A_489 = arith.addi %mul3A_156, %scan3A_432 : vector<16xi32>
          %gather3A_490 = tpu.vector_load_idx %arg13[%add3A_489] : memref<20480xf32, #tpu.memory_space<vmem>>[vector<16xi32>], vector<16xf32>,
          %mul3A_491 = arith.mulf %gather3A_490, %gather3A : vector<16xf32>
          %add3A_492 = arith.addf %scan3A_439, %mul3A_491 : vector<16xf32>
          %mul3A_493 = arith.mulf %gather3A_490, %gather3A_490 : vector<16xf32>
          %add3A_494 = arith.addf %scan3A_449, %mul3A_493 : vector<16xf32>
          %add3A_495 = arith.addi %mul3A_162, %scan3A_432 : vector<16xi32>
          %gather3A_496 = tpu.vector_load_idx %arg13[%add3A_495] : memref<20480xf32, #tpu.memory_space<vmem>>[vector<16xi32>], vector<16xf32>,
          %mul3A_497 = arith.mulf %gather3A_496, %gather3A : vector<16xf32>
          %add3A_498 = arith.addf %scan3A_440, %mul3A_497 : vector<16xf32>
          %mul3A_499 = arith.mulf %gather3A_496, %gather3A_496 : vector<16xf32>
          %add3A_500 = arith.addf %scan3A_450, %mul3A_499 : vector<16xf32>
          %add3A_501 = arith.addi %mul3A_168, %scan3A_432 : vector<16xi32>
          %gather3A_502 = tpu.vector_load_idx %arg13[%add3A_501] : memref<20480xf32, #tpu.memory_space<vmem>>[vector<16xi32>], vector<16xf32>,
          %mul3A_503 = arith.mulf %gather3A_502, %gather3A : vector<16xf32>
          %add3A_504 = arith.addf %scan3A_441, %mul3A_503 : vector<16xf32>
          %mul3A_505 = arith.mulf %gather3A_502, %gather3A_502 : vector<16xf32>
          %add3A_506 = arith.addf %scan3A_451, %mul3A_505 : vector<16xf32>
          %add3A_507 = arith.addi %mul3A_174, %scan3A_432 : vector<16xi32>
          %gather3A_508 = tpu.vector_load_idx %arg13[%add3A_507] : memref<20480xf32, #tpu.memory_space<vmem>>[vector<16xi32>], vector<16xf32>,
          %mul3A_509 = arith.mulf %gather3A_508, %gather3A : vector<16xf32>
          %add3A_510 = arith.addf %scan3A_442, %mul3A_509 : vector<16xf32>
          %mul3A_511 = arith.mulf %gather3A_508, %gather3A_508 : vector<16xf32>
          %add3A_512 = arith.addf %scan3A_452, %mul3A_511 : vector<16xf32>
          %add3A_513 = arith.constant 1 : i32
          %add3A_514 = vector.broadcast %add3A_513 : i32 to vector<16xi32>
          %add3A_515 = arith.addi %scan3A_432, %add3A_514 : vector<16xi32>
          %and3A = arith.constant 127 : i32
          %and3A_516 = vector.broadcast %and3A : i32 to vector<16xi32>
          %and3A_517 = arith.andi %add3A_515, %and3A_516 : vector<16xi32>
          %scan3A_518 = arith.constant 1 : i32
          %scan3A_519 = arith.addi %scan3A_431, %scan3A_518 : i32
          %gather3A_520 = tpu.vector_load_idx %arg12[%and3A_517] : memref<128xf32, #tpu.memory_space<vmem>>[vector<16xi32>], vector<16xf32>,
          %add3A_521 = arith.addi %mul3A_120, %and3A_517 : vector<16xi32>
          %gather3A_522 = tpu.vector_load_idx %arg13[%add3A_521] : memref<20480xf32, #tpu.memory_space<vmem>>[vector<16xi32>], vector<16xf32>,
          %mul3A_523 = arith.mulf %gather3A_522, %gather3A_520 : vector<16xf32>
          %add3A_524 = arith.addf %add3A_456, %mul3A_523 : vector<16xf32>
          %mul3A_525 = arith.mulf %gather3A_522, %gather3A_522 : vector<16xf32>
          %add3A_526 = arith.addf %add3A_458, %mul3A_525 : vector<16xf32>
          %add3A_527 = arith.addi %mul3A_126, %and3A_517 : vector<16xi32>
          %gather3A_528 = tpu.vector_load_idx %arg13[%add3A_527] : memref<20480xf32, #tpu.memory_space<vmem>>[vector<16xi32>], vector<16xf32>,
          %mul3A_529 = arith.mulf %gather3A_528, %gather3A_520 : vector<16xf32>
          %add3A_530 = arith.addf %add3A_462, %mul3A_529 : vector<16xf32>
          %mul3A_531 = arith.mulf %gather3A_528, %gather3A_528 : vector<16xf32>
          %add3A_532 = arith.addf %add3A_464, %mul3A_531 : vector<16xf32>
          %add3A_533 = arith.addi %mul3A_132, %and3A_517 : vector<16xi32>
          %gather3A_534 = tpu.vector_load_idx %arg13[%add3A_533] : memref<20480xf32, #tpu.memory_space<vmem>>[vector<16xi32>], vector<16xf32>,
          %mul3A_535 = arith.mulf %gather3A_534, %gather3A_520 : vector<16xf32>
          %add3A_536 = arith.addf %add3A_468, %mul3A_535 : vector<16xf32>
          %mul3A_537 = arith.mulf %gather3A_534, %gather3A_534 : vector<16xf32>
          %add3A_538 = arith.addf %add3A_470, %mul3A_537 : vector<16xf32>
          %add3A_539 = arith.addi %mul3A_138, %and3A_517 : vector<16xi32>
          %gather3A_540 = tpu.vector_load_idx %arg13[%add3A_539] : memref<20480xf32, #tpu.memory_space<vmem>>[vector<16xi32>], vector<16xf32>,
          %mul3A_541 = arith.mulf %gather3A_540, %gather3A_520 : vector<16xf32>
          %add3A_542 = arith.addf %add3A_474, %mul3A_541 : vector<16xf32>
          %mul3A_543 = arith.mulf %gather3A_540, %gather3A_540 : vector<16xf32>
          %add3A_544 = arith.addf %add3A_476, %mul3A_543 : vector<16xf32>
          %add3A_545 = arith.addi %mul3A_144, %and3A_517 : vector<16xi32>
          %gather3A_546 = tpu.vector_load_idx %arg13[%add3A_545] : memref<20480xf32, #tpu.memory_space<vmem>>[vector<16xi32>], vector<16xf32>,
          %mul3A_547 = arith.mulf %gather3A_546, %gather3A_520 : vector<16xf32>
          %add3A_548 = arith.addf %add3A_480, %mul3A_547 : vector<16xf32>
          %mul3A_549 = arith.mulf %gather3A_546, %gather3A_546 : vector<16xf32>
          %add3A_550 = arith.addf %add3A_482, %mul3A_549 : vector<16xf32>
          %add3A_551 = arith.addi %mul3A_150, %and3A_517 : vector<16xi32>
          %gather3A_552 = tpu.vector_load_idx %arg13[%add3A_551] : memref<20480xf32, #tpu.memory_space<vmem>>[vector<16xi32>], vector<16xf32>,
          %mul3A_553 = arith.mulf %gather3A_552, %gather3A_520 : vector<16xf32>
          %add3A_554 = arith.addf %add3A_486, %mul3A_553 : vector<16xf32>
          %mul3A_555 = arith.mulf %gather3A_552, %gather3A_552 : vector<16xf32>
          %add3A_556 = arith.addf %add3A_488, %mul3A_555 : vector<16xf32>
          %add3A_557 = arith.addi %mul3A_156, %and3A_517 : vector<16xi32>
          %gather3A_558 = tpu.vector_load_idx %arg13[%add3A_557] : memref<20480xf32, #tpu.memory_space<vmem>>[vector<16xi32>], vector<16xf32>,
          %mul3A_559 = arith.mulf %gather3A_558, %gather3A_520 : vector<16xf32>
          %add3A_560 = arith.addf %add3A_492, %mul3A_559 : vector<16xf32>
          %mul3A_561 = arith.mulf %gather3A_558, %gather3A_558 : vector<16xf32>
          %add3A_562 = arith.addf %add3A_494, %mul3A_561 : vector<16xf32>
          %add3A_563 = arith.addi %mul3A_162, %and3A_517 : vector<16xi32>
          %gather3A_564 = tpu.vector_load_idx %arg13[%add3A_563] : memref<20480xf32, #tpu.memory_space<vmem>>[vector<16xi32>], vector<16xf32>,
          %mul3A_565 = arith.mulf %gather3A_564, %gather3A_520 : vector<16xf32>
          %add3A_566 = arith.addf %add3A_498, %mul3A_565 : vector<16xf32>
          %mul3A_567 = arith.mulf %gather3A_564, %gather3A_564 : vector<16xf32>
          %add3A_568 = arith.addf %add3A_500, %mul3A_567 : vector<16xf32>
          %add3A_569 = arith.addi %mul3A_168, %and3A_517 : vector<16xi32>
          %gather3A_570 = tpu.vector_load_idx %arg13[%add3A_569] : memref<20480xf32, #tpu.memory_space<vmem>>[vector<16xi32>], vector<16xf32>,
          %mul3A_571 = arith.mulf %gather3A_570, %gather3A_520 : vector<16xf32>
          %add3A_572 = arith.addf %add3A_504, %mul3A_571 : vector<16xf32>
          %mul3A_573 = arith.mulf %gather3A_570, %gather3A_570 : vector<16xf32>
          %add3A_574 = arith.addf %add3A_506, %mul3A_573 : vector<16xf32>
          %add3A_575 = arith.addi %mul3A_174, %and3A_517 : vector<16xi32>
          %gather3A_576 = tpu.vector_load_idx %arg13[%add3A_575] : memref<20480xf32, #tpu.memory_space<vmem>>[vector<16xi32>], vector<16xf32>,
          %mul3A_577 = arith.mulf %gather3A_576, %gather3A_520 : vector<16xf32>
          %add3A_578 = arith.addf %add3A_510, %mul3A_577 : vector<16xf32>
          %mul3A_579 = arith.mulf %gather3A_576, %gather3A_576 : vector<16xf32>
          %add3A_580 = arith.addf %add3A_512, %mul3A_579 : vector<16xf32>
          %add3A_581 = arith.constant 1 : i32
          %add3A_582 = vector.broadcast %add3A_581 : i32 to vector<16xi32>
          %add3A_583 = arith.addi %and3A_517, %add3A_582 : vector<16xi32>
          %and3A_584 = arith.constant 127 : i32
          %and3A_585 = vector.broadcast %and3A_584 : i32 to vector<16xi32>
          %and3A_586 = arith.andi %add3A_583, %and3A_585 : vector<16xi32>
          %scan3A_587 = arith.constant 2 : i32
          %scan3A_588 = arith.addi %scan3A_431, %scan3A_587 : i32
          %gather3A_589 = tpu.vector_load_idx %arg12[%and3A_586] : memref<128xf32, #tpu.memory_space<vmem>>[vector<16xi32>], vector<16xf32>,
          %add3A_590 = arith.addi %mul3A_120, %and3A_586 : vector<16xi32>
          %gather3A_591 = tpu.vector_load_idx %arg13[%add3A_590] : memref<20480xf32, #tpu.memory_space<vmem>>[vector<16xi32>], vector<16xf32>,
          %mul3A_592 = arith.mulf %gather3A_591, %gather3A_589 : vector<16xf32>
          %add3A_593 = arith.addf %add3A_524, %mul3A_592 : vector<16xf32>
          %mul3A_594 = arith.mulf %gather3A_591, %gather3A_591 : vector<16xf32>
          %add3A_595 = arith.addf %add3A_526, %mul3A_594 : vector<16xf32>
          %add3A_596 = arith.addi %mul3A_126, %and3A_586 : vector<16xi32>
          %gather3A_597 = tpu.vector_load_idx %arg13[%add3A_596] : memref<20480xf32, #tpu.memory_space<vmem>>[vector<16xi32>], vector<16xf32>,
          %mul3A_598 = arith.mulf %gather3A_597, %gather3A_589 : vector<16xf32>
          %add3A_599 = arith.addf %add3A_530, %mul3A_598 : vector<16xf32>
          %mul3A_600 = arith.mulf %gather3A_597, %gather3A_597 : vector<16xf32>
          %add3A_601 = arith.addf %add3A_532, %mul3A_600 : vector<16xf32>
          %add3A_602 = arith.addi %mul3A_132, %and3A_586 : vector<16xi32>
          %gather3A_603 = tpu.vector_load_idx %arg13[%add3A_602] : memref<20480xf32, #tpu.memory_space<vmem>>[vector<16xi32>], vector<16xf32>,
          %mul3A_604 = arith.mulf %gather3A_603, %gather3A_589 : vector<16xf32>
          %add3A_605 = arith.addf %add3A_536, %mul3A_604 : vector<16xf32>
          %mul3A_606 = arith.mulf %gather3A_603, %gather3A_603 : vector<16xf32>
          %add3A_607 = arith.addf %add3A_538, %mul3A_606 : vector<16xf32>
          %add3A_608 = arith.addi %mul3A_138, %and3A_586 : vector<16xi32>
          %gather3A_609 = tpu.vector_load_idx %arg13[%add3A_608] : memref<20480xf32, #tpu.memory_space<vmem>>[vector<16xi32>], vector<16xf32>,
          %mul3A_610 = arith.mulf %gather3A_609, %gather3A_589 : vector<16xf32>
          %add3A_611 = arith.addf %add3A_542, %mul3A_610 : vector<16xf32>
          %mul3A_612 = arith.mulf %gather3A_609, %gather3A_609 : vector<16xf32>
          %add3A_613 = arith.addf %add3A_544, %mul3A_612 : vector<16xf32>
          %add3A_614 = arith.addi %mul3A_144, %and3A_586 : vector<16xi32>
          %gather3A_615 = tpu.vector_load_idx %arg13[%add3A_614] : memref<20480xf32, #tpu.memory_space<vmem>>[vector<16xi32>], vector<16xf32>,
          %mul3A_616 = arith.mulf %gather3A_615, %gather3A_589 : vector<16xf32>
          %add3A_617 = arith.addf %add3A_548, %mul3A_616 : vector<16xf32>
          %mul3A_618 = arith.mulf %gather3A_615, %gather3A_615 : vector<16xf32>
          %add3A_619 = arith.addf %add3A_550, %mul3A_618 : vector<16xf32>
          %add3A_620 = arith.addi %mul3A_150, %and3A_586 : vector<16xi32>
          %gather3A_621 = tpu.vector_load_idx %arg13[%add3A_620] : memref<20480xf32, #tpu.memory_space<vmem>>[vector<16xi32>], vector<16xf32>,
          %mul3A_622 = arith.mulf %gather3A_621, %gather3A_589 : vector<16xf32>
          %add3A_623 = arith.addf %add3A_554, %mul3A_622 : vector<16xf32>
          %mul3A_624 = arith.mulf %gather3A_621, %gather3A_621 : vector<16xf32>
          %add3A_625 = arith.addf %add3A_556, %mul3A_624 : vector<16xf32>
          %add3A_626 = arith.addi %mul3A_156, %and3A_586 : vector<16xi32>
          %gather3A_627 = tpu.vector_load_idx %arg13[%add3A_626] : memref<20480xf32, #tpu.memory_space<vmem>>[vector<16xi32>], vector<16xf32>,
          %mul3A_628 = arith.mulf %gather3A_627, %gather3A_589 : vector<16xf32>
          %add3A_629 = arith.addf %add3A_560, %mul3A_628 : vector<16xf32>
          %mul3A_630 = arith.mulf %gather3A_627, %gather3A_627 : vector<16xf32>
          %add3A_631 = arith.addf %add3A_562, %mul3A_630 : vector<16xf32>
          %add3A_632 = arith.addi %mul3A_162, %and3A_586 : vector<16xi32>
          %gather3A_633 = tpu.vector_load_idx %arg13[%add3A_632] : memref<20480xf32, #tpu.memory_space<vmem>>[vector<16xi32>], vector<16xf32>,
          %mul3A_634 = arith.mulf %gather3A_633, %gather3A_589 : vector<16xf32>
          %add3A_635 = arith.addf %add3A_566, %mul3A_634 : vector<16xf32>
          %mul3A_636 = arith.mulf %gather3A_633, %gather3A_633 : vector<16xf32>
          %add3A_637 = arith.addf %add3A_568, %mul3A_636 : vector<16xf32>
          %add3A_638 = arith.addi %mul3A_168, %and3A_586 : vector<16xi32>
          %gather3A_639 = tpu.vector_load_idx %arg13[%add3A_638] : memref<20480xf32, #tpu.memory_space<vmem>>[vector<16xi32>], vector<16xf32>,
          %mul3A_640 = arith.mulf %gather3A_639, %gather3A_589 : vector<16xf32>
          %add3A_641 = arith.addf %add3A_572, %mul3A_640 : vector<16xf32>
          %mul3A_642 = arith.mulf %gather3A_639, %gather3A_639 : vector<16xf32>
          %add3A_643 = arith.addf %add3A_574, %mul3A_642 : vector<16xf32>
          %add3A_644 = arith.addi %mul3A_174, %and3A_586 : vector<16xi32>
          %gather3A_645 = tpu.vector_load_idx %arg13[%add3A_644] : memref<20480xf32, #tpu.memory_space<vmem>>[vector<16xi32>], vector<16xf32>,
          %mul3A_646 = arith.mulf %gather3A_645, %gather3A_589 : vector<16xf32>
          %add3A_647 = arith.addf %add3A_578, %mul3A_646 : vector<16xf32>
          %mul3A_648 = arith.mulf %gather3A_645, %gather3A_645 : vector<16xf32>
          %add3A_649 = arith.addf %add3A_580, %mul3A_648 : vector<16xf32>
          %add3A_650 = arith.constant 1 : i32
          %add3A_651 = vector.broadcast %add3A_650 : i32 to vector<16xi32>
          %add3A_652 = arith.addi %and3A_586, %add3A_651 : vector<16xi32>
          %and3A_653 = arith.constant 127 : i32
          %and3A_654 = vector.broadcast %and3A_653 : i32 to vector<16xi32>
          %and3A_655 = arith.andi %add3A_652, %and3A_654 : vector<16xi32>
          %scan3A_656 = arith.constant 3 : i32
          %scan3A_657 = arith.addi %scan3A_431, %scan3A_656 : i32
          %gather3A_658 = tpu.vector_load_idx %arg12[%and3A_655] : memref<128xf32, #tpu.memory_space<vmem>>[vector<16xi32>], vector<16xf32>,
          %add3A_659 = arith.addi %mul3A_120, %and3A_655 : vector<16xi32>
          %gather3A_660 = tpu.vector_load_idx %arg13[%add3A_659] : memref<20480xf32, #tpu.memory_space<vmem>>[vector<16xi32>], vector<16xf32>,
          %mul3A_661 = arith.mulf %gather3A_660, %gather3A_658 : vector<16xf32>
          %add3A_662 = arith.addf %add3A_593, %mul3A_661 : vector<16xf32>
          %mul3A_663 = arith.mulf %gather3A_660, %gather3A_660 : vector<16xf32>
          %add3A_664 = arith.addf %add3A_595, %mul3A_663 : vector<16xf32>
          %add3A_665 = arith.addi %mul3A_126, %and3A_655 : vector<16xi32>
          %gather3A_666 = tpu.vector_load_idx %arg13[%add3A_665] : memref<20480xf32, #tpu.memory_space<vmem>>[vector<16xi32>], vector<16xf32>,
          %mul3A_667 = arith.mulf %gather3A_666, %gather3A_658 : vector<16xf32>
          %add3A_668 = arith.addf %add3A_599, %mul3A_667 : vector<16xf32>
          %mul3A_669 = arith.mulf %gather3A_666, %gather3A_666 : vector<16xf32>
          %add3A_670 = arith.addf %add3A_601, %mul3A_669 : vector<16xf32>
          %add3A_671 = arith.addi %mul3A_132, %and3A_655 : vector<16xi32>
          %gather3A_672 = tpu.vector_load_idx %arg13[%add3A_671] : memref<20480xf32, #tpu.memory_space<vmem>>[vector<16xi32>], vector<16xf32>,
          %mul3A_673 = arith.mulf %gather3A_672, %gather3A_658 : vector<16xf32>
          %add3A_674 = arith.addf %add3A_605, %mul3A_673 : vector<16xf32>
          %mul3A_675 = arith.mulf %gather3A_672, %gather3A_672 : vector<16xf32>
          %add3A_676 = arith.addf %add3A_607, %mul3A_675 : vector<16xf32>
          %add3A_677 = arith.addi %mul3A_138, %and3A_655 : vector<16xi32>
          %gather3A_678 = tpu.vector_load_idx %arg13[%add3A_677] : memref<20480xf32, #tpu.memory_space<vmem>>[vector<16xi32>], vector<16xf32>,
          %mul3A_679 = arith.mulf %gather3A_678, %gather3A_658 : vector<16xf32>
          %add3A_680 = arith.addf %add3A_611, %mul3A_679 : vector<16xf32>
          %mul3A_681 = arith.mulf %gather3A_678, %gather3A_678 : vector<16xf32>
          %add3A_682 = arith.addf %add3A_613, %mul3A_681 : vector<16xf32>
          %add3A_683 = arith.addi %mul3A_144, %and3A_655 : vector<16xi32>
          %gather3A_684 = tpu.vector_load_idx %arg13[%add3A_683] : memref<20480xf32, #tpu.memory_space<vmem>>[vector<16xi32>], vector<16xf32>,
          %mul3A_685 = arith.mulf %gather3A_684, %gather3A_658 : vector<16xf32>
          %add3A_686 = arith.addf %add3A_617, %mul3A_685 : vector<16xf32>
          %mul3A_687 = arith.mulf %gather3A_684, %gather3A_684 : vector<16xf32>
          %add3A_688 = arith.addf %add3A_619, %mul3A_687 : vector<16xf32>
          %add3A_689 = arith.addi %mul3A_150, %and3A_655 : vector<16xi32>
          %gather3A_690 = tpu.vector_load_idx %arg13[%add3A_689] : memref<20480xf32, #tpu.memory_space<vmem>>[vector<16xi32>], vector<16xf32>,
          %mul3A_691 = arith.mulf %gather3A_690, %gather3A_658 : vector<16xf32>
          %add3A_692 = arith.addf %add3A_623, %mul3A_691 : vector<16xf32>
          %mul3A_693 = arith.mulf %gather3A_690, %gather3A_690 : vector<16xf32>
          %add3A_694 = arith.addf %add3A_625, %mul3A_693 : vector<16xf32>
          %add3A_695 = arith.addi %mul3A_156, %and3A_655 : vector<16xi32>
          %gather3A_696 = tpu.vector_load_idx %arg13[%add3A_695] : memref<20480xf32, #tpu.memory_space<vmem>>[vector<16xi32>], vector<16xf32>,
          %mul3A_697 = arith.mulf %gather3A_696, %gather3A_658 : vector<16xf32>
          %add3A_698 = arith.addf %add3A_629, %mul3A_697 : vector<16xf32>
          %mul3A_699 = arith.mulf %gather3A_696, %gather3A_696 : vector<16xf32>
          %add3A_700 = arith.addf %add3A_631, %mul3A_699 : vector<16xf32>
          %add3A_701 = arith.addi %mul3A_162, %and3A_655 : vector<16xi32>
          %gather3A_702 = tpu.vector_load_idx %arg13[%add3A_701] : memref<20480xf32, #tpu.memory_space<vmem>>[vector<16xi32>], vector<16xf32>,
          %mul3A_703 = arith.mulf %gather3A_702, %gather3A_658 : vector<16xf32>
          %add3A_704 = arith.addf %add3A_635, %mul3A_703 : vector<16xf32>
          %mul3A_705 = arith.mulf %gather3A_702, %gather3A_702 : vector<16xf32>
          %add3A_706 = arith.addf %add3A_637, %mul3A_705 : vector<16xf32>
          %add3A_707 = arith.addi %mul3A_168, %and3A_655 : vector<16xi32>
          %gather3A_708 = tpu.vector_load_idx %arg13[%add3A_707] : memref<20480xf32, #tpu.memory_space<vmem>>[vector<16xi32>], vector<16xf32>,
          %mul3A_709 = arith.mulf %gather3A_708, %gather3A_658 : vector<16xf32>
          %add3A_710 = arith.addf %add3A_641, %mul3A_709 : vector<16xf32>
          %mul3A_711 = arith.mulf %gather3A_708, %gather3A_708 : vector<16xf32>
          %add3A_712 = arith.addf %add3A_643, %mul3A_711 : vector<16xf32>
          %add3A_713 = arith.addi %mul3A_174, %and3A_655 : vector<16xi32>
          %gather3A_714 = tpu.vector_load_idx %arg13[%add3A_713] : memref<20480xf32, #tpu.memory_space<vmem>>[vector<16xi32>], vector<16xf32>,
          %mul3A_715 = arith.mulf %gather3A_714, %gather3A_658 : vector<16xf32>
          %add3A_716 = arith.addf %add3A_647, %mul3A_715 : vector<16xf32>
          %mul3A_717 = arith.mulf %gather3A_714, %gather3A_714 : vector<16xf32>
          %add3A_718 = arith.addf %add3A_649, %mul3A_717 : vector<16xf32>
          %add3A_719 = arith.constant 1 : i32
          %add3A_720 = vector.broadcast %add3A_719 : i32 to vector<16xi32>
          %add3A_721 = arith.addi %and3A_655, %add3A_720 : vector<16xi32>
          %and3A_722 = arith.constant 127 : i32
          %and3A_723 = vector.broadcast %and3A_722 : i32 to vector<16xi32>
          %and3A_724 = arith.andi %add3A_721, %and3A_723 : vector<16xi32>
          %scan3A_725 = arith.constant 4 : i32
          %scan3A_726 = arith.addi %scan3A_431, %scan3A_725 : i32
          %gather3A_727 = tpu.vector_load_idx %arg12[%and3A_724] : memref<128xf32, #tpu.memory_space<vmem>>[vector<16xi32>], vector<16xf32>,
          %add3A_728 = arith.addi %mul3A_120, %and3A_724 : vector<16xi32>
          %gather3A_729 = tpu.vector_load_idx %arg13[%add3A_728] : memref<20480xf32, #tpu.memory_space<vmem>>[vector<16xi32>], vector<16xf32>,
          %mul3A_730 = arith.mulf %gather3A_729, %gather3A_727 : vector<16xf32>
          %add3A_731 = arith.addf %add3A_662, %mul3A_730 : vector<16xf32>
          %mul3A_732 = arith.mulf %gather3A_729, %gather3A_729 : vector<16xf32>
          %add3A_733 = arith.addf %add3A_664, %mul3A_732 : vector<16xf32>
          %add3A_734 = arith.addi %mul3A_126, %and3A_724 : vector<16xi32>
          %gather3A_735 = tpu.vector_load_idx %arg13[%add3A_734] : memref<20480xf32, #tpu.memory_space<vmem>>[vector<16xi32>], vector<16xf32>,
          %mul3A_736 = arith.mulf %gather3A_735, %gather3A_727 : vector<16xf32>
          %add3A_737 = arith.addf %add3A_668, %mul3A_736 : vector<16xf32>
          %mul3A_738 = arith.mulf %gather3A_735, %gather3A_735 : vector<16xf32>
          %add3A_739 = arith.addf %add3A_670, %mul3A_738 : vector<16xf32>
          %add3A_740 = arith.addi %mul3A_132, %and3A_724 : vector<16xi32>
          %gather3A_741 = tpu.vector_load_idx %arg13[%add3A_740] : memref<20480xf32, #tpu.memory_space<vmem>>[vector<16xi32>], vector<16xf32>,
          %mul3A_742 = arith.mulf %gather3A_741, %gather3A_727 : vector<16xf32>
          %add3A_743 = arith.addf %add3A_674, %mul3A_742 : vector<16xf32>
          %mul3A_744 = arith.mulf %gather3A_741, %gather3A_741 : vector<16xf32>
          %add3A_745 = arith.addf %add3A_676, %mul3A_744 : vector<16xf32>
          %add3A_746 = arith.addi %mul3A_138, %and3A_724 : vector<16xi32>
          %gather3A_747 = tpu.vector_load_idx %arg13[%add3A_746] : memref<20480xf32, #tpu.memory_space<vmem>>[vector<16xi32>], vector<16xf32>,
          %mul3A_748 = arith.mulf %gather3A_747, %gather3A_727 : vector<16xf32>
          %add3A_749 = arith.addf %add3A_680, %mul3A_748 : vector<16xf32>
          %mul3A_750 = arith.mulf %gather3A_747, %gather3A_747 : vector<16xf32>
          %add3A_751 = arith.addf %add3A_682, %mul3A_750 : vector<16xf32>
          %add3A_752 = arith.addi %mul3A_144, %and3A_724 : vector<16xi32>
          %gather3A_753 = tpu.vector_load_idx %arg13[%add3A_752] : memref<20480xf32, #tpu.memory_space<vmem>>[vector<16xi32>], vector<16xf32>,
          %mul3A_754 = arith.mulf %gather3A_753, %gather3A_727 : vector<16xf32>
          %add3A_755 = arith.addf %add3A_686, %mul3A_754 : vector<16xf32>
          %mul3A_756 = arith.mulf %gather3A_753, %gather3A_753 : vector<16xf32>
          %add3A_757 = arith.addf %add3A_688, %mul3A_756 : vector<16xf32>
          %add3A_758 = arith.addi %mul3A_150, %and3A_724 : vector<16xi32>
          %gather3A_759 = tpu.vector_load_idx %arg13[%add3A_758] : memref<20480xf32, #tpu.memory_space<vmem>>[vector<16xi32>], vector<16xf32>,
          %mul3A_760 = arith.mulf %gather3A_759, %gather3A_727 : vector<16xf32>
          %add3A_761 = arith.addf %add3A_692, %mul3A_760 : vector<16xf32>
          %mul3A_762 = arith.mulf %gather3A_759, %gather3A_759 : vector<16xf32>
          %add3A_763 = arith.addf %add3A_694, %mul3A_762 : vector<16xf32>
          %add3A_764 = arith.addi %mul3A_156, %and3A_724 : vector<16xi32>
          %gather3A_765 = tpu.vector_load_idx %arg13[%add3A_764] : memref<20480xf32, #tpu.memory_space<vmem>>[vector<16xi32>], vector<16xf32>,
          %mul3A_766 = arith.mulf %gather3A_765, %gather3A_727 : vector<16xf32>
          %add3A_767 = arith.addf %add3A_698, %mul3A_766 : vector<16xf32>
          %mul3A_768 = arith.mulf %gather3A_765, %gather3A_765 : vector<16xf32>
          %add3A_769 = arith.addf %add3A_700, %mul3A_768 : vector<16xf32>
          %add3A_770 = arith.addi %mul3A_162, %and3A_724 : vector<16xi32>
          %gather3A_771 = tpu.vector_load_idx %arg13[%add3A_770] : memref<20480xf32, #tpu.memory_space<vmem>>[vector<16xi32>], vector<16xf32>,
          %mul3A_772 = arith.mulf %gather3A_771, %gather3A_727 : vector<16xf32>
          %add3A_773 = arith.addf %add3A_704, %mul3A_772 : vector<16xf32>
          %mul3A_774 = arith.mulf %gather3A_771, %gather3A_771 : vector<16xf32>
          %add3A_775 = arith.addf %add3A_706, %mul3A_774 : vector<16xf32>
          %add3A_776 = arith.addi %mul3A_168, %and3A_724 : vector<16xi32>
          %gather3A_777 = tpu.vector_load_idx %arg13[%add3A_776] : memref<20480xf32, #tpu.memory_space<vmem>>[vector<16xi32>], vector<16xf32>,
          %mul3A_778 = arith.mulf %gather3A_777, %gather3A_727 : vector<16xf32>
          %add3A_779 = arith.addf %add3A_710, %mul3A_778 : vector<16xf32>
          %mul3A_780 = arith.mulf %gather3A_777, %gather3A_777 : vector<16xf32>
          %add3A_781 = arith.addf %add3A_712, %mul3A_780 : vector<16xf32>
          %add3A_782 = arith.addi %mul3A_174, %and3A_724 : vector<16xi32>
          %gather3A_783 = tpu.vector_load_idx %arg13[%add3A_782] : memref<20480xf32, #tpu.memory_space<vmem>>[vector<16xi32>], vector<16xf32>,
          %mul3A_784 = arith.mulf %gather3A_783, %gather3A_727 : vector<16xf32>
          %add3A_785 = arith.addf %add3A_716, %mul3A_784 : vector<16xf32>
          %mul3A_786 = arith.mulf %gather3A_783, %gather3A_783 : vector<16xf32>
          %add3A_787 = arith.addf %add3A_718, %mul3A_786 : vector<16xf32>
          %add3A_788 = arith.constant 1 : i32
          %add3A_789 = vector.broadcast %add3A_788 : i32 to vector<16xi32>
          %add3A_790 = arith.addi %and3A_724, %add3A_789 : vector<16xi32>
          %and3A_791 = arith.constant 127 : i32
          %and3A_792 = vector.broadcast %and3A_791 : i32 to vector<16xi32>
          %and3A_793 = arith.andi %add3A_790, %and3A_792 : vector<16xi32>
          %scan3A_794 = arith.constant 5 : i32
          %scan3A_795 = arith.addi %scan3A_431, %scan3A_794 : i32
          %gather3A_796 = tpu.vector_load_idx %arg12[%and3A_793] : memref<128xf32, #tpu.memory_space<vmem>>[vector<16xi32>], vector<16xf32>,
          %add3A_797 = arith.addi %mul3A_120, %and3A_793 : vector<16xi32>
          %gather3A_798 = tpu.vector_load_idx %arg13[%add3A_797] : memref<20480xf32, #tpu.memory_space<vmem>>[vector<16xi32>], vector<16xf32>,
          %mul3A_799 = arith.mulf %gather3A_798, %gather3A_796 : vector<16xf32>
          %add3A_800 = arith.addf %add3A_731, %mul3A_799 : vector<16xf32>
          %mul3A_801 = arith.mulf %gather3A_798, %gather3A_798 : vector<16xf32>
          %add3A_802 = arith.addf %add3A_733, %mul3A_801 : vector<16xf32>
          %add3A_803 = arith.addi %mul3A_126, %and3A_793 : vector<16xi32>
          %gather3A_804 = tpu.vector_load_idx %arg13[%add3A_803] : memref<20480xf32, #tpu.memory_space<vmem>>[vector<16xi32>], vector<16xf32>,
          %mul3A_805 = arith.mulf %gather3A_804, %gather3A_796 : vector<16xf32>
          %add3A_806 = arith.addf %add3A_737, %mul3A_805 : vector<16xf32>
          %mul3A_807 = arith.mulf %gather3A_804, %gather3A_804 : vector<16xf32>
          %add3A_808 = arith.addf %add3A_739, %mul3A_807 : vector<16xf32>
          %add3A_809 = arith.addi %mul3A_132, %and3A_793 : vector<16xi32>
          %gather3A_810 = tpu.vector_load_idx %arg13[%add3A_809] : memref<20480xf32, #tpu.memory_space<vmem>>[vector<16xi32>], vector<16xf32>,
          %mul3A_811 = arith.mulf %gather3A_810, %gather3A_796 : vector<16xf32>
          %add3A_812 = arith.addf %add3A_743, %mul3A_811 : vector<16xf32>
          %mul3A_813 = arith.mulf %gather3A_810, %gather3A_810 : vector<16xf32>
          %add3A_814 = arith.addf %add3A_745, %mul3A_813 : vector<16xf32>
          %add3A_815 = arith.addi %mul3A_138, %and3A_793 : vector<16xi32>
          %gather3A_816 = tpu.vector_load_idx %arg13[%add3A_815] : memref<20480xf32, #tpu.memory_space<vmem>>[vector<16xi32>], vector<16xf32>,
          %mul3A_817 = arith.mulf %gather3A_816, %gather3A_796 : vector<16xf32>
          %add3A_818 = arith.addf %add3A_749, %mul3A_817 : vector<16xf32>
          %mul3A_819 = arith.mulf %gather3A_816, %gather3A_816 : vector<16xf32>
          %add3A_820 = arith.addf %add3A_751, %mul3A_819 : vector<16xf32>
          %add3A_821 = arith.addi %mul3A_144, %and3A_793 : vector<16xi32>
          %gather3A_822 = tpu.vector_load_idx %arg13[%add3A_821] : memref<20480xf32, #tpu.memory_space<vmem>>[vector<16xi32>], vector<16xf32>,
          %mul3A_823 = arith.mulf %gather3A_822, %gather3A_796 : vector<16xf32>
          %add3A_824 = arith.addf %add3A_755, %mul3A_823 : vector<16xf32>
          %mul3A_825 = arith.mulf %gather3A_822, %gather3A_822 : vector<16xf32>
          %add3A_826 = arith.addf %add3A_757, %mul3A_825 : vector<16xf32>
          %add3A_827 = arith.addi %mul3A_150, %and3A_793 : vector<16xi32>
          %gather3A_828 = tpu.vector_load_idx %arg13[%add3A_827] : memref<20480xf32, #tpu.memory_space<vmem>>[vector<16xi32>], vector<16xf32>,
          %mul3A_829 = arith.mulf %gather3A_828, %gather3A_796 : vector<16xf32>
          %add3A_830 = arith.addf %add3A_761, %mul3A_829 : vector<16xf32>
          %mul3A_831 = arith.mulf %gather3A_828, %gather3A_828 : vector<16xf32>
          %add3A_832 = arith.addf %add3A_763, %mul3A_831 : vector<16xf32>
          %add3A_833 = arith.addi %mul3A_156, %and3A_793 : vector<16xi32>
          %gather3A_834 = tpu.vector_load_idx %arg13[%add3A_833] : memref<20480xf32, #tpu.memory_space<vmem>>[vector<16xi32>], vector<16xf32>,
          %mul3A_835 = arith.mulf %gather3A_834, %gather3A_796 : vector<16xf32>
          %add3A_836 = arith.addf %add3A_767, %mul3A_835 : vector<16xf32>
          %mul3A_837 = arith.mulf %gather3A_834, %gather3A_834 : vector<16xf32>
          %add3A_838 = arith.addf %add3A_769, %mul3A_837 : vector<16xf32>
          %add3A_839 = arith.addi %mul3A_162, %and3A_793 : vector<16xi32>
          %gather3A_840 = tpu.vector_load_idx %arg13[%add3A_839] : memref<20480xf32, #tpu.memory_space<vmem>>[vector<16xi32>], vector<16xf32>,
          %mul3A_841 = arith.mulf %gather3A_840, %gather3A_796 : vector<16xf32>
          %add3A_842 = arith.addf %add3A_773, %mul3A_841 : vector<16xf32>
          %mul3A_843 = arith.mulf %gather3A_840, %gather3A_840 : vector<16xf32>
          %add3A_844 = arith.addf %add3A_775, %mul3A_843 : vector<16xf32>
          %add3A_845 = arith.addi %mul3A_168, %and3A_793 : vector<16xi32>
          %gather3A_846 = tpu.vector_load_idx %arg13[%add3A_845] : memref<20480xf32, #tpu.memory_space<vmem>>[vector<16xi32>], vector<16xf32>,
          %mul3A_847 = arith.mulf %gather3A_846, %gather3A_796 : vector<16xf32>
          %add3A_848 = arith.addf %add3A_779, %mul3A_847 : vector<16xf32>
          %mul3A_849 = arith.mulf %gather3A_846, %gather3A_846 : vector<16xf32>
          %add3A_850 = arith.addf %add3A_781, %mul3A_849 : vector<16xf32>
          %add3A_851 = arith.addi %mul3A_174, %and3A_793 : vector<16xi32>
          %gather3A_852 = tpu.vector_load_idx %arg13[%add3A_851] : memref<20480xf32, #tpu.memory_space<vmem>>[vector<16xi32>], vector<16xf32>,
          %mul3A_853 = arith.mulf %gather3A_852, %gather3A_796 : vector<16xf32>
          %add3A_854 = arith.addf %add3A_785, %mul3A_853 : vector<16xf32>
          %mul3A_855 = arith.mulf %gather3A_852, %gather3A_852 : vector<16xf32>
          %add3A_856 = arith.addf %add3A_787, %mul3A_855 : vector<16xf32>
          %add3A_857 = arith.constant 1 : i32
          %add3A_858 = vector.broadcast %add3A_857 : i32 to vector<16xi32>
          %add3A_859 = arith.addi %and3A_793, %add3A_858 : vector<16xi32>
          %and3A_860 = arith.constant 127 : i32
          %and3A_861 = vector.broadcast %and3A_860 : i32 to vector<16xi32>
          %and3A_862 = arith.andi %add3A_859, %and3A_861 : vector<16xi32>
          %scan3A_863 = arith.constant 6 : i32
          %scan3A_864 = arith.addi %scan3A_431, %scan3A_863 : i32
          %gather3A_865 = tpu.vector_load_idx %arg12[%and3A_862] : memref<128xf32, #tpu.memory_space<vmem>>[vector<16xi32>], vector<16xf32>,
          %add3A_866 = arith.addi %mul3A_120, %and3A_862 : vector<16xi32>
          %gather3A_867 = tpu.vector_load_idx %arg13[%add3A_866] : memref<20480xf32, #tpu.memory_space<vmem>>[vector<16xi32>], vector<16xf32>,
          %mul3A_868 = arith.mulf %gather3A_867, %gather3A_865 : vector<16xf32>
          %add3A_869 = arith.addf %add3A_800, %mul3A_868 : vector<16xf32>
          %mul3A_870 = arith.mulf %gather3A_867, %gather3A_867 : vector<16xf32>
          %add3A_871 = arith.addf %add3A_802, %mul3A_870 : vector<16xf32>
          %add3A_872 = arith.addi %mul3A_126, %and3A_862 : vector<16xi32>
          %gather3A_873 = tpu.vector_load_idx %arg13[%add3A_872] : memref<20480xf32, #tpu.memory_space<vmem>>[vector<16xi32>], vector<16xf32>,
          %mul3A_874 = arith.mulf %gather3A_873, %gather3A_865 : vector<16xf32>
          %add3A_875 = arith.addf %add3A_806, %mul3A_874 : vector<16xf32>
          %mul3A_876 = arith.mulf %gather3A_873, %gather3A_873 : vector<16xf32>
          %add3A_877 = arith.addf %add3A_808, %mul3A_876 : vector<16xf32>
          %add3A_878 = arith.addi %mul3A_132, %and3A_862 : vector<16xi32>
          %gather3A_879 = tpu.vector_load_idx %arg13[%add3A_878] : memref<20480xf32, #tpu.memory_space<vmem>>[vector<16xi32>], vector<16xf32>,
          %mul3A_880 = arith.mulf %gather3A_879, %gather3A_865 : vector<16xf32>
          %add3A_881 = arith.addf %add3A_812, %mul3A_880 : vector<16xf32>
          %mul3A_882 = arith.mulf %gather3A_879, %gather3A_879 : vector<16xf32>
          %add3A_883 = arith.addf %add3A_814, %mul3A_882 : vector<16xf32>
          %add3A_884 = arith.addi %mul3A_138, %and3A_862 : vector<16xi32>
          %gather3A_885 = tpu.vector_load_idx %arg13[%add3A_884] : memref<20480xf32, #tpu.memory_space<vmem>>[vector<16xi32>], vector<16xf32>,
          %mul3A_886 = arith.mulf %gather3A_885, %gather3A_865 : vector<16xf32>
          %add3A_887 = arith.addf %add3A_818, %mul3A_886 : vector<16xf32>
          %mul3A_888 = arith.mulf %gather3A_885, %gather3A_885 : vector<16xf32>
          %add3A_889 = arith.addf %add3A_820, %mul3A_888 : vector<16xf32>
          %add3A_890 = arith.addi %mul3A_144, %and3A_862 : vector<16xi32>
          %gather3A_891 = tpu.vector_load_idx %arg13[%add3A_890] : memref<20480xf32, #tpu.memory_space<vmem>>[vector<16xi32>], vector<16xf32>,
          %mul3A_892 = arith.mulf %gather3A_891, %gather3A_865 : vector<16xf32>
          %add3A_893 = arith.addf %add3A_824, %mul3A_892 : vector<16xf32>
          %mul3A_894 = arith.mulf %gather3A_891, %gather3A_891 : vector<16xf32>
          %add3A_895 = arith.addf %add3A_826, %mul3A_894 : vector<16xf32>
          %add3A_896 = arith.addi %mul3A_150, %and3A_862 : vector<16xi32>
          %gather3A_897 = tpu.vector_load_idx %arg13[%add3A_896] : memref<20480xf32, #tpu.memory_space<vmem>>[vector<16xi32>], vector<16xf32>,
          %mul3A_898 = arith.mulf %gather3A_897, %gather3A_865 : vector<16xf32>
          %add3A_899 = arith.addf %add3A_830, %mul3A_898 : vector<16xf32>
          %mul3A_900 = arith.mulf %gather3A_897, %gather3A_897 : vector<16xf32>
          %add3A_901 = arith.addf %add3A_832, %mul3A_900 : vector<16xf32>
          %add3A_902 = arith.addi %mul3A_156, %and3A_862 : vector<16xi32>
          %gather3A_903 = tpu.vector_load_idx %arg13[%add3A_902] : memref<20480xf32, #tpu.memory_space<vmem>>[vector<16xi32>], vector<16xf32>,
          %mul3A_904 = arith.mulf %gather3A_903, %gather3A_865 : vector<16xf32>
          %add3A_905 = arith.addf %add3A_836, %mul3A_904 : vector<16xf32>
          %mul3A_906 = arith.mulf %gather3A_903, %gather3A_903 : vector<16xf32>
          %add3A_907 = arith.addf %add3A_838, %mul3A_906 : vector<16xf32>
          %add3A_908 = arith.addi %mul3A_162, %and3A_862 : vector<16xi32>
          %gather3A_909 = tpu.vector_load_idx %arg13[%add3A_908] : memref<20480xf32, #tpu.memory_space<vmem>>[vector<16xi32>], vector<16xf32>,
          %mul3A_910 = arith.mulf %gather3A_909, %gather3A_865 : vector<16xf32>
          %add3A_911 = arith.addf %add3A_842, %mul3A_910 : vector<16xf32>
          %mul3A_912 = arith.mulf %gather3A_909, %gather3A_909 : vector<16xf32>
          %add3A_913 = arith.addf %add3A_844, %mul3A_912 : vector<16xf32>
          %add3A_914 = arith.addi %mul3A_168, %and3A_862 : vector<16xi32>
          %gather3A_915 = tpu.vector_load_idx %arg13[%add3A_914] : memref<20480xf32, #tpu.memory_space<vmem>>[vector<16xi32>], vector<16xf32>,
          %mul3A_916 = arith.mulf %gather3A_915, %gather3A_865 : vector<16xf32>
          %add3A_917 = arith.addf %add3A_848, %mul3A_916 : vector<16xf32>
          %mul3A_918 = arith.mulf %gather3A_915, %gather3A_915 : vector<16xf32>
          %add3A_919 = arith.addf %add3A_850, %mul3A_918 : vector<16xf32>
          %add3A_920 = arith.addi %mul3A_174, %and3A_862 : vector<16xi32>
          %gather3A_921 = tpu.vector_load_idx %arg13[%add3A_920] : memref<20480xf32, #tpu.memory_space<vmem>>[vector<16xi32>], vector<16xf32>,
          %mul3A_922 = arith.mulf %gather3A_921, %gather3A_865 : vector<16xf32>
          %add3A_923 = arith.addf %add3A_854, %mul3A_922 : vector<16xf32>
          %mul3A_924 = arith.mulf %gather3A_921, %gather3A_921 : vector<16xf32>
          %add3A_925 = arith.addf %add3A_856, %mul3A_924 : vector<16xf32>
          %add3A_926 = arith.constant 1 : i32
          %add3A_927 = vector.broadcast %add3A_926 : i32 to vector<16xi32>
          %add3A_928 = arith.addi %and3A_862, %add3A_927 : vector<16xi32>
          %and3A_929 = arith.constant 127 : i32
          %and3A_930 = vector.broadcast %and3A_929 : i32 to vector<16xi32>
          %and3A_931 = arith.andi %add3A_928, %and3A_930 : vector<16xi32>
          %scan3A_932 = arith.constant 7 : i32
          %scan3A_933 = arith.addi %scan3A_431, %scan3A_932 : i32
          %gather3A_934 = tpu.vector_load_idx %arg12[%and3A_931] : memref<128xf32, #tpu.memory_space<vmem>>[vector<16xi32>], vector<16xf32>,
          %add3A_935 = arith.addi %mul3A_120, %and3A_931 : vector<16xi32>
          %gather3A_936 = tpu.vector_load_idx %arg13[%add3A_935] : memref<20480xf32, #tpu.memory_space<vmem>>[vector<16xi32>], vector<16xf32>,
          %mul3A_937 = arith.mulf %gather3A_936, %gather3A_934 : vector<16xf32>
          %add3A_938 = arith.addf %add3A_869, %mul3A_937 : vector<16xf32>
          %mul3A_939 = arith.mulf %gather3A_936, %gather3A_936 : vector<16xf32>
          %add3A_940 = arith.addf %add3A_871, %mul3A_939 : vector<16xf32>
          %add3A_941 = arith.addi %mul3A_126, %and3A_931 : vector<16xi32>
          %gather3A_942 = tpu.vector_load_idx %arg13[%add3A_941] : memref<20480xf32, #tpu.memory_space<vmem>>[vector<16xi32>], vector<16xf32>,
          %mul3A_943 = arith.mulf %gather3A_942, %gather3A_934 : vector<16xf32>
          %add3A_944 = arith.addf %add3A_875, %mul3A_943 : vector<16xf32>
          %mul3A_945 = arith.mulf %gather3A_942, %gather3A_942 : vector<16xf32>
          %add3A_946 = arith.addf %add3A_877, %mul3A_945 : vector<16xf32>
          %add3A_947 = arith.addi %mul3A_132, %and3A_931 : vector<16xi32>
          %gather3A_948 = tpu.vector_load_idx %arg13[%add3A_947] : memref<20480xf32, #tpu.memory_space<vmem>>[vector<16xi32>], vector<16xf32>,
          %mul3A_949 = arith.mulf %gather3A_948, %gather3A_934 : vector<16xf32>
          %add3A_950 = arith.addf %add3A_881, %mul3A_949 : vector<16xf32>
          %mul3A_951 = arith.mulf %gather3A_948, %gather3A_948 : vector<16xf32>
          %add3A_952 = arith.addf %add3A_883, %mul3A_951 : vector<16xf32>
          %add3A_953 = arith.addi %mul3A_138, %and3A_931 : vector<16xi32>
          %gather3A_954 = tpu.vector_load_idx %arg13[%add3A_953] : memref<20480xf32, #tpu.memory_space<vmem>>[vector<16xi32>], vector<16xf32>,
          %mul3A_955 = arith.mulf %gather3A_954, %gather3A_934 : vector<16xf32>
          %add3A_956 = arith.addf %add3A_887, %mul3A_955 : vector<16xf32>
          %mul3A_957 = arith.mulf %gather3A_954, %gather3A_954 : vector<16xf32>
          %add3A_958 = arith.addf %add3A_889, %mul3A_957 : vector<16xf32>
          %add3A_959 = arith.addi %mul3A_144, %and3A_931 : vector<16xi32>
          %gather3A_960 = tpu.vector_load_idx %arg13[%add3A_959] : memref<20480xf32, #tpu.memory_space<vmem>>[vector<16xi32>], vector<16xf32>,
          %mul3A_961 = arith.mulf %gather3A_960, %gather3A_934 : vector<16xf32>
          %add3A_962 = arith.addf %add3A_893, %mul3A_961 : vector<16xf32>
          %mul3A_963 = arith.mulf %gather3A_960, %gather3A_960 : vector<16xf32>
          %add3A_964 = arith.addf %add3A_895, %mul3A_963 : vector<16xf32>
          %add3A_965 = arith.addi %mul3A_150, %and3A_931 : vector<16xi32>
          %gather3A_966 = tpu.vector_load_idx %arg13[%add3A_965] : memref<20480xf32, #tpu.memory_space<vmem>>[vector<16xi32>], vector<16xf32>,
          %mul3A_967 = arith.mulf %gather3A_966, %gather3A_934 : vector<16xf32>
          %add3A_968 = arith.addf %add3A_899, %mul3A_967 : vector<16xf32>
          %mul3A_969 = arith.mulf %gather3A_966, %gather3A_966 : vector<16xf32>
          %add3A_970 = arith.addf %add3A_901, %mul3A_969 : vector<16xf32>
          %add3A_971 = arith.addi %mul3A_156, %and3A_931 : vector<16xi32>
          %gather3A_972 = tpu.vector_load_idx %arg13[%add3A_971] : memref<20480xf32, #tpu.memory_space<vmem>>[vector<16xi32>], vector<16xf32>,
          %mul3A_973 = arith.mulf %gather3A_972, %gather3A_934 : vector<16xf32>
          %add3A_974 = arith.addf %add3A_905, %mul3A_973 : vector<16xf32>
          %mul3A_975 = arith.mulf %gather3A_972, %gather3A_972 : vector<16xf32>
          %add3A_976 = arith.addf %add3A_907, %mul3A_975 : vector<16xf32>
          %add3A_977 = arith.addi %mul3A_162, %and3A_931 : vector<16xi32>
          %gather3A_978 = tpu.vector_load_idx %arg13[%add3A_977] : memref<20480xf32, #tpu.memory_space<vmem>>[vector<16xi32>], vector<16xf32>,
          %mul3A_979 = arith.mulf %gather3A_978, %gather3A_934 : vector<16xf32>
          %add3A_980 = arith.addf %add3A_911, %mul3A_979 : vector<16xf32>
          %mul3A_981 = arith.mulf %gather3A_978, %gather3A_978 : vector<16xf32>
          %add3A_982 = arith.addf %add3A_913, %mul3A_981 : vector<16xf32>
          %add3A_983 = arith.addi %mul3A_168, %and3A_931 : vector<16xi32>
          %gather3A_984 = tpu.vector_load_idx %arg13[%add3A_983] : memref<20480xf32, #tpu.memory_space<vmem>>[vector<16xi32>], vector<16xf32>,
          %mul3A_985 = arith.mulf %gather3A_984, %gather3A_934 : vector<16xf32>
          %add3A_986 = arith.addf %add3A_917, %mul3A_985 : vector<16xf32>
          %mul3A_987 = arith.mulf %gather3A_984, %gather3A_984 : vector<16xf32>
          %add3A_988 = arith.addf %add3A_919, %mul3A_987 : vector<16xf32>
          %add3A_989 = arith.addi %mul3A_174, %and3A_931 : vector<16xi32>
          %gather3A_990 = tpu.vector_load_idx %arg13[%add3A_989] : memref<20480xf32, #tpu.memory_space<vmem>>[vector<16xi32>], vector<16xf32>,
          %mul3A_991 = arith.mulf %gather3A_990, %gather3A_934 : vector<16xf32>
          %add3A_992 = arith.addf %add3A_923, %mul3A_991 : vector<16xf32>
          %mul3A_993 = arith.mulf %gather3A_990, %gather3A_990 : vector<16xf32>
          %add3A_994 = arith.addf %add3A_925, %mul3A_993 : vector<16xf32>
          %add3A_995 = arith.constant 1 : i32
          %add3A_996 = vector.broadcast %add3A_995 : i32 to vector<16xi32>
          %add3A_997 = arith.addi %and3A_931, %add3A_996 : vector<16xi32>
          %and3A_998 = arith.constant 127 : i32
          %and3A_999 = vector.broadcast %and3A_998 : i32 to vector<16xi32>
          %and3A_1000 = arith.andi %add3A_997, %and3A_999 : vector<16xi32>
          scf.yield %and3A_1000, %add3A_938, %add3A_944, %add3A_950, %add3A_956, %add3A_962, %add3A_968, %add3A_974, %add3A_980, %add3A_986, %add3A_992, %add3A_940, %add3A_946, %add3A_952, %add3A_958, %add3A_964, %add3A_970, %add3A_976, %add3A_982, %add3A_988, %add3A_994 : vector<16xi32>, vector<16xf32>, vector<16xf32>, vector<16xf32>, vector<16xf32>, vector<16xf32>, vector<16xf32>, vector<16xf32>, vector<16xf32>, vector<16xf32>, vector<16xf32>, vector<16xf32>, vector<16xf32>, vector<16xf32>, vector<16xf32>, vector<16xf32>, vector<16xf32>, vector<16xf32>, vector<16xf32>, vector<16xf32>, vector<16xf32>
        }
        %scan3A_250 = arith.constant 128 : i32
        %get3A_251 = arith.constant 0 : index
        %get3A_252 = tpu.vector_load %arg17[%get3A_251] {strides = array<i32>} : memref<16xf32, #tpu.memory_space<vmem>>, vector<16xf32>,
        %get3A_253 = arith.constant 0 : index
        %get3A_254 = tpu.vector_load %arg18[%get3A_253] {strides = array<i32>} : memref<16xi32, #tpu.memory_space<vmem>>, vector<16xi32>,
        %get3A_255 = arith.constant 0 : index
        %get3A_256 = tpu.vector_load %arg15[%get3A_255] {strides = array<i32>} : memref<160xf32, #tpu.memory_space<vmem>>, vector<16xf32>,
        %max3A = arith.constant 1.000000e-16 : f32
        %max3A_257 = vector.broadcast %max3A : f32 to vector<16xf32>
        %max3A_258 = arith.maximumf %scan3A_249#11, %max3A_257 : vector<16xf32>
        %abs3A = math.absf %scan3A_249#1 : vector<16xf32>
        %mul3A_259 = arith.mulf %scan3A_249#1, %abs3A : vector<16xf32>
        %mul3A_260 = arith.mulf %get3A_256, %get3A_256 : vector<16xf32>
        %mul3A_261 = arith.mulf %mul3A_259, %mul3A_260 : vector<16xf32>
        %div3A = arith.divf %mul3A_261, %max3A_258 : vector<16xf32>
        %add3A_262 = arith.constant 0 : i32
        %add3A_263 = arith.addi %add3A_219, %add3A_262 : i32
        %add3A_264 = vector.broadcast %add3A_263 : i32 to vector<16xi32>
        %add3A_265 = arith.addi %add3A_264, %iota3A : vector<16xi32>
        %gt3A = arith.cmpf ogt, %div3A, %get3A_252 : vector<16xf32>
        %select_n3A = arith.select %gt3A, %div3A, %get3A_252 : vector<16xi1>, vector<16xf32>
        %select_n3A_266 = arith.select %gt3A, %add3A_265, %get3A_254 : vector<16xi1>, vector<16xi32>
        %get3A_267 = arith.constant 16 : index
        %get3A_268 = tpu.vector_load %arg15[%get3A_267] {strides = array<i32>} : memref<160xf32, #tpu.memory_space<vmem>>, vector<16xf32>,
        %max3A_269 = arith.constant 1.000000e-16 : f32
        %max3A_270 = vector.broadcast %max3A_269 : f32 to vector<16xf32>
        %max3A_271 = arith.maximumf %scan3A_249#12, %max3A_270 : vector<16xf32>
        %abs3A_272 = math.absf %scan3A_249#2 : vector<16xf32>
        %mul3A_273 = arith.mulf %scan3A_249#2, %abs3A_272 : vector<16xf32>
        %mul3A_274 = arith.mulf %get3A_268, %get3A_268 : vector<16xf32>
        %mul3A_275 = arith.mulf %mul3A_273, %mul3A_274 : vector<16xf32>
        %div3A_276 = arith.divf %mul3A_275, %max3A_271 : vector<16xf32>
        %add3A_277 = arith.constant 16 : i32
        %add3A_278 = arith.addi %add3A_219, %add3A_277 : i32
        %add3A_279 = vector.broadcast %add3A_278 : i32 to vector<16xi32>
        %add3A_280 = arith.addi %add3A_279, %iota3A : vector<16xi32>
        %gt3A_281 = arith.cmpf ogt, %div3A_276, %select_n3A : vector<16xf32>
        %select_n3A_282 = arith.select %gt3A_281, %div3A_276, %select_n3A : vector<16xi1>, vector<16xf32>
        %select_n3A_283 = arith.select %gt3A_281, %add3A_280, %select_n3A_266 : vector<16xi1>, vector<16xi32>
        %get3A_284 = arith.constant 32 : index
        %get3A_285 = tpu.vector_load %arg15[%get3A_284] {strides = array<i32>} : memref<160xf32, #tpu.memory_space<vmem>>, vector<16xf32>,
        %max3A_286 = arith.constant 1.000000e-16 : f32
        %max3A_287 = vector.broadcast %max3A_286 : f32 to vector<16xf32>
        %max3A_288 = arith.maximumf %scan3A_249#13, %max3A_287 : vector<16xf32>
        %abs3A_289 = math.absf %scan3A_249#3 : vector<16xf32>
        %mul3A_290 = arith.mulf %scan3A_249#3, %abs3A_289 : vector<16xf32>
        %mul3A_291 = arith.mulf %get3A_285, %get3A_285 : vector<16xf32>
        %mul3A_292 = arith.mulf %mul3A_290, %mul3A_291 : vector<16xf32>
        %div3A_293 = arith.divf %mul3A_292, %max3A_288 : vector<16xf32>
        %add3A_294 = arith.constant 32 : i32
        %add3A_295 = arith.addi %add3A_219, %add3A_294 : i32
        %add3A_296 = vector.broadcast %add3A_295 : i32 to vector<16xi32>
        %add3A_297 = arith.addi %add3A_296, %iota3A : vector<16xi32>
        %gt3A_298 = arith.cmpf ogt, %div3A_293, %select_n3A_282 : vector<16xf32>
        %select_n3A_299 = arith.select %gt3A_298, %div3A_293, %select_n3A_282 : vector<16xi1>, vector<16xf32>
        %select_n3A_300 = arith.select %gt3A_298, %add3A_297, %select_n3A_283 : vector<16xi1>, vector<16xi32>
        %get3A_301 = arith.constant 48 : index
        %get3A_302 = tpu.vector_load %arg15[%get3A_301] {strides = array<i32>} : memref<160xf32, #tpu.memory_space<vmem>>, vector<16xf32>,
        %max3A_303 = arith.constant 1.000000e-16 : f32
        %max3A_304 = vector.broadcast %max3A_303 : f32 to vector<16xf32>
        %max3A_305 = arith.maximumf %scan3A_249#14, %max3A_304 : vector<16xf32>
        %abs3A_306 = math.absf %scan3A_249#4 : vector<16xf32>
        %mul3A_307 = arith.mulf %scan3A_249#4, %abs3A_306 : vector<16xf32>
        %mul3A_308 = arith.mulf %get3A_302, %get3A_302 : vector<16xf32>
        %mul3A_309 = arith.mulf %mul3A_307, %mul3A_308 : vector<16xf32>
        %div3A_310 = arith.divf %mul3A_309, %max3A_305 : vector<16xf32>
        %add3A_311 = arith.constant 48 : i32
        %add3A_312 = arith.addi %add3A_219, %add3A_311 : i32
        %add3A_313 = vector.broadcast %add3A_312 : i32 to vector<16xi32>
        %add3A_314 = arith.addi %add3A_313, %iota3A : vector<16xi32>
        %gt3A_315 = arith.cmpf ogt, %div3A_310, %select_n3A_299 : vector<16xf32>
        %select_n3A_316 = arith.select %gt3A_315, %div3A_310, %select_n3A_299 : vector<16xi1>, vector<16xf32>
        %select_n3A_317 = arith.select %gt3A_315, %add3A_314, %select_n3A_300 : vector<16xi1>, vector<16xi32>
        %get3A_318 = arith.constant 64 : index
        %get3A_319 = tpu.vector_load %arg15[%get3A_318] {strides = array<i32>} : memref<160xf32, #tpu.memory_space<vmem>>, vector<16xf32>,
        %max3A_320 = arith.constant 1.000000e-16 : f32
        %max3A_321 = vector.broadcast %max3A_320 : f32 to vector<16xf32>
        %max3A_322 = arith.maximumf %scan3A_249#15, %max3A_321 : vector<16xf32>
        %abs3A_323 = math.absf %scan3A_249#5 : vector<16xf32>
        %mul3A_324 = arith.mulf %scan3A_249#5, %abs3A_323 : vector<16xf32>
        %mul3A_325 = arith.mulf %get3A_319, %get3A_319 : vector<16xf32>
        %mul3A_326 = arith.mulf %mul3A_324, %mul3A_325 : vector<16xf32>
        %div3A_327 = arith.divf %mul3A_326, %max3A_322 : vector<16xf32>
        %add3A_328 = arith.constant 64 : i32
        %add3A_329 = arith.addi %add3A_219, %add3A_328 : i32
        %add3A_330 = vector.broadcast %add3A_329 : i32 to vector<16xi32>
        %add3A_331 = arith.addi %add3A_330, %iota3A : vector<16xi32>
        %gt3A_332 = arith.cmpf ogt, %div3A_327, %select_n3A_316 : vector<16xf32>
        %select_n3A_333 = arith.select %gt3A_332, %div3A_327, %select_n3A_316 : vector<16xi1>, vector<16xf32>
        %select_n3A_334 = arith.select %gt3A_332, %add3A_331, %select_n3A_317 : vector<16xi1>, vector<16xi32>
        %get3A_335 = arith.constant 80 : index
        %get3A_336 = tpu.vector_load %arg15[%get3A_335] {strides = array<i32>} : memref<160xf32, #tpu.memory_space<vmem>>, vector<16xf32>,
        %max3A_337 = arith.constant 1.000000e-16 : f32
        %max3A_338 = vector.broadcast %max3A_337 : f32 to vector<16xf32>
        %max3A_339 = arith.maximumf %scan3A_249#16, %max3A_338 : vector<16xf32>
        %abs3A_340 = math.absf %scan3A_249#6 : vector<16xf32>
        %mul3A_341 = arith.mulf %scan3A_249#6, %abs3A_340 : vector<16xf32>
        %mul3A_342 = arith.mulf %get3A_336, %get3A_336 : vector<16xf32>
        %mul3A_343 = arith.mulf %mul3A_341, %mul3A_342 : vector<16xf32>
        %div3A_344 = arith.divf %mul3A_343, %max3A_339 : vector<16xf32>
        %add3A_345 = arith.constant 80 : i32
        %add3A_346 = arith.addi %add3A_219, %add3A_345 : i32
        %add3A_347 = vector.broadcast %add3A_346 : i32 to vector<16xi32>
        %add3A_348 = arith.addi %add3A_347, %iota3A : vector<16xi32>
        %gt3A_349 = arith.cmpf ogt, %div3A_344, %select_n3A_333 : vector<16xf32>
        %select_n3A_350 = arith.select %gt3A_349, %div3A_344, %select_n3A_333 : vector<16xi1>, vector<16xf32>
        %select_n3A_351 = arith.select %gt3A_349, %add3A_348, %select_n3A_334 : vector<16xi1>, vector<16xi32>
        %get3A_352 = arith.constant 96 : index
        %get3A_353 = tpu.vector_load %arg15[%get3A_352] {strides = array<i32>} : memref<160xf32, #tpu.memory_space<vmem>>, vector<16xf32>,
        %max3A_354 = arith.constant 1.000000e-16 : f32
        %max3A_355 = vector.broadcast %max3A_354 : f32 to vector<16xf32>
        %max3A_356 = arith.maximumf %scan3A_249#17, %max3A_355 : vector<16xf32>
        %abs3A_357 = math.absf %scan3A_249#7 : vector<16xf32>
        %mul3A_358 = arith.mulf %scan3A_249#7, %abs3A_357 : vector<16xf32>
        %mul3A_359 = arith.mulf %get3A_353, %get3A_353 : vector<16xf32>
        %mul3A_360 = arith.mulf %mul3A_358, %mul3A_359 : vector<16xf32>
        %div3A_361 = arith.divf %mul3A_360, %max3A_356 : vector<16xf32>
        %add3A_362 = arith.constant 96 : i32
        %add3A_363 = arith.addi %add3A_219, %add3A_362 : i32
        %add3A_364 = vector.broadcast %add3A_363 : i32 to vector<16xi32>
        %add3A_365 = arith.addi %add3A_364, %iota3A : vector<16xi32>
        %gt3A_366 = arith.cmpf ogt, %div3A_361, %select_n3A_350 : vector<16xf32>
        %select_n3A_367 = arith.select %gt3A_366, %div3A_361, %select_n3A_350 : vector<16xi1>, vector<16xf32>
        %select_n3A_368 = arith.select %gt3A_366, %add3A_365, %select_n3A_351 : vector<16xi1>, vector<16xi32>
        %get3A_369 = arith.constant 112 : index
        %get3A_370 = tpu.vector_load %arg15[%get3A_369] {strides = array<i32>} : memref<160xf32, #tpu.memory_space<vmem>>, vector<16xf32>,
        %max3A_371 = arith.constant 1.000000e-16 : f32
        %max3A_372 = vector.broadcast %max3A_371 : f32 to vector<16xf32>
        %max3A_373 = arith.maximumf %scan3A_249#18, %max3A_372 : vector<16xf32>
        %abs3A_374 = math.absf %scan3A_249#8 : vector<16xf32>
        %mul3A_375 = arith.mulf %scan3A_249#8, %abs3A_374 : vector<16xf32>
        %mul3A_376 = arith.mulf %get3A_370, %get3A_370 : vector<16xf32>
        %mul3A_377 = arith.mulf %mul3A_375, %mul3A_376 : vector<16xf32>
        %div3A_378 = arith.divf %mul3A_377, %max3A_373 : vector<16xf32>
        %add3A_379 = arith.constant 112 : i32
        %add3A_380 = arith.addi %add3A_219, %add3A_379 : i32
        %add3A_381 = vector.broadcast %add3A_380 : i32 to vector<16xi32>
        %add3A_382 = arith.addi %add3A_381, %iota3A : vector<16xi32>
        %gt3A_383 = arith.cmpf ogt, %div3A_378, %select_n3A_367 : vector<16xf32>
        %select_n3A_384 = arith.select %gt3A_383, %div3A_378, %select_n3A_367 : vector<16xi1>, vector<16xf32>
        %select_n3A_385 = arith.select %gt3A_383, %add3A_382, %select_n3A_368 : vector<16xi1>, vector<16xi32>
        %get3A_386 = arith.constant 128 : index
        %get3A_387 = tpu.vector_load %arg15[%get3A_386] {strides = array<i32>} : memref<160xf32, #tpu.memory_space<vmem>>, vector<16xf32>,
        %max3A_388 = arith.constant 1.000000e-16 : f32
        %max3A_389 = vector.broadcast %max3A_388 : f32 to vector<16xf32>
        %max3A_390 = arith.maximumf %scan3A_249#19, %max3A_389 : vector<16xf32>
        %abs3A_391 = math.absf %scan3A_249#9 : vector<16xf32>
        %mul3A_392 = arith.mulf %scan3A_249#9, %abs3A_391 : vector<16xf32>
        %mul3A_393 = arith.mulf %get3A_387, %get3A_387 : vector<16xf32>
        %mul3A_394 = arith.mulf %mul3A_392, %mul3A_393 : vector<16xf32>
        %div3A_395 = arith.divf %mul3A_394, %max3A_390 : vector<16xf32>
        %add3A_396 = arith.constant 128 : i32
        %add3A_397 = arith.addi %add3A_219, %add3A_396 : i32
        %add3A_398 = vector.broadcast %add3A_397 : i32 to vector<16xi32>
        %add3A_399 = arith.addi %add3A_398, %iota3A : vector<16xi32>
        %gt3A_400 = arith.cmpf ogt, %div3A_395, %select_n3A_384 : vector<16xf32>
        %select_n3A_401 = arith.select %gt3A_400, %div3A_395, %select_n3A_384 : vector<16xi1>, vector<16xf32>
        %select_n3A_402 = arith.select %gt3A_400, %add3A_399, %select_n3A_385 : vector<16xi1>, vector<16xi32>
        %get3A_403 = arith.constant 144 : index
        %get3A_404 = tpu.vector_load %arg15[%get3A_403] {strides = array<i32>} : memref<160xf32, #tpu.memory_space<vmem>>, vector<16xf32>,
        %max3A_405 = arith.constant 1.000000e-16 : f32
        %max3A_406 = vector.broadcast %max3A_405 : f32 to vector<16xf32>
        %max3A_407 = arith.maximumf %scan3A_249#20, %max3A_406 : vector<16xf32>
        %abs3A_408 = math.absf %scan3A_249#10 : vector<16xf32>
        %mul3A_409 = arith.mulf %scan3A_249#10, %abs3A_408 : vector<16xf32>
        %mul3A_410 = arith.mulf %get3A_404, %get3A_404 : vector<16xf32>
        %mul3A_411 = arith.mulf %mul3A_409, %mul3A_410 : vector<16xf32>
        %div3A_412 = arith.divf %mul3A_411, %max3A_407 : vector<16xf32>
        %add3A_413 = arith.constant 144 : i32
        %add3A_414 = arith.addi %add3A_219, %add3A_413 : i32
        %add3A_415 = vector.broadcast %add3A_414 : i32 to vector<16xi32>
        %add3A_416 = arith.addi %add3A_415, %iota3A : vector<16xi32>
        %gt3A_417 = arith.cmpf ogt, %div3A_412, %select_n3A_401 : vector<16xf32>
        %select_n3A_418 = arith.select %gt3A_417, %div3A_412, %select_n3A_401 : vector<16xi1>, vector<16xf32>
        %select_n3A_419 = arith.select %gt3A_417, %add3A_416, %select_n3A_402 : vector<16xi1>, vector<16xi32>
        %swap3A_420 = arith.constant 0 : index
        %swap3A_421 = tpu.vector_load %arg17[%swap3A_420] {strides = array<i32>} : memref<16xf32, #tpu.memory_space<vmem>>, vector<16xf32>,
        tpu.vector_store %arg17[%swap3A_420], %select_n3A_418 {strides = array<i32>} : memref<16xf32, #tpu.memory_space<vmem>>, vector<16xf32>,
        %swap3A_422 = arith.constant 0 : index
        %swap3A_423 = tpu.vector_load %arg18[%swap3A_422] {strides = array<i32>} : memref<16xi32, #tpu.memory_space<vmem>>, vector<16xi32>,
        tpu.vector_store %arg18[%swap3A_422], %select_n3A_419 {strides = array<i32>} : memref<16xi32, #tpu.memory_space<vmem>>, vector<16xi32>,
        %add3A_424 = arith.constant 32 : i32
        %add3A_425 = arith.addi %add3A_197, %add3A_424 : i32
        %lt3A_426 = arith.constant 113 : i32
        %lt3A_427 = arith.cmpi slt, %add3A_425, %lt3A_426 : i32
        %convert_element_type3A_428 = arith.extui %lt3A_427 : i1 to i32
        %cond3A_429 = arith.constant 0 : i32
        %cond3A_430 = arith.cmpi ne, %convert_element_type3A_428, %cond3A_429 : i32
        scf.if %cond3A_430 {
          %mul3A_431 = arith.constant 160 : i32
          %mul3A_432 = arith.muli %add3A_425, %mul3A_431 : i32
          %add3A_433 = arith.constant 81920 : i32
          %add3A_434 = arith.addi %add3A_433, %mul3A_432 : i32
          %mul3A_435 = arith.constant 128 : i32
          %mul3A_436 = arith.muli %add3A_434, %mul3A_435 : i32
          %dma_start3A = tpu.memref_slice %arg3[%mul3A_436] : memref<12800000xf32, #tpu.memory_space<hbm>> -> memref<20480xf32, #tpu.memory_space<hbm>>
          %dma_start3A_437 = tpu.memref_slice %arg3[%mul3A_436] : memref<12800000xf32, #tpu.memory_space<hbm>> -> memref<20480xf32, #tpu.memory_space<hbm>>
          tpu.enqueue_dma source(%dma_start3A_437 : memref<20480xf32, #tpu.memory_space<hbm>>) target(%arg13 : memref<20480xf32, #tpu.memory_space<vmem>>) target_semaphore(%arg19 : memref<!tpu.dma_semaphore, #tpu.memory_space<semaphore_mem>>)
          %dma_start3A_438 = tpu.memref_slice %arg4[%add3A_434] : memref<100000xf32, #tpu.memory_space<hbm>> -> memref<160xf32, #tpu.memory_space<hbm>>
          %dma_start3A_439 = tpu.memref_slice %arg4[%add3A_434] : memref<100000xf32, #tpu.memory_space<hbm>> -> memref<160xf32, #tpu.memory_space<hbm>>
          tpu.enqueue_dma source(%dma_start3A_439 : memref<160xf32, #tpu.memory_space<hbm>>) target(%arg15 : memref<160xf32, #tpu.memory_space<vmem>>) target_semaphore(%arg19 : memref<!tpu.dma_semaphore, #tpu.memory_space<semaphore_mem>>)
        } else {
        }
      } else {
      }
      %mul3A_203 = arith.constant 2 : i32
      %mul3A_204 = arith.muli %scan3A_191, %mul3A_203 : i32
      %add3A_205 = arith.constant 1 : i32
      %add3A_206 = arith.addi %mul3A_204, %add3A_205 : i32
      %mul3A_207 = arith.constant 16 : i32
      %mul3A_208 = arith.muli %add3A_206, %mul3A_207 : i32
      %add3A_209 = arith.addi %mul3A_208, %add3A : i32
      %lt3A_210 = arith.constant 113 : i32
      %lt3A_211 = arith.cmpi slt, %add3A_209, %lt3A_210 : i32
      %convert_element_type3A_212 = arith.extui %lt3A_211 : i1 to i32
      %cond3A_213 = arith.constant 0 : i32
      %cond3A_214 = arith.cmpi ne, %convert_element_type3A_212, %cond3A_213 : i32
      scf.if %cond3A_214 {
        %mul3A_216 = arith.constant 160 : i32
        %mul3A_217 = arith.muli %add3A_209, %mul3A_216 : i32
        %add3A_218 = arith.constant 81920 : i32
        %add3A_219 = arith.addi %add3A_218, %mul3A_217 : i32
        %mul3A_220 = arith.constant 128 : i32
        %mul3A_221 = arith.muli %add3A_219, %mul3A_220 : i32
        %dma_wait3A = tpu.memref_slice %arg3[%mul3A_221] : memref<12800000xf32, #tpu.memory_space<hbm>> -> memref<20480xf32, #tpu.memory_space<hbm>>
        %dma_wait3A_222 = tpu.memref_slice %arg3[%mul3A_221] : memref<12800000xf32, #tpu.memory_space<hbm>> -> memref<20480xf32, #tpu.memory_space<hbm>>
        tpu.wait_dma2 semaphore(%arg20 : memref<!tpu.dma_semaphore, #tpu.memory_space<semaphore_mem>>) src(%dma_wait3A_222 : memref<20480xf32, #tpu.memory_space<hbm>>) dst(%arg14 : memref<20480xf32, #tpu.memory_space<vmem>>)
        %dma_wait3A_223 = tpu.memref_slice %arg4[%add3A_219] : memref<100000xf32, #tpu.memory_space<hbm>> -> memref<160xf32, #tpu.memory_space<hbm>>
        %dma_wait3A_224 = tpu.memref_slice %arg4[%add3A_219] : memref<100000xf32, #tpu.memory_space<hbm>> -> memref<160xf32, #tpu.memory_space<hbm>>
        tpu.wait_dma2 semaphore(%arg20 : memref<!tpu.dma_semaphore, #tpu.memory_space<semaphore_mem>>) src(%dma_wait3A_224 : memref<160xf32, #tpu.memory_space<hbm>>) dst(%arg16 : memref<160xf32, #tpu.memory_space<vmem>>)
        %broadcast_in_dim3A_225 = arith.constant 0.000000e+00 : f32
        %broadcast_in_dim3A_226 = vector.broadcast %broadcast_in_dim3A_225 : f32 to vector<16xf32>
        %broadcast_in_dim3A_227 = arith.constant 0.000000e+00 : f32
        %broadcast_in_dim3A_228 = vector.broadcast %broadcast_in_dim3A_227 : f32 to vector<16xf32>
        %broadcast_in_dim3A_229 = arith.constant 0.000000e+00 : f32
        %broadcast_in_dim3A_230 = vector.broadcast %broadcast_in_dim3A_229 : f32 to vector<16xf32>
        %broadcast_in_dim3A_231 = arith.constant 0.000000e+00 : f32
        %broadcast_in_dim3A_232 = vector.broadcast %broadcast_in_dim3A_231 : f32 to vector<16xf32>
        %broadcast_in_dim3A_233 = arith.constant 0.000000e+00 : f32
        %broadcast_in_dim3A_234 = vector.broadcast %broadcast_in_dim3A_233 : f32 to vector<16xf32>
        %broadcast_in_dim3A_235 = arith.constant 0.000000e+00 : f32
        %broadcast_in_dim3A_236 = vector.broadcast %broadcast_in_dim3A_235 : f32 to vector<16xf32>
        %broadcast_in_dim3A_237 = arith.constant 0.000000e+00 : f32
        %broadcast_in_dim3A_238 = vector.broadcast %broadcast_in_dim3A_237 : f32 to vector<16xf32>
        %broadcast_in_dim3A_239 = arith.constant 0.000000e+00 : f32
        %broadcast_in_dim3A_240 = vector.broadcast %broadcast_in_dim3A_239 : f32 to vector<16xf32>
        %broadcast_in_dim3A_241 = arith.constant 0.000000e+00 : f32
        %broadcast_in_dim3A_242 = vector.broadcast %broadcast_in_dim3A_241 : f32 to vector<16xf32>
        %broadcast_in_dim3A_243 = arith.constant 0.000000e+00 : f32
        %broadcast_in_dim3A_244 = vector.broadcast %broadcast_in_dim3A_243 : f32 to vector<16xf32>
        %scan3A_245 = arith.constant 0 : i32
        %scan3A_246 = arith.constant 128 : i32
        %scan3A_247 = arith.addi %scan3A_245, %scan3A_246 : i32
        %scan3A_248 = arith.constant 8 : i32
        %scan3A_249:21 = scf.for %scan3A_431 = %scan3A_245 to %scan3A_247 step %scan3A_248 iter_args(%scan3A_432 = %iota3A, %scan3A_433 = %broadcast_in_dim3A_226, %scan3A_434 = %broadcast_in_dim3A_228, %scan3A_435 = %broadcast_in_dim3A_230, %scan3A_436 = %broadcast_in_dim3A_232, %scan3A_437 = %broadcast_in_dim3A_234, %scan3A_438 = %broadcast_in_dim3A_236, %scan3A_439 = %broadcast_in_dim3A_238, %scan3A_440 = %broadcast_in_dim3A_240, %scan3A_441 = %broadcast_in_dim3A_242, %scan3A_442 = %broadcast_in_dim3A_244, %scan3A_443 = %broadcast_in_dim3A_226, %scan3A_444 = %broadcast_in_dim3A_228, %scan3A_445 = %broadcast_in_dim3A_230, %scan3A_446 = %broadcast_in_dim3A_232, %scan3A_447 = %broadcast_in_dim3A_234, %scan3A_448 = %broadcast_in_dim3A_236, %scan3A_449 = %broadcast_in_dim3A_238, %scan3A_450 = %broadcast_in_dim3A_240, %scan3A_451 = %broadcast_in_dim3A_242, %scan3A_452 = %broadcast_in_dim3A_244) -> (vector<16xi32>, vector<16xf32>, vector<16xf32>, vector<16xf32>, vector<16xf32>, vector<16xf32>, vector<16xf32>, vector<16xf32>, vector<16xf32>, vector<16xf32>, vector<16xf32>, vector<16xf32>, vector<16xf32>, vector<16xf32>, vector<16xf32>, vector<16xf32>, vector<16xf32>, vector<16xf32>, vector<16xf32>, vector<16xf32>, vector<16xf32>)  : i32 {
          %gather3A = tpu.vector_load_idx %arg12[%scan3A_432] : memref<128xf32, #tpu.memory_space<vmem>>[vector<16xi32>], vector<16xf32>,
          %add3A_453 = arith.addi %mul3A_120, %scan3A_432 : vector<16xi32>
          %gather3A_454 = tpu.vector_load_idx %arg14[%add3A_453] : memref<20480xf32, #tpu.memory_space<vmem>>[vector<16xi32>], vector<16xf32>,
          %mul3A_455 = arith.mulf %gather3A_454, %gather3A : vector<16xf32>
          %add3A_456 = arith.addf %scan3A_433, %mul3A_455 : vector<16xf32>
          %mul3A_457 = arith.mulf %gather3A_454, %gather3A_454 : vector<16xf32>
          %add3A_458 = arith.addf %scan3A_443, %mul3A_457 : vector<16xf32>
          %add3A_459 = arith.addi %mul3A_126, %scan3A_432 : vector<16xi32>
          %gather3A_460 = tpu.vector_load_idx %arg14[%add3A_459] : memref<20480xf32, #tpu.memory_space<vmem>>[vector<16xi32>], vector<16xf32>,
          %mul3A_461 = arith.mulf %gather3A_460, %gather3A : vector<16xf32>
          %add3A_462 = arith.addf %scan3A_434, %mul3A_461 : vector<16xf32>
          %mul3A_463 = arith.mulf %gather3A_460, %gather3A_460 : vector<16xf32>
          %add3A_464 = arith.addf %scan3A_444, %mul3A_463 : vector<16xf32>
          %add3A_465 = arith.addi %mul3A_132, %scan3A_432 : vector<16xi32>
          %gather3A_466 = tpu.vector_load_idx %arg14[%add3A_465] : memref<20480xf32, #tpu.memory_space<vmem>>[vector<16xi32>], vector<16xf32>,
          %mul3A_467 = arith.mulf %gather3A_466, %gather3A : vector<16xf32>
          %add3A_468 = arith.addf %scan3A_435, %mul3A_467 : vector<16xf32>
          %mul3A_469 = arith.mulf %gather3A_466, %gather3A_466 : vector<16xf32>
          %add3A_470 = arith.addf %scan3A_445, %mul3A_469 : vector<16xf32>
          %add3A_471 = arith.addi %mul3A_138, %scan3A_432 : vector<16xi32>
          %gather3A_472 = tpu.vector_load_idx %arg14[%add3A_471] : memref<20480xf32, #tpu.memory_space<vmem>>[vector<16xi32>], vector<16xf32>,
          %mul3A_473 = arith.mulf %gather3A_472, %gather3A : vector<16xf32>
          %add3A_474 = arith.addf %scan3A_436, %mul3A_473 : vector<16xf32>
          %mul3A_475 = arith.mulf %gather3A_472, %gather3A_472 : vector<16xf32>
          %add3A_476 = arith.addf %scan3A_446, %mul3A_475 : vector<16xf32>
          %add3A_477 = arith.addi %mul3A_144, %scan3A_432 : vector<16xi32>
          %gather3A_478 = tpu.vector_load_idx %arg14[%add3A_477] : memref<20480xf32, #tpu.memory_space<vmem>>[vector<16xi32>], vector<16xf32>,
          %mul3A_479 = arith.mulf %gather3A_478, %gather3A : vector<16xf32>
          %add3A_480 = arith.addf %scan3A_437, %mul3A_479 : vector<16xf32>
          %mul3A_481 = arith.mulf %gather3A_478, %gather3A_478 : vector<16xf32>
          %add3A_482 = arith.addf %scan3A_447, %mul3A_481 : vector<16xf32>
          %add3A_483 = arith.addi %mul3A_150, %scan3A_432 : vector<16xi32>
          %gather3A_484 = tpu.vector_load_idx %arg14[%add3A_483] : memref<20480xf32, #tpu.memory_space<vmem>>[vector<16xi32>], vector<16xf32>,
          %mul3A_485 = arith.mulf %gather3A_484, %gather3A : vector<16xf32>
          %add3A_486 = arith.addf %scan3A_438, %mul3A_485 : vector<16xf32>
          %mul3A_487 = arith.mulf %gather3A_484, %gather3A_484 : vector<16xf32>
          %add3A_488 = arith.addf %scan3A_448, %mul3A_487 : vector<16xf32>
          %add3A_489 = arith.addi %mul3A_156, %scan3A_432 : vector<16xi32>
          %gather3A_490 = tpu.vector_load_idx %arg14[%add3A_489] : memref<20480xf32, #tpu.memory_space<vmem>>[vector<16xi32>], vector<16xf32>,
          %mul3A_491 = arith.mulf %gather3A_490, %gather3A : vector<16xf32>
          %add3A_492 = arith.addf %scan3A_439, %mul3A_491 : vector<16xf32>
          %mul3A_493 = arith.mulf %gather3A_490, %gather3A_490 : vector<16xf32>
          %add3A_494 = arith.addf %scan3A_449, %mul3A_493 : vector<16xf32>
          %add3A_495 = arith.addi %mul3A_162, %scan3A_432 : vector<16xi32>
          %gather3A_496 = tpu.vector_load_idx %arg14[%add3A_495] : memref<20480xf32, #tpu.memory_space<vmem>>[vector<16xi32>], vector<16xf32>,
          %mul3A_497 = arith.mulf %gather3A_496, %gather3A : vector<16xf32>
          %add3A_498 = arith.addf %scan3A_440, %mul3A_497 : vector<16xf32>
          %mul3A_499 = arith.mulf %gather3A_496, %gather3A_496 : vector<16xf32>
          %add3A_500 = arith.addf %scan3A_450, %mul3A_499 : vector<16xf32>
          %add3A_501 = arith.addi %mul3A_168, %scan3A_432 : vector<16xi32>
          %gather3A_502 = tpu.vector_load_idx %arg14[%add3A_501] : memref<20480xf32, #tpu.memory_space<vmem>>[vector<16xi32>], vector<16xf32>,
          %mul3A_503 = arith.mulf %gather3A_502, %gather3A : vector<16xf32>
          %add3A_504 = arith.addf %scan3A_441, %mul3A_503 : vector<16xf32>
          %mul3A_505 = arith.mulf %gather3A_502, %gather3A_502 : vector<16xf32>
          %add3A_506 = arith.addf %scan3A_451, %mul3A_505 : vector<16xf32>
          %add3A_507 = arith.addi %mul3A_174, %scan3A_432 : vector<16xi32>
          %gather3A_508 = tpu.vector_load_idx %arg14[%add3A_507] : memref<20480xf32, #tpu.memory_space<vmem>>[vector<16xi32>], vector<16xf32>,
          %mul3A_509 = arith.mulf %gather3A_508, %gather3A : vector<16xf32>
          %add3A_510 = arith.addf %scan3A_442, %mul3A_509 : vector<16xf32>
          %mul3A_511 = arith.mulf %gather3A_508, %gather3A_508 : vector<16xf32>
          %add3A_512 = arith.addf %scan3A_452, %mul3A_511 : vector<16xf32>
          %add3A_513 = arith.constant 1 : i32
          %add3A_514 = vector.broadcast %add3A_513 : i32 to vector<16xi32>
          %add3A_515 = arith.addi %scan3A_432, %add3A_514 : vector<16xi32>
          %and3A = arith.constant 127 : i32
          %and3A_516 = vector.broadcast %and3A : i32 to vector<16xi32>
          %and3A_517 = arith.andi %add3A_515, %and3A_516 : vector<16xi32>
          %scan3A_518 = arith.constant 1 : i32
          %scan3A_519 = arith.addi %scan3A_431, %scan3A_518 : i32
          %gather3A_520 = tpu.vector_load_idx %arg12[%and3A_517] : memref<128xf32, #tpu.memory_space<vmem>>[vector<16xi32>], vector<16xf32>,
          %add3A_521 = arith.addi %mul3A_120, %and3A_517 : vector<16xi32>
          %gather3A_522 = tpu.vector_load_idx %arg14[%add3A_521] : memref<20480xf32, #tpu.memory_space<vmem>>[vector<16xi32>], vector<16xf32>,
          %mul3A_523 = arith.mulf %gather3A_522, %gather3A_520 : vector<16xf32>
          %add3A_524 = arith.addf %add3A_456, %mul3A_523 : vector<16xf32>
          %mul3A_525 = arith.mulf %gather3A_522, %gather3A_522 : vector<16xf32>
          %add3A_526 = arith.addf %add3A_458, %mul3A_525 : vector<16xf32>
          %add3A_527 = arith.addi %mul3A_126, %and3A_517 : vector<16xi32>
          %gather3A_528 = tpu.vector_load_idx %arg14[%add3A_527] : memref<20480xf32, #tpu.memory_space<vmem>>[vector<16xi32>], vector<16xf32>,
          %mul3A_529 = arith.mulf %gather3A_528, %gather3A_520 : vector<16xf32>
          %add3A_530 = arith.addf %add3A_462, %mul3A_529 : vector<16xf32>
          %mul3A_531 = arith.mulf %gather3A_528, %gather3A_528 : vector<16xf32>
          %add3A_532 = arith.addf %add3A_464, %mul3A_531 : vector<16xf32>
          %add3A_533 = arith.addi %mul3A_132, %and3A_517 : vector<16xi32>
          %gather3A_534 = tpu.vector_load_idx %arg14[%add3A_533] : memref<20480xf32, #tpu.memory_space<vmem>>[vector<16xi32>], vector<16xf32>,
          %mul3A_535 = arith.mulf %gather3A_534, %gather3A_520 : vector<16xf32>
          %add3A_536 = arith.addf %add3A_468, %mul3A_535 : vector<16xf32>
          %mul3A_537 = arith.mulf %gather3A_534, %gather3A_534 : vector<16xf32>
          %add3A_538 = arith.addf %add3A_470, %mul3A_537 : vector<16xf32>
          %add3A_539 = arith.addi %mul3A_138, %and3A_517 : vector<16xi32>
          %gather3A_540 = tpu.vector_load_idx %arg14[%add3A_539] : memref<20480xf32, #tpu.memory_space<vmem>>[vector<16xi32>], vector<16xf32>,
          %mul3A_541 = arith.mulf %gather3A_540, %gather3A_520 : vector<16xf32>
          %add3A_542 = arith.addf %add3A_474, %mul3A_541 : vector<16xf32>
          %mul3A_543 = arith.mulf %gather3A_540, %gather3A_540 : vector<16xf32>
          %add3A_544 = arith.addf %add3A_476, %mul3A_543 : vector<16xf32>
          %add3A_545 = arith.addi %mul3A_144, %and3A_517 : vector<16xi32>
          %gather3A_546 = tpu.vector_load_idx %arg14[%add3A_545] : memref<20480xf32, #tpu.memory_space<vmem>>[vector<16xi32>], vector<16xf32>,
          %mul3A_547 = arith.mulf %gather3A_546, %gather3A_520 : vector<16xf32>
          %add3A_548 = arith.addf %add3A_480, %mul3A_547 : vector<16xf32>
          %mul3A_549 = arith.mulf %gather3A_546, %gather3A_546 : vector<16xf32>
          %add3A_550 = arith.addf %add3A_482, %mul3A_549 : vector<16xf32>
          %add3A_551 = arith.addi %mul3A_150, %and3A_517 : vector<16xi32>
          %gather3A_552 = tpu.vector_load_idx %arg14[%add3A_551] : memref<20480xf32, #tpu.memory_space<vmem>>[vector<16xi32>], vector<16xf32>,
          %mul3A_553 = arith.mulf %gather3A_552, %gather3A_520 : vector<16xf32>
          %add3A_554 = arith.addf %add3A_486, %mul3A_553 : vector<16xf32>
          %mul3A_555 = arith.mulf %gather3A_552, %gather3A_552 : vector<16xf32>
          %add3A_556 = arith.addf %add3A_488, %mul3A_555 : vector<16xf32>
          %add3A_557 = arith.addi %mul3A_156, %and3A_517 : vector<16xi32>
          %gather3A_558 = tpu.vector_load_idx %arg14[%add3A_557] : memref<20480xf32, #tpu.memory_space<vmem>>[vector<16xi32>], vector<16xf32>,
          %mul3A_559 = arith.mulf %gather3A_558, %gather3A_520 : vector<16xf32>
          %add3A_560 = arith.addf %add3A_492, %mul3A_559 : vector<16xf32>
          %mul3A_561 = arith.mulf %gather3A_558, %gather3A_558 : vector<16xf32>
          %add3A_562 = arith.addf %add3A_494, %mul3A_561 : vector<16xf32>
          %add3A_563 = arith.addi %mul3A_162, %and3A_517 : vector<16xi32>
          %gather3A_564 = tpu.vector_load_idx %arg14[%add3A_563] : memref<20480xf32, #tpu.memory_space<vmem>>[vector<16xi32>], vector<16xf32>,
          %mul3A_565 = arith.mulf %gather3A_564, %gather3A_520 : vector<16xf32>
          %add3A_566 = arith.addf %add3A_498, %mul3A_565 : vector<16xf32>
          %mul3A_567 = arith.mulf %gather3A_564, %gather3A_564 : vector<16xf32>
          %add3A_568 = arith.addf %add3A_500, %mul3A_567 : vector<16xf32>
          %add3A_569 = arith.addi %mul3A_168, %and3A_517 : vector<16xi32>
          %gather3A_570 = tpu.vector_load_idx %arg14[%add3A_569] : memref<20480xf32, #tpu.memory_space<vmem>>[vector<16xi32>], vector<16xf32>,
          %mul3A_571 = arith.mulf %gather3A_570, %gather3A_520 : vector<16xf32>
          %add3A_572 = arith.addf %add3A_504, %mul3A_571 : vector<16xf32>
          %mul3A_573 = arith.mulf %gather3A_570, %gather3A_570 : vector<16xf32>
          %add3A_574 = arith.addf %add3A_506, %mul3A_573 : vector<16xf32>
          %add3A_575 = arith.addi %mul3A_174, %and3A_517 : vector<16xi32>
          %gather3A_576 = tpu.vector_load_idx %arg14[%add3A_575] : memref<20480xf32, #tpu.memory_space<vmem>>[vector<16xi32>], vector<16xf32>,
          %mul3A_577 = arith.mulf %gather3A_576, %gather3A_520 : vector<16xf32>
          %add3A_578 = arith.addf %add3A_510, %mul3A_577 : vector<16xf32>
          %mul3A_579 = arith.mulf %gather3A_576, %gather3A_576 : vector<16xf32>
          %add3A_580 = arith.addf %add3A_512, %mul3A_579 : vector<16xf32>
          %add3A_581 = arith.constant 1 : i32
          %add3A_582 = vector.broadcast %add3A_581 : i32 to vector<16xi32>
          %add3A_583 = arith.addi %and3A_517, %add3A_582 : vector<16xi32>
          %and3A_584 = arith.constant 127 : i32
          %and3A_585 = vector.broadcast %and3A_584 : i32 to vector<16xi32>
          %and3A_586 = arith.andi %add3A_583, %and3A_585 : vector<16xi32>
          %scan3A_587 = arith.constant 2 : i32
          %scan3A_588 = arith.addi %scan3A_431, %scan3A_587 : i32
          %gather3A_589 = tpu.vector_load_idx %arg12[%and3A_586] : memref<128xf32, #tpu.memory_space<vmem>>[vector<16xi32>], vector<16xf32>,
          %add3A_590 = arith.addi %mul3A_120, %and3A_586 : vector<16xi32>
          %gather3A_591 = tpu.vector_load_idx %arg14[%add3A_590] : memref<20480xf32, #tpu.memory_space<vmem>>[vector<16xi32>], vector<16xf32>,
          %mul3A_592 = arith.mulf %gather3A_591, %gather3A_589 : vector<16xf32>
          %add3A_593 = arith.addf %add3A_524, %mul3A_592 : vector<16xf32>
          %mul3A_594 = arith.mulf %gather3A_591, %gather3A_591 : vector<16xf32>
          %add3A_595 = arith.addf %add3A_526, %mul3A_594 : vector<16xf32>
          %add3A_596 = arith.addi %mul3A_126, %and3A_586 : vector<16xi32>
          %gather3A_597 = tpu.vector_load_idx %arg14[%add3A_596] : memref<20480xf32, #tpu.memory_space<vmem>>[vector<16xi32>], vector<16xf32>,
          %mul3A_598 = arith.mulf %gather3A_597, %gather3A_589 : vector<16xf32>
          %add3A_599 = arith.addf %add3A_530, %mul3A_598 : vector<16xf32>
          %mul3A_600 = arith.mulf %gather3A_597, %gather3A_597 : vector<16xf32>
          %add3A_601 = arith.addf %add3A_532, %mul3A_600 : vector<16xf32>
          %add3A_602 = arith.addi %mul3A_132, %and3A_586 : vector<16xi32>
          %gather3A_603 = tpu.vector_load_idx %arg14[%add3A_602] : memref<20480xf32, #tpu.memory_space<vmem>>[vector<16xi32>], vector<16xf32>,
          %mul3A_604 = arith.mulf %gather3A_603, %gather3A_589 : vector<16xf32>
          %add3A_605 = arith.addf %add3A_536, %mul3A_604 : vector<16xf32>
          %mul3A_606 = arith.mulf %gather3A_603, %gather3A_603 : vector<16xf32>
          %add3A_607 = arith.addf %add3A_538, %mul3A_606 : vector<16xf32>
          %add3A_608 = arith.addi %mul3A_138, %and3A_586 : vector<16xi32>
          %gather3A_609 = tpu.vector_load_idx %arg14[%add3A_608] : memref<20480xf32, #tpu.memory_space<vmem>>[vector<16xi32>], vector<16xf32>,
          %mul3A_610 = arith.mulf %gather3A_609, %gather3A_589 : vector<16xf32>
          %add3A_611 = arith.addf %add3A_542, %mul3A_610 : vector<16xf32>
          %mul3A_612 = arith.mulf %gather3A_609, %gather3A_609 : vector<16xf32>
          %add3A_613 = arith.addf %add3A_544, %mul3A_612 : vector<16xf32>
          %add3A_614 = arith.addi %mul3A_144, %and3A_586 : vector<16xi32>
          %gather3A_615 = tpu.vector_load_idx %arg14[%add3A_614] : memref<20480xf32, #tpu.memory_space<vmem>>[vector<16xi32>], vector<16xf32>,
          %mul3A_616 = arith.mulf %gather3A_615, %gather3A_589 : vector<16xf32>
          %add3A_617 = arith.addf %add3A_548, %mul3A_616 : vector<16xf32>
          %mul3A_618 = arith.mulf %gather3A_615, %gather3A_615 : vector<16xf32>
          %add3A_619 = arith.addf %add3A_550, %mul3A_618 : vector<16xf32>
          %add3A_620 = arith.addi %mul3A_150, %and3A_586 : vector<16xi32>
          %gather3A_621 = tpu.vector_load_idx %arg14[%add3A_620] : memref<20480xf32, #tpu.memory_space<vmem>>[vector<16xi32>], vector<16xf32>,
          %mul3A_622 = arith.mulf %gather3A_621, %gather3A_589 : vector<16xf32>
          %add3A_623 = arith.addf %add3A_554, %mul3A_622 : vector<16xf32>
          %mul3A_624 = arith.mulf %gather3A_621, %gather3A_621 : vector<16xf32>
          %add3A_625 = arith.addf %add3A_556, %mul3A_624 : vector<16xf32>
          %add3A_626 = arith.addi %mul3A_156, %and3A_586 : vector<16xi32>
          %gather3A_627 = tpu.vector_load_idx %arg14[%add3A_626] : memref<20480xf32, #tpu.memory_space<vmem>>[vector<16xi32>], vector<16xf32>,
          %mul3A_628 = arith.mulf %gather3A_627, %gather3A_589 : vector<16xf32>
          %add3A_629 = arith.addf %add3A_560, %mul3A_628 : vector<16xf32>
          %mul3A_630 = arith.mulf %gather3A_627, %gather3A_627 : vector<16xf32>
          %add3A_631 = arith.addf %add3A_562, %mul3A_630 : vector<16xf32>
          %add3A_632 = arith.addi %mul3A_162, %and3A_586 : vector<16xi32>
          %gather3A_633 = tpu.vector_load_idx %arg14[%add3A_632] : memref<20480xf32, #tpu.memory_space<vmem>>[vector<16xi32>], vector<16xf32>,
          %mul3A_634 = arith.mulf %gather3A_633, %gather3A_589 : vector<16xf32>
          %add3A_635 = arith.addf %add3A_566, %mul3A_634 : vector<16xf32>
          %mul3A_636 = arith.mulf %gather3A_633, %gather3A_633 : vector<16xf32>
          %add3A_637 = arith.addf %add3A_568, %mul3A_636 : vector<16xf32>
          %add3A_638 = arith.addi %mul3A_168, %and3A_586 : vector<16xi32>
          %gather3A_639 = tpu.vector_load_idx %arg14[%add3A_638] : memref<20480xf32, #tpu.memory_space<vmem>>[vector<16xi32>], vector<16xf32>,
          %mul3A_640 = arith.mulf %gather3A_639, %gather3A_589 : vector<16xf32>
          %add3A_641 = arith.addf %add3A_572, %mul3A_640 : vector<16xf32>
          %mul3A_642 = arith.mulf %gather3A_639, %gather3A_639 : vector<16xf32>
          %add3A_643 = arith.addf %add3A_574, %mul3A_642 : vector<16xf32>
          %add3A_644 = arith.addi %mul3A_174, %and3A_586 : vector<16xi32>
          %gather3A_645 = tpu.vector_load_idx %arg14[%add3A_644] : memref<20480xf32, #tpu.memory_space<vmem>>[vector<16xi32>], vector<16xf32>,
          %mul3A_646 = arith.mulf %gather3A_645, %gather3A_589 : vector<16xf32>
          %add3A_647 = arith.addf %add3A_578, %mul3A_646 : vector<16xf32>
          %mul3A_648 = arith.mulf %gather3A_645, %gather3A_645 : vector<16xf32>
          %add3A_649 = arith.addf %add3A_580, %mul3A_648 : vector<16xf32>
          %add3A_650 = arith.constant 1 : i32
          %add3A_651 = vector.broadcast %add3A_650 : i32 to vector<16xi32>
          %add3A_652 = arith.addi %and3A_586, %add3A_651 : vector<16xi32>
          %and3A_653 = arith.constant 127 : i32
          %and3A_654 = vector.broadcast %and3A_653 : i32 to vector<16xi32>
          %and3A_655 = arith.andi %add3A_652, %and3A_654 : vector<16xi32>
          %scan3A_656 = arith.constant 3 : i32
          %scan3A_657 = arith.addi %scan3A_431, %scan3A_656 : i32
          %gather3A_658 = tpu.vector_load_idx %arg12[%and3A_655] : memref<128xf32, #tpu.memory_space<vmem>>[vector<16xi32>], vector<16xf32>,
          %add3A_659 = arith.addi %mul3A_120, %and3A_655 : vector<16xi32>
          %gather3A_660 = tpu.vector_load_idx %arg14[%add3A_659] : memref<20480xf32, #tpu.memory_space<vmem>>[vector<16xi32>], vector<16xf32>,
          %mul3A_661 = arith.mulf %gather3A_660, %gather3A_658 : vector<16xf32>
          %add3A_662 = arith.addf %add3A_593, %mul3A_661 : vector<16xf32>
          %mul3A_663 = arith.mulf %gather3A_660, %gather3A_660 : vector<16xf32>
          %add3A_664 = arith.addf %add3A_595, %mul3A_663 : vector<16xf32>
          %add3A_665 = arith.addi %mul3A_126, %and3A_655 : vector<16xi32>
          %gather3A_666 = tpu.vector_load_idx %arg14[%add3A_665] : memref<20480xf32, #tpu.memory_space<vmem>>[vector<16xi32>], vector<16xf32>,
          %mul3A_667 = arith.mulf %gather3A_666, %gather3A_658 : vector<16xf32>
          %add3A_668 = arith.addf %add3A_599, %mul3A_667 : vector<16xf32>
          %mul3A_669 = arith.mulf %gather3A_666, %gather3A_666 : vector<16xf32>
          %add3A_670 = arith.addf %add3A_601, %mul3A_669 : vector<16xf32>
          %add3A_671 = arith.addi %mul3A_132, %and3A_655 : vector<16xi32>
          %gather3A_672 = tpu.vector_load_idx %arg14[%add3A_671] : memref<20480xf32, #tpu.memory_space<vmem>>[vector<16xi32>], vector<16xf32>,
          %mul3A_673 = arith.mulf %gather3A_672, %gather3A_658 : vector<16xf32>
          %add3A_674 = arith.addf %add3A_605, %mul3A_673 : vector<16xf32>
          %mul3A_675 = arith.mulf %gather3A_672, %gather3A_672 : vector<16xf32>
          %add3A_676 = arith.addf %add3A_607, %mul3A_675 : vector<16xf32>
          %add3A_677 = arith.addi %mul3A_138, %and3A_655 : vector<16xi32>
          %gather3A_678 = tpu.vector_load_idx %arg14[%add3A_677] : memref<20480xf32, #tpu.memory_space<vmem>>[vector<16xi32>], vector<16xf32>,
          %mul3A_679 = arith.mulf %gather3A_678, %gather3A_658 : vector<16xf32>
          %add3A_680 = arith.addf %add3A_611, %mul3A_679 : vector<16xf32>
          %mul3A_681 = arith.mulf %gather3A_678, %gather3A_678 : vector<16xf32>
          %add3A_682 = arith.addf %add3A_613, %mul3A_681 : vector<16xf32>
          %add3A_683 = arith.addi %mul3A_144, %and3A_655 : vector<16xi32>
          %gather3A_684 = tpu.vector_load_idx %arg14[%add3A_683] : memref<20480xf32, #tpu.memory_space<vmem>>[vector<16xi32>], vector<16xf32>,
          %mul3A_685 = arith.mulf %gather3A_684, %gather3A_658 : vector<16xf32>
          %add3A_686 = arith.addf %add3A_617, %mul3A_685 : vector<16xf32>
          %mul3A_687 = arith.mulf %gather3A_684, %gather3A_684 : vector<16xf32>
          %add3A_688 = arith.addf %add3A_619, %mul3A_687 : vector<16xf32>
          %add3A_689 = arith.addi %mul3A_150, %and3A_655 : vector<16xi32>
          %gather3A_690 = tpu.vector_load_idx %arg14[%add3A_689] : memref<20480xf32, #tpu.memory_space<vmem>>[vector<16xi32>], vector<16xf32>,
          %mul3A_691 = arith.mulf %gather3A_690, %gather3A_658 : vector<16xf32>
          %add3A_692 = arith.addf %add3A_623, %mul3A_691 : vector<16xf32>
          %mul3A_693 = arith.mulf %gather3A_690, %gather3A_690 : vector<16xf32>
          %add3A_694 = arith.addf %add3A_625, %mul3A_693 : vector<16xf32>
          %add3A_695 = arith.addi %mul3A_156, %and3A_655 : vector<16xi32>
          %gather3A_696 = tpu.vector_load_idx %arg14[%add3A_695] : memref<20480xf32, #tpu.memory_space<vmem>>[vector<16xi32>], vector<16xf32>,
          %mul3A_697 = arith.mulf %gather3A_696, %gather3A_658 : vector<16xf32>
          %add3A_698 = arith.addf %add3A_629, %mul3A_697 : vector<16xf32>
          %mul3A_699 = arith.mulf %gather3A_696, %gather3A_696 : vector<16xf32>
          %add3A_700 = arith.addf %add3A_631, %mul3A_699 : vector<16xf32>
          %add3A_701 = arith.addi %mul3A_162, %and3A_655 : vector<16xi32>
          %gather3A_702 = tpu.vector_load_idx %arg14[%add3A_701] : memref<20480xf32, #tpu.memory_space<vmem>>[vector<16xi32>], vector<16xf32>,
          %mul3A_703 = arith.mulf %gather3A_702, %gather3A_658 : vector<16xf32>
          %add3A_704 = arith.addf %add3A_635, %mul3A_703 : vector<16xf32>
          %mul3A_705 = arith.mulf %gather3A_702, %gather3A_702 : vector<16xf32>
          %add3A_706 = arith.addf %add3A_637, %mul3A_705 : vector<16xf32>
          %add3A_707 = arith.addi %mul3A_168, %and3A_655 : vector<16xi32>
          %gather3A_708 = tpu.vector_load_idx %arg14[%add3A_707] : memref<20480xf32, #tpu.memory_space<vmem>>[vector<16xi32>], vector<16xf32>,
          %mul3A_709 = arith.mulf %gather3A_708, %gather3A_658 : vector<16xf32>
          %add3A_710 = arith.addf %add3A_641, %mul3A_709 : vector<16xf32>
          %mul3A_711 = arith.mulf %gather3A_708, %gather3A_708 : vector<16xf32>
          %add3A_712 = arith.addf %add3A_643, %mul3A_711 : vector<16xf32>
          %add3A_713 = arith.addi %mul3A_174, %and3A_655 : vector<16xi32>
          %gather3A_714 = tpu.vector_load_idx %arg14[%add3A_713] : memref<20480xf32, #tpu.memory_space<vmem>>[vector<16xi32>], vector<16xf32>,
          %mul3A_715 = arith.mulf %gather3A_714, %gather3A_658 : vector<16xf32>
          %add3A_716 = arith.addf %add3A_647, %mul3A_715 : vector<16xf32>
          %mul3A_717 = arith.mulf %gather3A_714, %gather3A_714 : vector<16xf32>
          %add3A_718 = arith.addf %add3A_649, %mul3A_717 : vector<16xf32>
          %add3A_719 = arith.constant 1 : i32
          %add3A_720 = vector.broadcast %add3A_719 : i32 to vector<16xi32>
          %add3A_721 = arith.addi %and3A_655, %add3A_720 : vector<16xi32>
          %and3A_722 = arith.constant 127 : i32
          %and3A_723 = vector.broadcast %and3A_722 : i32 to vector<16xi32>
          %and3A_724 = arith.andi %add3A_721, %and3A_723 : vector<16xi32>
          %scan3A_725 = arith.constant 4 : i32
          %scan3A_726 = arith.addi %scan3A_431, %scan3A_725 : i32
          %gather3A_727 = tpu.vector_load_idx %arg12[%and3A_724] : memref<128xf32, #tpu.memory_space<vmem>>[vector<16xi32>], vector<16xf32>,
          %add3A_728 = arith.addi %mul3A_120, %and3A_724 : vector<16xi32>
          %gather3A_729 = tpu.vector_load_idx %arg14[%add3A_728] : memref<20480xf32, #tpu.memory_space<vmem>>[vector<16xi32>], vector<16xf32>,
          %mul3A_730 = arith.mulf %gather3A_729, %gather3A_727 : vector<16xf32>
          %add3A_731 = arith.addf %add3A_662, %mul3A_730 : vector<16xf32>
          %mul3A_732 = arith.mulf %gather3A_729, %gather3A_729 : vector<16xf32>
          %add3A_733 = arith.addf %add3A_664, %mul3A_732 : vector<16xf32>
          %add3A_734 = arith.addi %mul3A_126, %and3A_724 : vector<16xi32>
          %gather3A_735 = tpu.vector_load_idx %arg14[%add3A_734] : memref<20480xf32, #tpu.memory_space<vmem>>[vector<16xi32>], vector<16xf32>,
          %mul3A_736 = arith.mulf %gather3A_735, %gather3A_727 : vector<16xf32>
          %add3A_737 = arith.addf %add3A_668, %mul3A_736 : vector<16xf32>
          %mul3A_738 = arith.mulf %gather3A_735, %gather3A_735 : vector<16xf32>
          %add3A_739 = arith.addf %add3A_670, %mul3A_738 : vector<16xf32>
          %add3A_740 = arith.addi %mul3A_132, %and3A_724 : vector<16xi32>
          %gather3A_741 = tpu.vector_load_idx %arg14[%add3A_740] : memref<20480xf32, #tpu.memory_space<vmem>>[vector<16xi32>], vector<16xf32>,
          %mul3A_742 = arith.mulf %gather3A_741, %gather3A_727 : vector<16xf32>
          %add3A_743 = arith.addf %add3A_674, %mul3A_742 : vector<16xf32>
          %mul3A_744 = arith.mulf %gather3A_741, %gather3A_741 : vector<16xf32>
          %add3A_745 = arith.addf %add3A_676, %mul3A_744 : vector<16xf32>
          %add3A_746 = arith.addi %mul3A_138, %and3A_724 : vector<16xi32>
          %gather3A_747 = tpu.vector_load_idx %arg14[%add3A_746] : memref<20480xf32, #tpu.memory_space<vmem>>[vector<16xi32>], vector<16xf32>,
          %mul3A_748 = arith.mulf %gather3A_747, %gather3A_727 : vector<16xf32>
          %add3A_749 = arith.addf %add3A_680, %mul3A_748 : vector<16xf32>
          %mul3A_750 = arith.mulf %gather3A_747, %gather3A_747 : vector<16xf32>
          %add3A_751 = arith.addf %add3A_682, %mul3A_750 : vector<16xf32>
          %add3A_752 = arith.addi %mul3A_144, %and3A_724 : vector<16xi32>
          %gather3A_753 = tpu.vector_load_idx %arg14[%add3A_752] : memref<20480xf32, #tpu.memory_space<vmem>>[vector<16xi32>], vector<16xf32>,
          %mul3A_754 = arith.mulf %gather3A_753, %gather3A_727 : vector<16xf32>
          %add3A_755 = arith.addf %add3A_686, %mul3A_754 : vector<16xf32>
          %mul3A_756 = arith.mulf %gather3A_753, %gather3A_753 : vector<16xf32>
          %add3A_757 = arith.addf %add3A_688, %mul3A_756 : vector<16xf32>
          %add3A_758 = arith.addi %mul3A_150, %and3A_724 : vector<16xi32>
          %gather3A_759 = tpu.vector_load_idx %arg14[%add3A_758] : memref<20480xf32, #tpu.memory_space<vmem>>[vector<16xi32>], vector<16xf32>,
          %mul3A_760 = arith.mulf %gather3A_759, %gather3A_727 : vector<16xf32>
          %add3A_761 = arith.addf %add3A_692, %mul3A_760 : vector<16xf32>
          %mul3A_762 = arith.mulf %gather3A_759, %gather3A_759 : vector<16xf32>
          %add3A_763 = arith.addf %add3A_694, %mul3A_762 : vector<16xf32>
          %add3A_764 = arith.addi %mul3A_156, %and3A_724 : vector<16xi32>
          %gather3A_765 = tpu.vector_load_idx %arg14[%add3A_764] : memref<20480xf32, #tpu.memory_space<vmem>>[vector<16xi32>], vector<16xf32>,
          %mul3A_766 = arith.mulf %gather3A_765, %gather3A_727 : vector<16xf32>
          %add3A_767 = arith.addf %add3A_698, %mul3A_766 : vector<16xf32>
          %mul3A_768 = arith.mulf %gather3A_765, %gather3A_765 : vector<16xf32>
          %add3A_769 = arith.addf %add3A_700, %mul3A_768 : vector<16xf32>
          %add3A_770 = arith.addi %mul3A_162, %and3A_724 : vector<16xi32>
          %gather3A_771 = tpu.vector_load_idx %arg14[%add3A_770] : memref<20480xf32, #tpu.memory_space<vmem>>[vector<16xi32>], vector<16xf32>,
          %mul3A_772 = arith.mulf %gather3A_771, %gather3A_727 : vector<16xf32>
          %add3A_773 = arith.addf %add3A_704, %mul3A_772 : vector<16xf32>
          %mul3A_774 = arith.mulf %gather3A_771, %gather3A_771 : vector<16xf32>
          %add3A_775 = arith.addf %add3A_706, %mul3A_774 : vector<16xf32>
          %add3A_776 = arith.addi %mul3A_168, %and3A_724 : vector<16xi32>
          %gather3A_777 = tpu.vector_load_idx %arg14[%add3A_776] : memref<20480xf32, #tpu.memory_space<vmem>>[vector<16xi32>], vector<16xf32>,
          %mul3A_778 = arith.mulf %gather3A_777, %gather3A_727 : vector<16xf32>
          %add3A_779 = arith.addf %add3A_710, %mul3A_778 : vector<16xf32>
          %mul3A_780 = arith.mulf %gather3A_777, %gather3A_777 : vector<16xf32>
          %add3A_781 = arith.addf %add3A_712, %mul3A_780 : vector<16xf32>
          %add3A_782 = arith.addi %mul3A_174, %and3A_724 : vector<16xi32>
          %gather3A_783 = tpu.vector_load_idx %arg14[%add3A_782] : memref<20480xf32, #tpu.memory_space<vmem>>[vector<16xi32>], vector<16xf32>,
          %mul3A_784 = arith.mulf %gather3A_783, %gather3A_727 : vector<16xf32>
          %add3A_785 = arith.addf %add3A_716, %mul3A_784 : vector<16xf32>
          %mul3A_786 = arith.mulf %gather3A_783, %gather3A_783 : vector<16xf32>
          %add3A_787 = arith.addf %add3A_718, %mul3A_786 : vector<16xf32>
          %add3A_788 = arith.constant 1 : i32
          %add3A_789 = vector.broadcast %add3A_788 : i32 to vector<16xi32>
          %add3A_790 = arith.addi %and3A_724, %add3A_789 : vector<16xi32>
          %and3A_791 = arith.constant 127 : i32
          %and3A_792 = vector.broadcast %and3A_791 : i32 to vector<16xi32>
          %and3A_793 = arith.andi %add3A_790, %and3A_792 : vector<16xi32>
          %scan3A_794 = arith.constant 5 : i32
          %scan3A_795 = arith.addi %scan3A_431, %scan3A_794 : i32
          %gather3A_796 = tpu.vector_load_idx %arg12[%and3A_793] : memref<128xf32, #tpu.memory_space<vmem>>[vector<16xi32>], vector<16xf32>,
          %add3A_797 = arith.addi %mul3A_120, %and3A_793 : vector<16xi32>
          %gather3A_798 = tpu.vector_load_idx %arg14[%add3A_797] : memref<20480xf32, #tpu.memory_space<vmem>>[vector<16xi32>], vector<16xf32>,
          %mul3A_799 = arith.mulf %gather3A_798, %gather3A_796 : vector<16xf32>
          %add3A_800 = arith.addf %add3A_731, %mul3A_799 : vector<16xf32>
          %mul3A_801 = arith.mulf %gather3A_798, %gather3A_798 : vector<16xf32>
          %add3A_802 = arith.addf %add3A_733, %mul3A_801 : vector<16xf32>
          %add3A_803 = arith.addi %mul3A_126, %and3A_793 : vector<16xi32>
          %gather3A_804 = tpu.vector_load_idx %arg14[%add3A_803] : memref<20480xf32, #tpu.memory_space<vmem>>[vector<16xi32>], vector<16xf32>,
          %mul3A_805 = arith.mulf %gather3A_804, %gather3A_796 : vector<16xf32>
          %add3A_806 = arith.addf %add3A_737, %mul3A_805 : vector<16xf32>
          %mul3A_807 = arith.mulf %gather3A_804, %gather3A_804 : vector<16xf32>
          %add3A_808 = arith.addf %add3A_739, %mul3A_807 : vector<16xf32>
          %add3A_809 = arith.addi %mul3A_132, %and3A_793 : vector<16xi32>
          %gather3A_810 = tpu.vector_load_idx %arg14[%add3A_809] : memref<20480xf32, #tpu.memory_space<vmem>>[vector<16xi32>], vector<16xf32>,
          %mul3A_811 = arith.mulf %gather3A_810, %gather3A_796 : vector<16xf32>
          %add3A_812 = arith.addf %add3A_743, %mul3A_811 : vector<16xf32>
          %mul3A_813 = arith.mulf %gather3A_810, %gather3A_810 : vector<16xf32>
          %add3A_814 = arith.addf %add3A_745, %mul3A_813 : vector<16xf32>
          %add3A_815 = arith.addi %mul3A_138, %and3A_793 : vector<16xi32>
          %gather3A_816 = tpu.vector_load_idx %arg14[%add3A_815] : memref<20480xf32, #tpu.memory_space<vmem>>[vector<16xi32>], vector<16xf32>,
          %mul3A_817 = arith.mulf %gather3A_816, %gather3A_796 : vector<16xf32>
          %add3A_818 = arith.addf %add3A_749, %mul3A_817 : vector<16xf32>
          %mul3A_819 = arith.mulf %gather3A_816, %gather3A_816 : vector<16xf32>
          %add3A_820 = arith.addf %add3A_751, %mul3A_819 : vector<16xf32>
          %add3A_821 = arith.addi %mul3A_144, %and3A_793 : vector<16xi32>
          %gather3A_822 = tpu.vector_load_idx %arg14[%add3A_821] : memref<20480xf32, #tpu.memory_space<vmem>>[vector<16xi32>], vector<16xf32>,
          %mul3A_823 = arith.mulf %gather3A_822, %gather3A_796 : vector<16xf32>
          %add3A_824 = arith.addf %add3A_755, %mul3A_823 : vector<16xf32>
          %mul3A_825 = arith.mulf %gather3A_822, %gather3A_822 : vector<16xf32>
          %add3A_826 = arith.addf %add3A_757, %mul3A_825 : vector<16xf32>
          %add3A_827 = arith.addi %mul3A_150, %and3A_793 : vector<16xi32>
          %gather3A_828 = tpu.vector_load_idx %arg14[%add3A_827] : memref<20480xf32, #tpu.memory_space<vmem>>[vector<16xi32>], vector<16xf32>,
          %mul3A_829 = arith.mulf %gather3A_828, %gather3A_796 : vector<16xf32>
          %add3A_830 = arith.addf %add3A_761, %mul3A_829 : vector<16xf32>
          %mul3A_831 = arith.mulf %gather3A_828, %gather3A_828 : vector<16xf32>
          %add3A_832 = arith.addf %add3A_763, %mul3A_831 : vector<16xf32>
          %add3A_833 = arith.addi %mul3A_156, %and3A_793 : vector<16xi32>
          %gather3A_834 = tpu.vector_load_idx %arg14[%add3A_833] : memref<20480xf32, #tpu.memory_space<vmem>>[vector<16xi32>], vector<16xf32>,
          %mul3A_835 = arith.mulf %gather3A_834, %gather3A_796 : vector<16xf32>
          %add3A_836 = arith.addf %add3A_767, %mul3A_835 : vector<16xf32>
          %mul3A_837 = arith.mulf %gather3A_834, %gather3A_834 : vector<16xf32>
          %add3A_838 = arith.addf %add3A_769, %mul3A_837 : vector<16xf32>
          %add3A_839 = arith.addi %mul3A_162, %and3A_793 : vector<16xi32>
          %gather3A_840 = tpu.vector_load_idx %arg14[%add3A_839] : memref<20480xf32, #tpu.memory_space<vmem>>[vector<16xi32>], vector<16xf32>,
          %mul3A_841 = arith.mulf %gather3A_840, %gather3A_796 : vector<16xf32>
          %add3A_842 = arith.addf %add3A_773, %mul3A_841 : vector<16xf32>
          %mul3A_843 = arith.mulf %gather3A_840, %gather3A_840 : vector<16xf32>
          %add3A_844 = arith.addf %add3A_775, %mul3A_843 : vector<16xf32>
          %add3A_845 = arith.addi %mul3A_168, %and3A_793 : vector<16xi32>
          %gather3A_846 = tpu.vector_load_idx %arg14[%add3A_845] : memref<20480xf32, #tpu.memory_space<vmem>>[vector<16xi32>], vector<16xf32>,
          %mul3A_847 = arith.mulf %gather3A_846, %gather3A_796 : vector<16xf32>
          %add3A_848 = arith.addf %add3A_779, %mul3A_847 : vector<16xf32>
          %mul3A_849 = arith.mulf %gather3A_846, %gather3A_846 : vector<16xf32>
          %add3A_850 = arith.addf %add3A_781, %mul3A_849 : vector<16xf32>
          %add3A_851 = arith.addi %mul3A_174, %and3A_793 : vector<16xi32>
          %gather3A_852 = tpu.vector_load_idx %arg14[%add3A_851] : memref<20480xf32, #tpu.memory_space<vmem>>[vector<16xi32>], vector<16xf32>,
          %mul3A_853 = arith.mulf %gather3A_852, %gather3A_796 : vector<16xf32>
          %add3A_854 = arith.addf %add3A_785, %mul3A_853 : vector<16xf32>
          %mul3A_855 = arith.mulf %gather3A_852, %gather3A_852 : vector<16xf32>
          %add3A_856 = arith.addf %add3A_787, %mul3A_855 : vector<16xf32>
          %add3A_857 = arith.constant 1 : i32
          %add3A_858 = vector.broadcast %add3A_857 : i32 to vector<16xi32>
          %add3A_859 = arith.addi %and3A_793, %add3A_858 : vector<16xi32>
          %and3A_860 = arith.constant 127 : i32
          %and3A_861 = vector.broadcast %and3A_860 : i32 to vector<16xi32>
          %and3A_862 = arith.andi %add3A_859, %and3A_861 : vector<16xi32>
          %scan3A_863 = arith.constant 6 : i32
          %scan3A_864 = arith.addi %scan3A_431, %scan3A_863 : i32
          %gather3A_865 = tpu.vector_load_idx %arg12[%and3A_862] : memref<128xf32, #tpu.memory_space<vmem>>[vector<16xi32>], vector<16xf32>,
          %add3A_866 = arith.addi %mul3A_120, %and3A_862 : vector<16xi32>
          %gather3A_867 = tpu.vector_load_idx %arg14[%add3A_866] : memref<20480xf32, #tpu.memory_space<vmem>>[vector<16xi32>], vector<16xf32>,
          %mul3A_868 = arith.mulf %gather3A_867, %gather3A_865 : vector<16xf32>
          %add3A_869 = arith.addf %add3A_800, %mul3A_868 : vector<16xf32>
          %mul3A_870 = arith.mulf %gather3A_867, %gather3A_867 : vector<16xf32>
          %add3A_871 = arith.addf %add3A_802, %mul3A_870 : vector<16xf32>
          %add3A_872 = arith.addi %mul3A_126, %and3A_862 : vector<16xi32>
          %gather3A_873 = tpu.vector_load_idx %arg14[%add3A_872] : memref<20480xf32, #tpu.memory_space<vmem>>[vector<16xi32>], vector<16xf32>,
          %mul3A_874 = arith.mulf %gather3A_873, %gather3A_865 : vector<16xf32>
          %add3A_875 = arith.addf %add3A_806, %mul3A_874 : vector<16xf32>
          %mul3A_876 = arith.mulf %gather3A_873, %gather3A_873 : vector<16xf32>
          %add3A_877 = arith.addf %add3A_808, %mul3A_876 : vector<16xf32>
          %add3A_878 = arith.addi %mul3A_132, %and3A_862 : vector<16xi32>
          %gather3A_879 = tpu.vector_load_idx %arg14[%add3A_878] : memref<20480xf32, #tpu.memory_space<vmem>>[vector<16xi32>], vector<16xf32>,
          %mul3A_880 = arith.mulf %gather3A_879, %gather3A_865 : vector<16xf32>
          %add3A_881 = arith.addf %add3A_812, %mul3A_880 : vector<16xf32>
          %mul3A_882 = arith.mulf %gather3A_879, %gather3A_879 : vector<16xf32>
          %add3A_883 = arith.addf %add3A_814, %mul3A_882 : vector<16xf32>
          %add3A_884 = arith.addi %mul3A_138, %and3A_862 : vector<16xi32>
          %gather3A_885 = tpu.vector_load_idx %arg14[%add3A_884] : memref<20480xf32, #tpu.memory_space<vmem>>[vector<16xi32>], vector<16xf32>,
          %mul3A_886 = arith.mulf %gather3A_885, %gather3A_865 : vector<16xf32>
          %add3A_887 = arith.addf %add3A_818, %mul3A_886 : vector<16xf32>
          %mul3A_888 = arith.mulf %gather3A_885, %gather3A_885 : vector<16xf32>
          %add3A_889 = arith.addf %add3A_820, %mul3A_888 : vector<16xf32>
          %add3A_890 = arith.addi %mul3A_144, %and3A_862 : vector<16xi32>
          %gather3A_891 = tpu.vector_load_idx %arg14[%add3A_890] : memref<20480xf32, #tpu.memory_space<vmem>>[vector<16xi32>], vector<16xf32>,
          %mul3A_892 = arith.mulf %gather3A_891, %gather3A_865 : vector<16xf32>
          %add3A_893 = arith.addf %add3A_824, %mul3A_892 : vector<16xf32>
          %mul3A_894 = arith.mulf %gather3A_891, %gather3A_891 : vector<16xf32>
          %add3A_895 = arith.addf %add3A_826, %mul3A_894 : vector<16xf32>
          %add3A_896 = arith.addi %mul3A_150, %and3A_862 : vector<16xi32>
          %gather3A_897 = tpu.vector_load_idx %arg14[%add3A_896] : memref<20480xf32, #tpu.memory_space<vmem>>[vector<16xi32>], vector<16xf32>,
          %mul3A_898 = arith.mulf %gather3A_897, %gather3A_865 : vector<16xf32>
          %add3A_899 = arith.addf %add3A_830, %mul3A_898 : vector<16xf32>
          %mul3A_900 = arith.mulf %gather3A_897, %gather3A_897 : vector<16xf32>
          %add3A_901 = arith.addf %add3A_832, %mul3A_900 : vector<16xf32>
          %add3A_902 = arith.addi %mul3A_156, %and3A_862 : vector<16xi32>
          %gather3A_903 = tpu.vector_load_idx %arg14[%add3A_902] : memref<20480xf32, #tpu.memory_space<vmem>>[vector<16xi32>], vector<16xf32>,
          %mul3A_904 = arith.mulf %gather3A_903, %gather3A_865 : vector<16xf32>
          %add3A_905 = arith.addf %add3A_836, %mul3A_904 : vector<16xf32>
          %mul3A_906 = arith.mulf %gather3A_903, %gather3A_903 : vector<16xf32>
          %add3A_907 = arith.addf %add3A_838, %mul3A_906 : vector<16xf32>
          %add3A_908 = arith.addi %mul3A_162, %and3A_862 : vector<16xi32>
          %gather3A_909 = tpu.vector_load_idx %arg14[%add3A_908] : memref<20480xf32, #tpu.memory_space<vmem>>[vector<16xi32>], vector<16xf32>,
          %mul3A_910 = arith.mulf %gather3A_909, %gather3A_865 : vector<16xf32>
          %add3A_911 = arith.addf %add3A_842, %mul3A_910 : vector<16xf32>
          %mul3A_912 = arith.mulf %gather3A_909, %gather3A_909 : vector<16xf32>
          %add3A_913 = arith.addf %add3A_844, %mul3A_912 : vector<16xf32>
          %add3A_914 = arith.addi %mul3A_168, %and3A_862 : vector<16xi32>
          %gather3A_915 = tpu.vector_load_idx %arg14[%add3A_914] : memref<20480xf32, #tpu.memory_space<vmem>>[vector<16xi32>], vector<16xf32>,
          %mul3A_916 = arith.mulf %gather3A_915, %gather3A_865 : vector<16xf32>
          %add3A_917 = arith.addf %add3A_848, %mul3A_916 : vector<16xf32>
          %mul3A_918 = arith.mulf %gather3A_915, %gather3A_915 : vector<16xf32>
          %add3A_919 = arith.addf %add3A_850, %mul3A_918 : vector<16xf32>
          %add3A_920 = arith.addi %mul3A_174, %and3A_862 : vector<16xi32>
          %gather3A_921 = tpu.vector_load_idx %arg14[%add3A_920] : memref<20480xf32, #tpu.memory_space<vmem>>[vector<16xi32>], vector<16xf32>,
          %mul3A_922 = arith.mulf %gather3A_921, %gather3A_865 : vector<16xf32>
          %add3A_923 = arith.addf %add3A_854, %mul3A_922 : vector<16xf32>
          %mul3A_924 = arith.mulf %gather3A_921, %gather3A_921 : vector<16xf32>
          %add3A_925 = arith.addf %add3A_856, %mul3A_924 : vector<16xf32>
          %add3A_926 = arith.constant 1 : i32
          %add3A_927 = vector.broadcast %add3A_926 : i32 to vector<16xi32>
          %add3A_928 = arith.addi %and3A_862, %add3A_927 : vector<16xi32>
          %and3A_929 = arith.constant 127 : i32
          %and3A_930 = vector.broadcast %and3A_929 : i32 to vector<16xi32>
          %and3A_931 = arith.andi %add3A_928, %and3A_930 : vector<16xi32>
          %scan3A_932 = arith.constant 7 : i32
          %scan3A_933 = arith.addi %scan3A_431, %scan3A_932 : i32
          %gather3A_934 = tpu.vector_load_idx %arg12[%and3A_931] : memref<128xf32, #tpu.memory_space<vmem>>[vector<16xi32>], vector<16xf32>,
          %add3A_935 = arith.addi %mul3A_120, %and3A_931 : vector<16xi32>
          %gather3A_936 = tpu.vector_load_idx %arg14[%add3A_935] : memref<20480xf32, #tpu.memory_space<vmem>>[vector<16xi32>], vector<16xf32>,
          %mul3A_937 = arith.mulf %gather3A_936, %gather3A_934 : vector<16xf32>
          %add3A_938 = arith.addf %add3A_869, %mul3A_937 : vector<16xf32>
          %mul3A_939 = arith.mulf %gather3A_936, %gather3A_936 : vector<16xf32>
          %add3A_940 = arith.addf %add3A_871, %mul3A_939 : vector<16xf32>
          %add3A_941 = arith.addi %mul3A_126, %and3A_931 : vector<16xi32>
          %gather3A_942 = tpu.vector_load_idx %arg14[%add3A_941] : memref<20480xf32, #tpu.memory_space<vmem>>[vector<16xi32>], vector<16xf32>,
          %mul3A_943 = arith.mulf %gather3A_942, %gather3A_934 : vector<16xf32>
          %add3A_944 = arith.addf %add3A_875, %mul3A_943 : vector<16xf32>
          %mul3A_945 = arith.mulf %gather3A_942, %gather3A_942 : vector<16xf32>
          %add3A_946 = arith.addf %add3A_877, %mul3A_945 : vector<16xf32>
          %add3A_947 = arith.addi %mul3A_132, %and3A_931 : vector<16xi32>
          %gather3A_948 = tpu.vector_load_idx %arg14[%add3A_947] : memref<20480xf32, #tpu.memory_space<vmem>>[vector<16xi32>], vector<16xf32>,
          %mul3A_949 = arith.mulf %gather3A_948, %gather3A_934 : vector<16xf32>
          %add3A_950 = arith.addf %add3A_881, %mul3A_949 : vector<16xf32>
          %mul3A_951 = arith.mulf %gather3A_948, %gather3A_948 : vector<16xf32>
          %add3A_952 = arith.addf %add3A_883, %mul3A_951 : vector<16xf32>
          %add3A_953 = arith.addi %mul3A_138, %and3A_931 : vector<16xi32>
          %gather3A_954 = tpu.vector_load_idx %arg14[%add3A_953] : memref<20480xf32, #tpu.memory_space<vmem>>[vector<16xi32>], vector<16xf32>,
          %mul3A_955 = arith.mulf %gather3A_954, %gather3A_934 : vector<16xf32>
          %add3A_956 = arith.addf %add3A_887, %mul3A_955 : vector<16xf32>
          %mul3A_957 = arith.mulf %gather3A_954, %gather3A_954 : vector<16xf32>
          %add3A_958 = arith.addf %add3A_889, %mul3A_957 : vector<16xf32>
          %add3A_959 = arith.addi %mul3A_144, %and3A_931 : vector<16xi32>
          %gather3A_960 = tpu.vector_load_idx %arg14[%add3A_959] : memref<20480xf32, #tpu.memory_space<vmem>>[vector<16xi32>], vector<16xf32>,
          %mul3A_961 = arith.mulf %gather3A_960, %gather3A_934 : vector<16xf32>
          %add3A_962 = arith.addf %add3A_893, %mul3A_961 : vector<16xf32>
          %mul3A_963 = arith.mulf %gather3A_960, %gather3A_960 : vector<16xf32>
          %add3A_964 = arith.addf %add3A_895, %mul3A_963 : vector<16xf32>
          %add3A_965 = arith.addi %mul3A_150, %and3A_931 : vector<16xi32>
          %gather3A_966 = tpu.vector_load_idx %arg14[%add3A_965] : memref<20480xf32, #tpu.memory_space<vmem>>[vector<16xi32>], vector<16xf32>,
          %mul3A_967 = arith.mulf %gather3A_966, %gather3A_934 : vector<16xf32>
          %add3A_968 = arith.addf %add3A_899, %mul3A_967 : vector<16xf32>
          %mul3A_969 = arith.mulf %gather3A_966, %gather3A_966 : vector<16xf32>
          %add3A_970 = arith.addf %add3A_901, %mul3A_969 : vector<16xf32>
          %add3A_971 = arith.addi %mul3A_156, %and3A_931 : vector<16xi32>
          %gather3A_972 = tpu.vector_load_idx %arg14[%add3A_971] : memref<20480xf32, #tpu.memory_space<vmem>>[vector<16xi32>], vector<16xf32>,
          %mul3A_973 = arith.mulf %gather3A_972, %gather3A_934 : vector<16xf32>
          %add3A_974 = arith.addf %add3A_905, %mul3A_973 : vector<16xf32>
          %mul3A_975 = arith.mulf %gather3A_972, %gather3A_972 : vector<16xf32>
          %add3A_976 = arith.addf %add3A_907, %mul3A_975 : vector<16xf32>
          %add3A_977 = arith.addi %mul3A_162, %and3A_931 : vector<16xi32>
          %gather3A_978 = tpu.vector_load_idx %arg14[%add3A_977] : memref<20480xf32, #tpu.memory_space<vmem>>[vector<16xi32>], vector<16xf32>,
          %mul3A_979 = arith.mulf %gather3A_978, %gather3A_934 : vector<16xf32>
          %add3A_980 = arith.addf %add3A_911, %mul3A_979 : vector<16xf32>
          %mul3A_981 = arith.mulf %gather3A_978, %gather3A_978 : vector<16xf32>
          %add3A_982 = arith.addf %add3A_913, %mul3A_981 : vector<16xf32>
          %add3A_983 = arith.addi %mul3A_168, %and3A_931 : vector<16xi32>
          %gather3A_984 = tpu.vector_load_idx %arg14[%add3A_983] : memref<20480xf32, #tpu.memory_space<vmem>>[vector<16xi32>], vector<16xf32>,
          %mul3A_985 = arith.mulf %gather3A_984, %gather3A_934 : vector<16xf32>
          %add3A_986 = arith.addf %add3A_917, %mul3A_985 : vector<16xf32>
          %mul3A_987 = arith.mulf %gather3A_984, %gather3A_984 : vector<16xf32>
          %add3A_988 = arith.addf %add3A_919, %mul3A_987 : vector<16xf32>
          %add3A_989 = arith.addi %mul3A_174, %and3A_931 : vector<16xi32>
          %gather3A_990 = tpu.vector_load_idx %arg14[%add3A_989] : memref<20480xf32, #tpu.memory_space<vmem>>[vector<16xi32>], vector<16xf32>,
          %mul3A_991 = arith.mulf %gather3A_990, %gather3A_934 : vector<16xf32>
          %add3A_992 = arith.addf %add3A_923, %mul3A_991 : vector<16xf32>
          %mul3A_993 = arith.mulf %gather3A_990, %gather3A_990 : vector<16xf32>
          %add3A_994 = arith.addf %add3A_925, %mul3A_993 : vector<16xf32>
          %add3A_995 = arith.constant 1 : i32
          %add3A_996 = vector.broadcast %add3A_995 : i32 to vector<16xi32>
          %add3A_997 = arith.addi %and3A_931, %add3A_996 : vector<16xi32>
          %and3A_998 = arith.constant 127 : i32
          %and3A_999 = vector.broadcast %and3A_998 : i32 to vector<16xi32>
          %and3A_1000 = arith.andi %add3A_997, %and3A_999 : vector<16xi32>
          scf.yield %and3A_1000, %add3A_938, %add3A_944, %add3A_950, %add3A_956, %add3A_962, %add3A_968, %add3A_974, %add3A_980, %add3A_986, %add3A_992, %add3A_940, %add3A_946, %add3A_952, %add3A_958, %add3A_964, %add3A_970, %add3A_976, %add3A_982, %add3A_988, %add3A_994 : vector<16xi32>, vector<16xf32>, vector<16xf32>, vector<16xf32>, vector<16xf32>, vector<16xf32>, vector<16xf32>, vector<16xf32>, vector<16xf32>, vector<16xf32>, vector<16xf32>, vector<16xf32>, vector<16xf32>, vector<16xf32>, vector<16xf32>, vector<16xf32>, vector<16xf32>, vector<16xf32>, vector<16xf32>, vector<16xf32>, vector<16xf32>
        }
        %scan3A_250 = arith.constant 128 : i32
        %get3A_251 = arith.constant 0 : index
        %get3A_252 = tpu.vector_load %arg17[%get3A_251] {strides = array<i32>} : memref<16xf32, #tpu.memory_space<vmem>>, vector<16xf32>,
        %get3A_253 = arith.constant 0 : index
        %get3A_254 = tpu.vector_load %arg18[%get3A_253] {strides = array<i32>} : memref<16xi32, #tpu.memory_space<vmem>>, vector<16xi32>,
        %get3A_255 = arith.constant 0 : index
        %get3A_256 = tpu.vector_load %arg16[%get3A_255] {strides = array<i32>} : memref<160xf32, #tpu.memory_space<vmem>>, vector<16xf32>,
        %max3A = arith.constant 1.000000e-16 : f32
        %max3A_257 = vector.broadcast %max3A : f32 to vector<16xf32>
        %max3A_258 = arith.maximumf %scan3A_249#11, %max3A_257 : vector<16xf32>
        %abs3A = math.absf %scan3A_249#1 : vector<16xf32>
        %mul3A_259 = arith.mulf %scan3A_249#1, %abs3A : vector<16xf32>
        %mul3A_260 = arith.mulf %get3A_256, %get3A_256 : vector<16xf32>
        %mul3A_261 = arith.mulf %mul3A_259, %mul3A_260 : vector<16xf32>
        %div3A = arith.divf %mul3A_261, %max3A_258 : vector<16xf32>
        %add3A_262 = arith.constant 0 : i32
        %add3A_263 = arith.addi %add3A_219, %add3A_262 : i32
        %add3A_264 = vector.broadcast %add3A_263 : i32 to vector<16xi32>
        %add3A_265 = arith.addi %add3A_264, %iota3A : vector<16xi32>
        %gt3A = arith.cmpf ogt, %div3A, %get3A_252 : vector<16xf32>
        %select_n3A = arith.select %gt3A, %div3A, %get3A_252 : vector<16xi1>, vector<16xf32>
        %select_n3A_266 = arith.select %gt3A, %add3A_265, %get3A_254 : vector<16xi1>, vector<16xi32>
        %get3A_267 = arith.constant 16 : index
        %get3A_268 = tpu.vector_load %arg16[%get3A_267] {strides = array<i32>} : memref<160xf32, #tpu.memory_space<vmem>>, vector<16xf32>,
        %max3A_269 = arith.constant 1.000000e-16 : f32
        %max3A_270 = vector.broadcast %max3A_269 : f32 to vector<16xf32>
        %max3A_271 = arith.maximumf %scan3A_249#12, %max3A_270 : vector<16xf32>
        %abs3A_272 = math.absf %scan3A_249#2 : vector<16xf32>
        %mul3A_273 = arith.mulf %scan3A_249#2, %abs3A_272 : vector<16xf32>
        %mul3A_274 = arith.mulf %get3A_268, %get3A_268 : vector<16xf32>
        %mul3A_275 = arith.mulf %mul3A_273, %mul3A_274 : vector<16xf32>
        %div3A_276 = arith.divf %mul3A_275, %max3A_271 : vector<16xf32>
        %add3A_277 = arith.constant 16 : i32
        %add3A_278 = arith.addi %add3A_219, %add3A_277 : i32
        %add3A_279 = vector.broadcast %add3A_278 : i32 to vector<16xi32>
        %add3A_280 = arith.addi %add3A_279, %iota3A : vector<16xi32>
        %gt3A_281 = arith.cmpf ogt, %div3A_276, %select_n3A : vector<16xf32>
        %select_n3A_282 = arith.select %gt3A_281, %div3A_276, %select_n3A : vector<16xi1>, vector<16xf32>
        %select_n3A_283 = arith.select %gt3A_281, %add3A_280, %select_n3A_266 : vector<16xi1>, vector<16xi32>
        %get3A_284 = arith.constant 32 : index
        %get3A_285 = tpu.vector_load %arg16[%get3A_284] {strides = array<i32>} : memref<160xf32, #tpu.memory_space<vmem>>, vector<16xf32>,
        %max3A_286 = arith.constant 1.000000e-16 : f32
        %max3A_287 = vector.broadcast %max3A_286 : f32 to vector<16xf32>
        %max3A_288 = arith.maximumf %scan3A_249#13, %max3A_287 : vector<16xf32>
        %abs3A_289 = math.absf %scan3A_249#3 : vector<16xf32>
        %mul3A_290 = arith.mulf %scan3A_249#3, %abs3A_289 : vector<16xf32>
        %mul3A_291 = arith.mulf %get3A_285, %get3A_285 : vector<16xf32>
        %mul3A_292 = arith.mulf %mul3A_290, %mul3A_291 : vector<16xf32>
        %div3A_293 = arith.divf %mul3A_292, %max3A_288 : vector<16xf32>
        %add3A_294 = arith.constant 32 : i32
        %add3A_295 = arith.addi %add3A_219, %add3A_294 : i32
        %add3A_296 = vector.broadcast %add3A_295 : i32 to vector<16xi32>
        %add3A_297 = arith.addi %add3A_296, %iota3A : vector<16xi32>
        %gt3A_298 = arith.cmpf ogt, %div3A_293, %select_n3A_282 : vector<16xf32>
        %select_n3A_299 = arith.select %gt3A_298, %div3A_293, %select_n3A_282 : vector<16xi1>, vector<16xf32>
        %select_n3A_300 = arith.select %gt3A_298, %add3A_297, %select_n3A_283 : vector<16xi1>, vector<16xi32>
        %get3A_301 = arith.constant 48 : index
        %get3A_302 = tpu.vector_load %arg16[%get3A_301] {strides = array<i32>} : memref<160xf32, #tpu.memory_space<vmem>>, vector<16xf32>,
        %max3A_303 = arith.constant 1.000000e-16 : f32
        %max3A_304 = vector.broadcast %max3A_303 : f32 to vector<16xf32>
        %max3A_305 = arith.maximumf %scan3A_249#14, %max3A_304 : vector<16xf32>
        %abs3A_306 = math.absf %scan3A_249#4 : vector<16xf32>
        %mul3A_307 = arith.mulf %scan3A_249#4, %abs3A_306 : vector<16xf32>
        %mul3A_308 = arith.mulf %get3A_302, %get3A_302 : vector<16xf32>
        %mul3A_309 = arith.mulf %mul3A_307, %mul3A_308 : vector<16xf32>
        %div3A_310 = arith.divf %mul3A_309, %max3A_305 : vector<16xf32>
        %add3A_311 = arith.constant 48 : i32
        %add3A_312 = arith.addi %add3A_219, %add3A_311 : i32
        %add3A_313 = vector.broadcast %add3A_312 : i32 to vector<16xi32>
        %add3A_314 = arith.addi %add3A_313, %iota3A : vector<16xi32>
        %gt3A_315 = arith.cmpf ogt, %div3A_310, %select_n3A_299 : vector<16xf32>
        %select_n3A_316 = arith.select %gt3A_315, %div3A_310, %select_n3A_299 : vector<16xi1>, vector<16xf32>
        %select_n3A_317 = arith.select %gt3A_315, %add3A_314, %select_n3A_300 : vector<16xi1>, vector<16xi32>
        %get3A_318 = arith.constant 64 : index
        %get3A_319 = tpu.vector_load %arg16[%get3A_318] {strides = array<i32>} : memref<160xf32, #tpu.memory_space<vmem>>, vector<16xf32>,
        %max3A_320 = arith.constant 1.000000e-16 : f32
        %max3A_321 = vector.broadcast %max3A_320 : f32 to vector<16xf32>
        %max3A_322 = arith.maximumf %scan3A_249#15, %max3A_321 : vector<16xf32>
        %abs3A_323 = math.absf %scan3A_249#5 : vector<16xf32>
        %mul3A_324 = arith.mulf %scan3A_249#5, %abs3A_323 : vector<16xf32>
        %mul3A_325 = arith.mulf %get3A_319, %get3A_319 : vector<16xf32>
        %mul3A_326 = arith.mulf %mul3A_324, %mul3A_325 : vector<16xf32>
        %div3A_327 = arith.divf %mul3A_326, %max3A_322 : vector<16xf32>
        %add3A_328 = arith.constant 64 : i32
        %add3A_329 = arith.addi %add3A_219, %add3A_328 : i32
        %add3A_330 = vector.broadcast %add3A_329 : i32 to vector<16xi32>
        %add3A_331 = arith.addi %add3A_330, %iota3A : vector<16xi32>
        %gt3A_332 = arith.cmpf ogt, %div3A_327, %select_n3A_316 : vector<16xf32>
        %select_n3A_333 = arith.select %gt3A_332, %div3A_327, %select_n3A_316 : vector<16xi1>, vector<16xf32>
        %select_n3A_334 = arith.select %gt3A_332, %add3A_331, %select_n3A_317 : vector<16xi1>, vector<16xi32>
        %get3A_335 = arith.constant 80 : index
        %get3A_336 = tpu.vector_load %arg16[%get3A_335] {strides = array<i32>} : memref<160xf32, #tpu.memory_space<vmem>>, vector<16xf32>,
        %max3A_337 = arith.constant 1.000000e-16 : f32
        %max3A_338 = vector.broadcast %max3A_337 : f32 to vector<16xf32>
        %max3A_339 = arith.maximumf %scan3A_249#16, %max3A_338 : vector<16xf32>
        %abs3A_340 = math.absf %scan3A_249#6 : vector<16xf32>
        %mul3A_341 = arith.mulf %scan3A_249#6, %abs3A_340 : vector<16xf32>
        %mul3A_342 = arith.mulf %get3A_336, %get3A_336 : vector<16xf32>
        %mul3A_343 = arith.mulf %mul3A_341, %mul3A_342 : vector<16xf32>
        %div3A_344 = arith.divf %mul3A_343, %max3A_339 : vector<16xf32>
        %add3A_345 = arith.constant 80 : i32
        %add3A_346 = arith.addi %add3A_219, %add3A_345 : i32
        %add3A_347 = vector.broadcast %add3A_346 : i32 to vector<16xi32>
        %add3A_348 = arith.addi %add3A_347, %iota3A : vector<16xi32>
        %gt3A_349 = arith.cmpf ogt, %div3A_344, %select_n3A_333 : vector<16xf32>
        %select_n3A_350 = arith.select %gt3A_349, %div3A_344, %select_n3A_333 : vector<16xi1>, vector<16xf32>
        %select_n3A_351 = arith.select %gt3A_349, %add3A_348, %select_n3A_334 : vector<16xi1>, vector<16xi32>
        %get3A_352 = arith.constant 96 : index
        %get3A_353 = tpu.vector_load %arg16[%get3A_352] {strides = array<i32>} : memref<160xf32, #tpu.memory_space<vmem>>, vector<16xf32>,
        %max3A_354 = arith.constant 1.000000e-16 : f32
        %max3A_355 = vector.broadcast %max3A_354 : f32 to vector<16xf32>
        %max3A_356 = arith.maximumf %scan3A_249#17, %max3A_355 : vector<16xf32>
        %abs3A_357 = math.absf %scan3A_249#7 : vector<16xf32>
        %mul3A_358 = arith.mulf %scan3A_249#7, %abs3A_357 : vector<16xf32>
        %mul3A_359 = arith.mulf %get3A_353, %get3A_353 : vector<16xf32>
        %mul3A_360 = arith.mulf %mul3A_358, %mul3A_359 : vector<16xf32>
        %div3A_361 = arith.divf %mul3A_360, %max3A_356 : vector<16xf32>
        %add3A_362 = arith.constant 96 : i32
        %add3A_363 = arith.addi %add3A_219, %add3A_362 : i32
        %add3A_364 = vector.broadcast %add3A_363 : i32 to vector<16xi32>
        %add3A_365 = arith.addi %add3A_364, %iota3A : vector<16xi32>
        %gt3A_366 = arith.cmpf ogt, %div3A_361, %select_n3A_350 : vector<16xf32>
        %select_n3A_367 = arith.select %gt3A_366, %div3A_361, %select_n3A_350 : vector<16xi1>, vector<16xf32>
        %select_n3A_368 = arith.select %gt3A_366, %add3A_365, %select_n3A_351 : vector<16xi1>, vector<16xi32>
        %get3A_369 = arith.constant 112 : index
        %get3A_370 = tpu.vector_load %arg16[%get3A_369] {strides = array<i32>} : memref<160xf32, #tpu.memory_space<vmem>>, vector<16xf32>,
        %max3A_371 = arith.constant 1.000000e-16 : f32
        %max3A_372 = vector.broadcast %max3A_371 : f32 to vector<16xf32>
        %max3A_373 = arith.maximumf %scan3A_249#18, %max3A_372 : vector<16xf32>
        %abs3A_374 = math.absf %scan3A_249#8 : vector<16xf32>
        %mul3A_375 = arith.mulf %scan3A_249#8, %abs3A_374 : vector<16xf32>
        %mul3A_376 = arith.mulf %get3A_370, %get3A_370 : vector<16xf32>
        %mul3A_377 = arith.mulf %mul3A_375, %mul3A_376 : vector<16xf32>
        %div3A_378 = arith.divf %mul3A_377, %max3A_373 : vector<16xf32>
        %add3A_379 = arith.constant 112 : i32
        %add3A_380 = arith.addi %add3A_219, %add3A_379 : i32
        %add3A_381 = vector.broadcast %add3A_380 : i32 to vector<16xi32>
        %add3A_382 = arith.addi %add3A_381, %iota3A : vector<16xi32>
        %gt3A_383 = arith.cmpf ogt, %div3A_378, %select_n3A_367 : vector<16xf32>
        %select_n3A_384 = arith.select %gt3A_383, %div3A_378, %select_n3A_367 : vector<16xi1>, vector<16xf32>
        %select_n3A_385 = arith.select %gt3A_383, %add3A_382, %select_n3A_368 : vector<16xi1>, vector<16xi32>
        %get3A_386 = arith.constant 128 : index
        %get3A_387 = tpu.vector_load %arg16[%get3A_386] {strides = array<i32>} : memref<160xf32, #tpu.memory_space<vmem>>, vector<16xf32>,
        %max3A_388 = arith.constant 1.000000e-16 : f32
        %max3A_389 = vector.broadcast %max3A_388 : f32 to vector<16xf32>
        %max3A_390 = arith.maximumf %scan3A_249#19, %max3A_389 : vector<16xf32>
        %abs3A_391 = math.absf %scan3A_249#9 : vector<16xf32>
        %mul3A_392 = arith.mulf %scan3A_249#9, %abs3A_391 : vector<16xf32>
        %mul3A_393 = arith.mulf %get3A_387, %get3A_387 : vector<16xf32>
        %mul3A_394 = arith.mulf %mul3A_392, %mul3A_393 : vector<16xf32>
        %div3A_395 = arith.divf %mul3A_394, %max3A_390 : vector<16xf32>
        %add3A_396 = arith.constant 128 : i32
        %add3A_397 = arith.addi %add3A_219, %add3A_396 : i32
        %add3A_398 = vector.broadcast %add3A_397 : i32 to vector<16xi32>
        %add3A_399 = arith.addi %add3A_398, %iota3A : vector<16xi32>
        %gt3A_400 = arith.cmpf ogt, %div3A_395, %select_n3A_384 : vector<16xf32>
        %select_n3A_401 = arith.select %gt3A_400, %div3A_395, %select_n3A_384 : vector<16xi1>, vector<16xf32>
        %select_n3A_402 = arith.select %gt3A_400, %add3A_399, %select_n3A_385 : vector<16xi1>, vector<16xi32>
        %get3A_403 = arith.constant 144 : index
        %get3A_404 = tpu.vector_load %arg16[%get3A_403] {strides = array<i32>} : memref<160xf32, #tpu.memory_space<vmem>>, vector<16xf32>,
        %max3A_405 = arith.constant 1.000000e-16 : f32
        %max3A_406 = vector.broadcast %max3A_405 : f32 to vector<16xf32>
        %max3A_407 = arith.maximumf %scan3A_249#20, %max3A_406 : vector<16xf32>
        %abs3A_408 = math.absf %scan3A_249#10 : vector<16xf32>
        %mul3A_409 = arith.mulf %scan3A_249#10, %abs3A_408 : vector<16xf32>
        %mul3A_410 = arith.mulf %get3A_404, %get3A_404 : vector<16xf32>
        %mul3A_411 = arith.mulf %mul3A_409, %mul3A_410 : vector<16xf32>
        %div3A_412 = arith.divf %mul3A_411, %max3A_407 : vector<16xf32>
        %add3A_413 = arith.constant 144 : i32
        %add3A_414 = arith.addi %add3A_219, %add3A_413 : i32
        %add3A_415 = vector.broadcast %add3A_414 : i32 to vector<16xi32>
        %add3A_416 = arith.addi %add3A_415, %iota3A : vector<16xi32>
        %gt3A_417 = arith.cmpf ogt, %div3A_412, %select_n3A_401 : vector<16xf32>
        %select_n3A_418 = arith.select %gt3A_417, %div3A_412, %select_n3A_401 : vector<16xi1>, vector<16xf32>
        %select_n3A_419 = arith.select %gt3A_417, %add3A_416, %select_n3A_402 : vector<16xi1>, vector<16xi32>
        %swap3A_420 = arith.constant 0 : index
        %swap3A_421 = tpu.vector_load %arg17[%swap3A_420] {strides = array<i32>} : memref<16xf32, #tpu.memory_space<vmem>>, vector<16xf32>,
        tpu.vector_store %arg17[%swap3A_420], %select_n3A_418 {strides = array<i32>} : memref<16xf32, #tpu.memory_space<vmem>>, vector<16xf32>,
        %swap3A_422 = arith.constant 0 : index
        %swap3A_423 = tpu.vector_load %arg18[%swap3A_422] {strides = array<i32>} : memref<16xi32, #tpu.memory_space<vmem>>, vector<16xi32>,
        tpu.vector_store %arg18[%swap3A_422], %select_n3A_419 {strides = array<i32>} : memref<16xi32, #tpu.memory_space<vmem>>, vector<16xi32>,
        %add3A_424 = arith.constant 32 : i32
        %add3A_425 = arith.addi %add3A_209, %add3A_424 : i32
        %lt3A_426 = arith.constant 113 : i32
        %lt3A_427 = arith.cmpi slt, %add3A_425, %lt3A_426 : i32
        %convert_element_type3A_428 = arith.extui %lt3A_427 : i1 to i32
        %cond3A_429 = arith.constant 0 : i32
        %cond3A_430 = arith.cmpi ne, %convert_element_type3A_428, %cond3A_429 : i32
        scf.if %cond3A_430 {
          %mul3A_431 = arith.constant 160 : i32
          %mul3A_432 = arith.muli %add3A_425, %mul3A_431 : i32
          %add3A_433 = arith.constant 81920 : i32
          %add3A_434 = arith.addi %add3A_433, %mul3A_432 : i32
          %mul3A_435 = arith.constant 128 : i32
          %mul3A_436 = arith.muli %add3A_434, %mul3A_435 : i32
          %dma_start3A = tpu.memref_slice %arg3[%mul3A_436] : memref<12800000xf32, #tpu.memory_space<hbm>> -> memref<20480xf32, #tpu.memory_space<hbm>>
          %dma_start3A_437 = tpu.memref_slice %arg3[%mul3A_436] : memref<12800000xf32, #tpu.memory_space<hbm>> -> memref<20480xf32, #tpu.memory_space<hbm>>
          tpu.enqueue_dma source(%dma_start3A_437 : memref<20480xf32, #tpu.memory_space<hbm>>) target(%arg14 : memref<20480xf32, #tpu.memory_space<vmem>>) target_semaphore(%arg20 : memref<!tpu.dma_semaphore, #tpu.memory_space<semaphore_mem>>)
          %dma_start3A_438 = tpu.memref_slice %arg4[%add3A_434] : memref<100000xf32, #tpu.memory_space<hbm>> -> memref<160xf32, #tpu.memory_space<hbm>>
          %dma_start3A_439 = tpu.memref_slice %arg4[%add3A_434] : memref<100000xf32, #tpu.memory_space<hbm>> -> memref<160xf32, #tpu.memory_space<hbm>>
          tpu.enqueue_dma source(%dma_start3A_439 : memref<160xf32, #tpu.memory_space<hbm>>) target(%arg16 : memref<160xf32, #tpu.memory_space<vmem>>) target_semaphore(%arg20 : memref<!tpu.dma_semaphore, #tpu.memory_space<semaphore_mem>>)
        } else {
        }
      } else {
      }
      %scan3A_215 = arith.constant 0 : i32
      scf.yield %scan3A_215 : i32
    }
    %scan3A_190 = arith.constant 4 : i32
    "tpu.region"() ({
      %run_scoped3A = tpu.sem_alloc : memref<!tpu.dma_semaphore, #tpu.memory_space<semaphore_mem>>
      %dma_start3A = arith.constant 0 : i32
      %dma_start3A_191 = tpu.memref_slice %arg7[%add3A, %dma_start3A] : memref<16x16xf32, #tpu.memory_space<hbm>> -> memref<1x16xf32, #tpu.memory_space<hbm>>
      %dma_start3A_192 = tpu.memref_squeeze %dma_start3A_191 : memref<1x16xf32, #tpu.memory_space<hbm>> -> memref<16xf32, #tpu.memory_space<hbm>>
      %dma_start3A_193 = arith.constant 0 : i32
      %dma_start3A_194 = tpu.memref_slice %arg7[%add3A, %dma_start3A_193] : memref<16x16xf32, #tpu.memory_space<hbm>> -> memref<1x16xf32, #tpu.memory_space<hbm>>
      %dma_start3A_195 = tpu.memref_squeeze %dma_start3A_194 : memref<1x16xf32, #tpu.memory_space<hbm>> -> memref<16xf32, #tpu.memory_space<hbm>>
      tpu.enqueue_dma source(%arg17 : memref<16xf32, #tpu.memory_space<vmem>>) target(%dma_start3A_195 : memref<16xf32, #tpu.memory_space<hbm>>) target_semaphore(%run_scoped3A : memref<!tpu.dma_semaphore, #tpu.memory_space<semaphore_mem>>)
      %dma_wait3A = arith.constant 0 : i32
      %dma_wait3A_196 = tpu.memref_slice %arg7[%add3A, %dma_wait3A] : memref<16x16xf32, #tpu.memory_space<hbm>> -> memref<1x16xf32, #tpu.memory_space<hbm>>
      %dma_wait3A_197 = tpu.memref_squeeze %dma_wait3A_196 : memref<1x16xf32, #tpu.memory_space<hbm>> -> memref<16xf32, #tpu.memory_space<hbm>>
      %dma_wait3A_198 = arith.constant 0 : i32
      %dma_wait3A_199 = tpu.memref_slice %arg7[%add3A, %dma_wait3A_198] : memref<16x16xf32, #tpu.memory_space<hbm>> -> memref<1x16xf32, #tpu.memory_space<hbm>>
      %dma_wait3A_200 = tpu.memref_squeeze %dma_wait3A_199 : memref<1x16xf32, #tpu.memory_space<hbm>> -> memref<16xf32, #tpu.memory_space<hbm>>
      tpu.wait_dma2 semaphore(%run_scoped3A : memref<!tpu.dma_semaphore, #tpu.memory_space<semaphore_mem>>) src(%arg17 : memref<16xf32, #tpu.memory_space<vmem>>) dst(%dma_wait3A_200 : memref<16xf32, #tpu.memory_space<hbm>>)
      tpu.yield
    }) : () -> ()
    "tpu.region"() ({
      %run_scoped3A = tpu.sem_alloc : memref<!tpu.dma_semaphore, #tpu.memory_space<semaphore_mem>>
      %dma_start3A = arith.constant 0 : i32
      %dma_start3A_191 = tpu.memref_slice %arg8[%add3A, %dma_start3A] : memref<16x16xi32, #tpu.memory_space<hbm>> -> memref<1x16xi32, #tpu.memory_space<hbm>>
      %dma_start3A_192 = tpu.memref_squeeze %dma_start3A_191 : memref<1x16xi32, #tpu.memory_space<hbm>> -> memref<16xi32, #tpu.memory_space<hbm>>
      %dma_start3A_193 = arith.constant 0 : i32
      %dma_start3A_194 = tpu.memref_slice %arg8[%add3A, %dma_start3A_193] : memref<16x16xi32, #tpu.memory_space<hbm>> -> memref<1x16xi32, #tpu.memory_space<hbm>>
      %dma_start3A_195 = tpu.memref_squeeze %dma_start3A_194 : memref<1x16xi32, #tpu.memory_space<hbm>> -> memref<16xi32, #tpu.memory_space<hbm>>
      tpu.enqueue_dma source(%arg18 : memref<16xi32, #tpu.memory_space<vmem>>) target(%dma_start3A_195 : memref<16xi32, #tpu.memory_space<hbm>>) target_semaphore(%run_scoped3A : memref<!tpu.dma_semaphore, #tpu.memory_space<semaphore_mem>>)
      %dma_wait3A = arith.constant 0 : i32
      %dma_wait3A_196 = tpu.memref_slice %arg8[%add3A, %dma_wait3A] : memref<16x16xi32, #tpu.memory_space<hbm>> -> memref<1x16xi32, #tpu.memory_space<hbm>>
      %dma_wait3A_197 = tpu.memref_squeeze %dma_wait3A_196 : memref<1x16xi32, #tpu.memory_space<hbm>> -> memref<16xi32, #tpu.memory_space<hbm>>
      %dma_wait3A_198 = arith.constant 0 : i32
      %dma_wait3A_199 = tpu.memref_slice %arg8[%add3A, %dma_wait3A_198] : memref<16x16xi32, #tpu.memory_space<hbm>> -> memref<1x16xi32, #tpu.memory_space<hbm>>
      %dma_wait3A_200 = tpu.memref_squeeze %dma_wait3A_199 : memref<1x16xi32, #tpu.memory_space<hbm>> -> memref<16xi32, #tpu.memory_space<hbm>>
      tpu.wait_dma2 semaphore(%run_scoped3A : memref<!tpu.dma_semaphore, #tpu.memory_space<semaphore_mem>>) src(%arg18 : memref<16xi32, #tpu.memory_space<vmem>>) dst(%dma_wait3A_200 : memref<16xi32, #tpu.memory_space<hbm>>)
      tpu.yield
    }) : () -> ()
    return
  }
}

module attributes {stable_mosaic.version = 14 : i64} {
  func.func @_tc_scan_body(%arg0: i32, %arg1: memref<1x128xf32, #tpu.memory_space<vmem>>, %arg2: memref<128x128xf32, #tpu.memory_space<vmem>>, %arg3: memref<1x128xf32, #tpu.memory_space<vmem>>, %arg4: memref<1x4096xf32, #tpu.memory_space<vmem>>, %arg5: memref<4096x128xf32, #tpu.memory_space<vmem>>, %arg6: memref<1x512xf32, #tpu.memory_space<vmem>>, %arg7: memref<1x512xi32, #tpu.memory_space<vmem>>, %arg8: memref<1x128xf32, #tpu.memory_space<vmem>>, %arg9: memref<1x512xf32, #tpu.memory_space<vmem>>, %arg10: memref<1x512xi32, #tpu.memory_space<vmem>>) attributes {dimension_semantics = [#tpu.dimension_semantics<arbitrary>], iteration_bounds = array<i64: 20>, scalar_prefetch = 0 : i64, scratch_operands = 3 : i64, tpu.core_type = #tpu.core_type<tc>, window_params = [{pipeline_mode = #tpu.pipeline_mode<synchronous>, transform_indices = @transform_0, window_bounds = array<i64: 1, 128>}, {pipeline_mode = #tpu.pipeline_mode<synchronous>, transform_indices = @transform_1, window_bounds = array<i64: 128, 128>}, {pipeline_mode = #tpu.pipeline_mode<synchronous>, transform_indices = @transform_2, window_bounds = array<i64: 1, 128>}, {transform_indices = @transform_3, window_bounds = array<i64: 1, 4096>}, {transform_indices = @transform_4, window_bounds = array<i64: 4096, 128>}, {pipeline_mode = #tpu.pipeline_mode<synchronous>, transform_indices = @transform_5, window_bounds = array<i64: 1, 512>}, {pipeline_mode = #tpu.pipeline_mode<synchronous>, transform_indices = @transform_6, window_bounds = array<i64: 1, 512>}]} {
    %eq3A = arith.constant 0 : i32
    %eq3A_0 = arith.cmpi eq, %arg0, %eq3A : i32
    %convert_element_type3A = arith.extui %eq3A_0 : i1 to i32
    %cond3A = arith.constant 0 : i32
    %cond3A_1 = arith.cmpi ne, %convert_element_type3A, %cond3A : i32
    scf.if %cond3A_1 {
      %get3A_59 = arith.constant 0 : index
      %get3A_60 = arith.constant 0 : index
      %get3A_61 = vector.load %arg1[%get3A_59, %get3A_60] : memref<1x128xf32, #tpu.memory_space<vmem>>, vector<1x128xf32>
      %get3A_62 = arith.constant 0 : index
      %get3A_63 = arith.constant 0 : index
      %get3A_64 = vector.load %arg2[%get3A_62, %get3A_63] : memref<128x128xf32, #tpu.memory_space<vmem>>, vector<128x128xf32>
      %dot_general3A_65 = arith.constant dense<0.000000e+00> : vector<1x128xf32>
      %dot_general3A_66 = tpu.matmul %get3A_61, %get3A_64, %dot_general3A_65 {dimension_numbers = #tpu.dot_dimension_numbers<[1], [1], [0], [0], [0, 0, 1, 0], [], []>, transpose_lhs_hint = false} : vector<1x128xf32>, vector<128x128xf32>, vector<1x128xf32> -> vector<1x128xf32>
      %get3A_67 = arith.constant 0 : index
      %get3A_68 = arith.constant 0 : index
      %get3A_69 = vector.load %arg3[%get3A_67, %get3A_68] : memref<1x128xf32, #tpu.memory_space<vmem>>, vector<1x128xf32>
      %add3A_70 = arith.addf %dot_general3A_66, %get3A_69 : vector<1x128xf32>
      %swap3A_71 = arith.constant 0 : index
      %swap3A_72 = arith.constant 0 : index
      %swap3A_73 = vector.load %arg8[%swap3A_71, %swap3A_72] : memref<1x128xf32, #tpu.memory_space<vmem>>, vector<1x128xf32>
      tpu.vector_store %arg8[%swap3A_71, %swap3A_72], %add3A_70 {strides = array<i32>} : memref<1x128xf32, #tpu.memory_space<vmem>>, vector<1x128xf32>,
      %broadcast_in_dim3A_74 = arith.constant 0xFF800000 : f32
      %broadcast_in_dim3A_75 = vector.broadcast %broadcast_in_dim3A_74 : f32 to vector<1x512xf32>
      %swap3A_76 = arith.constant 0 : index
      %swap3A_77 = arith.constant 0 : index
      %swap3A_78 = vector.load %arg9[%swap3A_76, %swap3A_77] : memref<1x512xf32, #tpu.memory_space<vmem>>, vector<1x512xf32>
      tpu.vector_store %arg9[%swap3A_76, %swap3A_77], %broadcast_in_dim3A_75 {strides = array<i32>} : memref<1x512xf32, #tpu.memory_space<vmem>>, vector<1x512xf32>,
      %broadcast_in_dim3A_79 = arith.constant 0 : i32
      %broadcast_in_dim3A_80 = vector.broadcast %broadcast_in_dim3A_79 : i32 to vector<1x512xi32>
      %swap3A_81 = arith.constant 0 : index
      %swap3A_82 = arith.constant 0 : index
      %swap3A_83 = vector.load %arg10[%swap3A_81, %swap3A_82] : memref<1x512xi32, #tpu.memory_space<vmem>>, vector<1x512xi32>
      tpu.vector_store %arg10[%swap3A_81, %swap3A_82], %broadcast_in_dim3A_80 {strides = array<i32>} : memref<1x512xi32, #tpu.memory_space<vmem>>, vector<1x512xi32>,
    } else {
    }
    %get3A = arith.constant 0 : index
    %get3A_2 = arith.constant 0 : index
    %get3A_3 = vector.load %arg5[%get3A, %get3A_2] : memref<4096x128xf32, #tpu.memory_space<vmem>>, vector<4096x128xf32>
    %get3A_4 = arith.constant 0 : index
    %get3A_5 = arith.constant 0 : index
    %get3A_6 = vector.load %arg8[%get3A_4, %get3A_5] : memref<1x128xf32, #tpu.memory_space<vmem>>, vector<1x128xf32>
    %dot_general3A = arith.constant dense<0.000000e+00> : vector<1x4096xf32>
    %dot_general3A_7 = tpu.matmul %get3A_6, %get3A_3, %dot_general3A {dimension_numbers = #tpu.dot_dimension_numbers<[1], [1], [0], [0], [0, 0, 1, 0], [], []>, transpose_lhs_hint = false} : vector<1x128xf32>, vector<4096x128xf32>, vector<1x4096xf32> -> vector<1x4096xf32>
    %broadcast_in_dim3A = arith.constant 1.000000e+00 : f32
    %broadcast_in_dim3A_8 = vector.broadcast %broadcast_in_dim3A : f32 to vector<1x128xf32>
    %mul3A = arith.mulf %get3A_3, %get3A_3 : vector<4096x128xf32>
    %dot_general3A_9 = arith.constant dense<0.000000e+00> : vector<1x4096xf32>
    %dot_general3A_10 = tpu.matmul %broadcast_in_dim3A_8, %mul3A, %dot_general3A_9 {dimension_numbers = #tpu.dot_dimension_numbers<[1], [1], [0], [0], [0, 0, 1, 0], [], []>, transpose_lhs_hint = false} : vector<1x128xf32>, vector<4096x128xf32>, vector<1x4096xf32> -> vector<1x4096xf32>
    %get3A_11 = arith.constant 0 : index
    %get3A_12 = arith.constant 0 : index
    %get3A_13 = vector.load %arg4[%get3A_11, %get3A_12] : memref<1x4096xf32, #tpu.memory_space<vmem>>, vector<1x4096xf32>
    %abs3A = math.absf %dot_general3A_7 : vector<1x4096xf32>
    %mul3A_14 = arith.mulf %dot_general3A_7, %abs3A : vector<1x4096xf32>
    %mul3A_15 = arith.mulf %get3A_13, %get3A_13 : vector<1x4096xf32>
    %mul3A_16 = arith.mulf %mul3A_14, %mul3A_15 : vector<1x4096xf32>
    %max3A = arith.constant 1.000000e-16 : f32
    %max3A_17 = vector.broadcast %max3A : f32 to vector<1x4096xf32>
    %max3A_18 = arith.maximumf %dot_general3A_10, %max3A_17 : vector<1x4096xf32>
    %div3A = arith.divf %mul3A_16, %max3A_18 : vector<1x4096xf32>
    %iota3A = tpu.iota {dimensions = array<i32: 1>} : vector<1x4096xi32>
    %mul3A_19 = arith.constant 4096 : i32
    %mul3A_20 = arith.muli %arg0, %mul3A_19 : i32
    %add3A = vector.broadcast %mul3A_20 : i32 to vector<1x4096xi32>
    %add3A_21 = arith.addi %iota3A, %add3A : vector<1x4096xi32>
    %slice3A = vector.extract_strided_slice %div3A {offsets = [0, 0], sizes = [1, 2048], strides = [1, 1]} : vector<1x4096xf32> to vector<1x2048xf32>
    %slice3A_22 = vector.extract_strided_slice %div3A {offsets = [0, 2048], sizes = [1, 2048], strides = [1, 1]} : vector<1x4096xf32> to vector<1x2048xf32>
    %slice3A_23 = vector.extract_strided_slice %add3A_21 {offsets = [0, 0], sizes = [1, 2048], strides = [1, 1]} : vector<1x4096xi32> to vector<1x2048xi32>
    %slice3A_24 = vector.extract_strided_slice %add3A_21 {offsets = [0, 2048], sizes = [1, 2048], strides = [1, 1]} : vector<1x4096xi32> to vector<1x2048xi32>
    %gt3A = arith.cmpf ogt, %slice3A_22, %slice3A : vector<1x2048xf32>
    %select_n3A = arith.select %gt3A, %slice3A_22, %slice3A : vector<1x2048xi1>, vector<1x2048xf32>
    %select_n3A_25 = arith.select %gt3A, %slice3A_24, %slice3A_23 : vector<1x2048xi1>, vector<1x2048xi32>
    %slice3A_26 = vector.extract_strided_slice %select_n3A {offsets = [0, 0], sizes = [1, 1024], strides = [1, 1]} : vector<1x2048xf32> to vector<1x1024xf32>
    %slice3A_27 = vector.extract_strided_slice %select_n3A {offsets = [0, 1024], sizes = [1, 1024], strides = [1, 1]} : vector<1x2048xf32> to vector<1x1024xf32>
    %slice3A_28 = vector.extract_strided_slice %select_n3A_25 {offsets = [0, 0], sizes = [1, 1024], strides = [1, 1]} : vector<1x2048xi32> to vector<1x1024xi32>
    %slice3A_29 = vector.extract_strided_slice %select_n3A_25 {offsets = [0, 1024], sizes = [1, 1024], strides = [1, 1]} : vector<1x2048xi32> to vector<1x1024xi32>
    %gt3A_30 = arith.cmpf ogt, %slice3A_27, %slice3A_26 : vector<1x1024xf32>
    %select_n3A_31 = arith.select %gt3A_30, %slice3A_27, %slice3A_26 : vector<1x1024xi1>, vector<1x1024xf32>
    %select_n3A_32 = arith.select %gt3A_30, %slice3A_29, %slice3A_28 : vector<1x1024xi1>, vector<1x1024xi32>
    %slice3A_33 = vector.extract_strided_slice %select_n3A_31 {offsets = [0, 0], sizes = [1, 512], strides = [1, 1]} : vector<1x1024xf32> to vector<1x512xf32>
    %slice3A_34 = vector.extract_strided_slice %select_n3A_31 {offsets = [0, 512], sizes = [1, 512], strides = [1, 1]} : vector<1x1024xf32> to vector<1x512xf32>
    %slice3A_35 = vector.extract_strided_slice %select_n3A_32 {offsets = [0, 0], sizes = [1, 512], strides = [1, 1]} : vector<1x1024xi32> to vector<1x512xi32>
    %slice3A_36 = vector.extract_strided_slice %select_n3A_32 {offsets = [0, 512], sizes = [1, 512], strides = [1, 1]} : vector<1x1024xi32> to vector<1x512xi32>
    %gt3A_37 = arith.cmpf ogt, %slice3A_34, %slice3A_33 : vector<1x512xf32>
    %select_n3A_38 = arith.select %gt3A_37, %slice3A_34, %slice3A_33 : vector<1x512xi1>, vector<1x512xf32>
    %select_n3A_39 = arith.select %gt3A_37, %slice3A_36, %slice3A_35 : vector<1x512xi1>, vector<1x512xi32>
    %get3A_40 = arith.constant 0 : index
    %get3A_41 = arith.constant 0 : index
    %get3A_42 = vector.load %arg9[%get3A_40, %get3A_41] : memref<1x512xf32, #tpu.memory_space<vmem>>, vector<1x512xf32>
    %gt3A_43 = arith.cmpf ogt, %select_n3A_38, %get3A_42 : vector<1x512xf32>
    %select_n3A_44 = arith.select %gt3A_43, %select_n3A_38, %get3A_42 : vector<1x512xi1>, vector<1x512xf32>
    %swap3A = arith.constant 0 : index
    %swap3A_45 = arith.constant 0 : index
    %swap3A_46 = vector.load %arg9[%swap3A, %swap3A_45] : memref<1x512xf32, #tpu.memory_space<vmem>>, vector<1x512xf32>
    tpu.vector_store %arg9[%swap3A, %swap3A_45], %select_n3A_44 {strides = array<i32>} : memref<1x512xf32, #tpu.memory_space<vmem>>, vector<1x512xf32>,
    %get3A_47 = arith.constant 0 : index
    %get3A_48 = arith.constant 0 : index
    %get3A_49 = vector.load %arg10[%get3A_47, %get3A_48] : memref<1x512xi32, #tpu.memory_space<vmem>>, vector<1x512xi32>
    %select_n3A_50 = arith.select %gt3A_43, %select_n3A_39, %get3A_49 : vector<1x512xi1>, vector<1x512xi32>
    %swap3A_51 = arith.constant 0 : index
    %swap3A_52 = arith.constant 0 : index
    %swap3A_53 = vector.load %arg10[%swap3A_51, %swap3A_52] : memref<1x512xi32, #tpu.memory_space<vmem>>, vector<1x512xi32>
    tpu.vector_store %arg10[%swap3A_51, %swap3A_52], %select_n3A_50 {strides = array<i32>} : memref<1x512xi32, #tpu.memory_space<vmem>>, vector<1x512xi32>,
    %eq3A_54 = arith.constant 19 : i32
    %eq3A_55 = arith.cmpi eq, %arg0, %eq3A_54 : i32
    %convert_element_type3A_56 = arith.extui %eq3A_55 : i1 to i32
    %cond3A_57 = arith.constant 0 : i32
    %cond3A_58 = arith.cmpi ne, %convert_element_type3A_56, %cond3A_57 : i32
    scf.if %cond3A_58 {
      %get3A_59 = arith.constant 0 : index
      %get3A_60 = arith.constant 0 : index
      %get3A_61 = vector.load %arg9[%get3A_59, %get3A_60] : memref<1x512xf32, #tpu.memory_space<vmem>>, vector<1x512xf32>
      %swap3A_62 = arith.constant 0 : index
      %swap3A_63 = arith.constant 0 : index
      %swap3A_64 = vector.load %arg6[%swap3A_62, %swap3A_63] : memref<1x512xf32, #tpu.memory_space<vmem>>, vector<1x512xf32>
      tpu.vector_store %arg6[%swap3A_62, %swap3A_63], %get3A_61 {strides = array<i32>} : memref<1x512xf32, #tpu.memory_space<vmem>>, vector<1x512xf32>,
      %get3A_65 = arith.constant 0 : index
      %get3A_66 = arith.constant 0 : index
      %get3A_67 = vector.load %arg10[%get3A_65, %get3A_66] : memref<1x512xi32, #tpu.memory_space<vmem>>, vector<1x512xi32>
      %swap3A_68 = arith.constant 0 : index
      %swap3A_69 = arith.constant 0 : index
      %swap3A_70 = vector.load %arg7[%swap3A_68, %swap3A_69] : memref<1x512xi32, #tpu.memory_space<vmem>>, vector<1x512xi32>
      tpu.vector_store %arg7[%swap3A_68, %swap3A_69], %get3A_67 {strides = array<i32>} : memref<1x512xi32, #tpu.memory_space<vmem>>, vector<1x512xi32>,
    } else {
    }
    return
  }
  func.func @transform_0(%arg0: i32) -> (i32, i32) {
    %c0_i32 = arith.constant 0 : i32
    %c0_i32_0 = arith.constant 0 : i32
    %c0_i32_1 = arith.constant 0 : i32
    return %c0_i32, %c0_i32_0 : i32, i32
  }
  func.func @transform_1(%arg0: i32) -> (i32, i32) {
    %c0_i32 = arith.constant 0 : i32
    %c0_i32_0 = arith.constant 0 : i32
    %c0_i32_1 = arith.constant 0 : i32
    return %c0_i32, %c0_i32_0 : i32, i32
  }
  func.func @transform_2(%arg0: i32) -> (i32, i32) {
    %c0_i32 = arith.constant 0 : i32
    %c0_i32_0 = arith.constant 0 : i32
    %c0_i32_1 = arith.constant 0 : i32
    return %c0_i32, %c0_i32_0 : i32, i32
  }
  func.func @transform_3(%arg0: i32) -> (i32, i32) {
    %c0_i32 = arith.constant 0 : i32
    %c0_i32_0 = arith.constant 0 : i32
    return %c0_i32, %arg0 : i32, i32
  }
  func.func @transform_4(%arg0: i32) -> (i32, i32) {
    %c0_i32 = arith.constant 0 : i32
    %c0_i32_0 = arith.constant 0 : i32
    return %arg0, %c0_i32 : i32, i32
  }
  func.func @transform_5(%arg0: i32) -> (i32, i32) {
    %c0_i32 = arith.constant 0 : i32
    %c0_i32_0 = arith.constant 0 : i32
    %c0_i32_1 = arith.constant 0 : i32
    return %c0_i32, %c0_i32_0 : i32, i32
  }
  func.func @transform_6(%arg0: i32) -> (i32, i32) {
    %c0_i32 = arith.constant 0 : i32
    %c0_i32_0 = arith.constant 0 : i32
    %c0_i32_1 = arith.constant 0 : i32
    return %c0_i32, %c0_i32_0 : i32, i32
  }
}

module attributes {stable_mosaic.version = 14 : i64} {
  func.func @_tc_merge_decode(%arg0: memref<16x16xf32, #tpu.memory_space<vmem>>, %arg1: memref<16x16xi32, #tpu.memory_space<vmem>>, %arg2: memref<1x512xf32, #tpu.memory_space<vmem>>, %arg3: memref<1x512xi32, #tpu.memory_space<vmem>>, %arg4: memref<100000x128xf32, #tpu.memory_space<any>>, %arg5: memref<128x128xf32, #tpu.memory_space<vmem>>, %arg6: memref<1x128xf32, #tpu.memory_space<vmem>>, %arg7: memref<1x128xf32, #tpu.memory_space<vmem>>, %arg8: memref<1x128xf32, #tpu.memory_space<vmem>>, %arg9: memref<!tpu.dma_semaphore, #tpu.memory_space<semaphore_mem>>) attributes {dimension_semantics = [], scalar_prefetch = 0 : i64, scratch_operands = 2 : i64, tpu.core_type = #tpu.core_type<tc>} {
    %get3A = arith.constant 0 : index
    %get3A_0 = arith.constant 0 : index
    %get3A_1 = vector.load %arg0[%get3A, %get3A_0] : memref<16x16xf32, #tpu.memory_space<vmem>>, vector<16x16xf32>
    %get3A_2 = arith.constant 0 : index
    %get3A_3 = arith.constant 0 : index
    %get3A_4 = vector.load %arg1[%get3A_2, %get3A_3] : memref<16x16xi32, #tpu.memory_space<vmem>>, vector<16x16xi32>
    %get3A_5 = arith.constant 0 : index
    %get3A_6 = arith.constant 0 : index
    %get3A_7 = vector.load %arg2[%get3A_5, %get3A_6] : memref<1x512xf32, #tpu.memory_space<vmem>>, vector<1x512xf32>
    %get3A_8 = arith.constant 0 : index
    %get3A_9 = arith.constant 0 : index
    %get3A_10 = vector.load %arg3[%get3A_8, %get3A_9] : memref<1x512xi32, #tpu.memory_space<vmem>>, vector<1x512xi32>
    %reduce_max3A = vector.shape_cast %get3A_1 : vector<16x16xf32> to vector<1x16x16xf32>
    %reduce_max3A_11 = arith.constant dense<0xFF800000> : vector<1xf32>
    %reduce_max3A_12 = vector.multi_reduction <maximumf>, %reduce_max3A, %reduce_max3A_11 [1, 2] : vector<1x16x16xf32> to vector<1xf32>
    %reduce_max3A_13 = vector.shape_cast %reduce_max3A_12 : vector<1xf32> to vector<1x1x1xf32>
    %reduce_max3A_14 = vector.extract %reduce_max3A_13[0, 0, 0] : f32 from vector<1x1x1xf32>
    %reduce_max3A_15 = vector.shape_cast %get3A_7 : vector<1x512xf32> to vector<1x1x512xf32>
    %reduce_max3A_16 = arith.constant dense<0xFF800000> : vector<1xf32>
    %reduce_max3A_17 = vector.multi_reduction <maximumf>, %reduce_max3A_15, %reduce_max3A_16 [1, 2] : vector<1x1x512xf32> to vector<1xf32>
    %reduce_max3A_18 = vector.shape_cast %reduce_max3A_17 : vector<1xf32> to vector<1x1x1xf32>
    %reduce_max3A_19 = vector.extract %reduce_max3A_18[0, 0, 0] : f32 from vector<1x1x1xf32>
    %max3A = arith.maximumf %reduce_max3A_14, %reduce_max3A_19 : f32
    %eq3A = vector.broadcast %max3A : f32 to vector<16x16xf32>
    %eq3A_20 = arith.cmpf oeq, %get3A_1, %eq3A : vector<16x16xf32>
    %jit3A = arith.constant 2147483647 : i32
    %broadcast_in_dim3A = vector.broadcast %jit3A : i32 to vector<16x16xi32>
    %select_n3A = arith.select %eq3A_20, %get3A_4, %broadcast_in_dim3A : vector<16x16xi1>, vector<16x16xi32>
    %reduce_min3A = vector.shape_cast %select_n3A : vector<16x16xi32> to vector<1x16x16xi32>
    %reduce_min3A_21 = arith.constant dense<2147483647> : vector<1xi32>
    %reduce_min3A_22 = vector.multi_reduction <minsi>, %reduce_min3A, %reduce_min3A_21 [1, 2] : vector<1x16x16xi32> to vector<1xi32>
    %reduce_min3A_23 = vector.shape_cast %reduce_min3A_22 : vector<1xi32> to vector<1x1x1xi32>
    %reduce_min3A_24 = vector.extract %reduce_min3A_23[0, 0, 0] : i32 from vector<1x1x1xi32>
    %eq3A_25 = vector.broadcast %max3A : f32 to vector<1x512xf32>
    %eq3A_26 = arith.cmpf oeq, %get3A_7, %eq3A_25 : vector<1x512xf32>
    %jit3A_27 = arith.constant 2147483647 : i32
    %broadcast_in_dim3A_28 = vector.broadcast %jit3A_27 : i32 to vector<1x512xi32>
    %select_n3A_29 = arith.select %eq3A_26, %get3A_10, %broadcast_in_dim3A_28 : vector<1x512xi1>, vector<1x512xi32>
    %reduce_min3A_30 = vector.shape_cast %select_n3A_29 : vector<1x512xi32> to vector<1x1x512xi32>
    %reduce_min3A_31 = arith.constant dense<2147483647> : vector<1xi32>
    %reduce_min3A_32 = vector.multi_reduction <minsi>, %reduce_min3A_30, %reduce_min3A_31 [1, 2] : vector<1x1x512xi32> to vector<1xi32>
    %reduce_min3A_33 = vector.shape_cast %reduce_min3A_32 : vector<1xi32> to vector<1x1x1xi32>
    %reduce_min3A_34 = vector.extract %reduce_min3A_33[0, 0, 0] : i32 from vector<1x1x1xi32>
    %min3A = arith.minsi %reduce_min3A_24, %reduce_min3A_34 : i32
    %dma_start3A = arith.constant 0 : i32
    %dma_start3A_35 = tpu.memref_slice %arg4[%min3A, %dma_start3A] : memref<100000x128xf32, #tpu.memory_space<any>> -> memref<1x128xf32, #tpu.memory_space<any>>
    tpu.enqueue_dma source(%dma_start3A_35 : memref<1x128xf32, #tpu.memory_space<any>>) target(%arg8 : memref<1x128xf32, #tpu.memory_space<vmem>>) target_semaphore(%arg9 : memref<!tpu.dma_semaphore, #tpu.memory_space<semaphore_mem>>)
    %dma_wait3A = arith.constant 0 : i32
    %dma_wait3A_36 = tpu.memref_slice %arg4[%min3A, %dma_wait3A] : memref<100000x128xf32, #tpu.memory_space<any>> -> memref<1x128xf32, #tpu.memory_space<any>>
    tpu.wait_dma2 semaphore(%arg9 : memref<!tpu.dma_semaphore, #tpu.memory_space<semaphore_mem>>) src(%dma_wait3A_36 : memref<1x128xf32, #tpu.memory_space<any>>) dst(%arg8 : memref<1x128xf32, #tpu.memory_space<vmem>>)
    %get3A_37 = arith.constant 0 : index
    %get3A_38 = arith.constant 0 : index
    %get3A_39 = vector.load %arg8[%get3A_37, %get3A_38] : memref<1x128xf32, #tpu.memory_space<vmem>>, vector<1x128xf32>
    %get3A_40 = arith.constant 0 : index
    %get3A_41 = arith.constant 0 : index
    %get3A_42 = vector.load %arg5[%get3A_40, %get3A_41] : memref<128x128xf32, #tpu.memory_space<vmem>>, vector<128x128xf32>
    %dot_general3A = arith.constant dense<0.000000e+00> : vector<1x128xf32>
    %dot_general3A_43 = tpu.matmul %get3A_39, %get3A_42, %dot_general3A {dimension_numbers = #tpu.dot_dimension_numbers<[1], [1], [0], [0], [0, 0, 1, 0], [], []>, transpose_lhs_hint = false} : vector<1x128xf32>, vector<128x128xf32>, vector<1x128xf32> -> vector<1x128xf32>
    %get3A_44 = arith.constant 0 : index
    %get3A_45 = arith.constant 0 : index
    %get3A_46 = vector.load %arg6[%get3A_44, %get3A_45] : memref<1x128xf32, #tpu.memory_space<vmem>>, vector<1x128xf32>
    %add3A = arith.addf %dot_general3A_43, %get3A_46 : vector<1x128xf32>
    %swap3A = arith.constant 0 : index
    %swap3A_47 = arith.constant 0 : index
    %swap3A_48 = vector.load %arg7[%swap3A, %swap3A_47] : memref<1x128xf32, #tpu.memory_space<vmem>>, vector<1x128xf32>
    tpu.vector_store %arg7[%swap3A, %swap3A_47], %add3A {strides = array<i32>} : memref<1x128xf32, #tpu.memory_space<vmem>>, vector<1x128xf32>,
    return
  }
}

</mosaic_0001>

<sc_bundles>
// kernel: kernel.5.cloned.1.call-start
scs
__scs_entry_jumppad:
0x0: {  	(pc) =	sbr.rel $0x88, $3  }
0x1: {  	(tag) =	ssettag $0x0;
	lr =	simm.s32 $0x1  }
0x2: {  	[smem:$0x3F9A] =	sst lr;
	_ =	strace $0xD0000000  }
0x3: {  	_ = 	snop  }
0x4: {  	_ = 	snop  }
0x5: {  	_ = 	snop  }
0x6: {  	_ = 	snop  }
0x7: {  	_ = 	snop  }
__scs_overlays_trampoline_lowered:
0x8: {  	[smem:$0x3FA9] =	sst s0  }
0x9: {  	[smem:$0x3FAA] =	sst s1  }
0xa: {  	[smem:$0x3FAB] =	sst s2  }
0xb: {  	[smem:$0x3FAC] =	sst s3  }
0xc: {  	[smem:$0x3FAD] =	sst s4  }
0xd: {  	[smem:$0x3FAE] =	sst s5  }
0xe: {  	[smem:$0x3FAF] =	sst s6  }
0xf: {  	[smem:$0x3FB0] =	sst s7  }
0x10: {  	[smem:$0x3FB1] =	sst s8  }
0x11: {  	[smem:$0x3FB2] =	sst s9;
	s0 =	simm.s32 @!p0 $0x0  }
0x12: {  	s1 =	sld [smem:$0x3F98];
	s0 =	simm.s32 @p0 $0x1  }
0x13: {  	[smem:$0x3FB3] =	sst s0;
	s0 =	simm.s32 @!p1 $0x0  }
0x14: {  	s2 =	sld [smem:$0x3F97];
	s0 =	simm.s32 @p1 $0x1  }
0x15: {  	[smem:$0x3FB4] =	sst s0;
	s0 =	simm.s32 @!p2 $0x0  }
0x16: {  	s3 =	sld [smem:$0x3FDB];
	s0 =	simm.s32 @p2 $0x1  }
0x17: {  	s4 =	simm.s32 $0x1BF5;
	[smem:$0x3FB6] =	sst s0  }
0x18: {  	s0 =	sld [smem:$0x3F99];
	_ =	swait.ge [sflag:s4], $0x0  }
0x19: {  	s7 =	sld [smem:$0x3F9A]  }
0x1a: {  	s8 =	sadd.s32 $0xFFFFE003, lr  }
0x1b: {  	s9 =	sadd.s32 $0xFFFFFEF7, lr;
	s5 =	simm.s32 $0xFFFFFFFF;
	p2 =	slt.u32 s8, $0xFFFFF086  }
0x1c: {  	p1 =	slt.u32 s9, $0xF7A;
	s5 =	simm.s32 @!p2 $0x0  }
0x1d: {  	s5 =	simm.s32 @p1 $0x1;
	p0 =	seq.s32 s7, s2  }
0x1e: {  	s7 =	smul.u32 @!p0 $0xF7A, s2;
	p2 =	seq.s32 @!p0 s5, $0x0  }
0x1f: {  	s9 =	smul.u32 $0xF7A, s1;
	s8 =	simm.s32 @!p0 $0x1BF5;
	p2 =	por !p2, p0  }
0x20: {  	[sflag:s8] =	ssyncset.s32 @!p0 $0xFFFFF086;
	s6 =	sadd.s32 @!p0 s3, s7;
	s7 =	simm.s32 @!p0 $0x108  }
0x21: {  	s3 =	sadd.s32 s3, s9;
	s6 =	sadd.s32 @!p0 $0x88, s6;
	s7 =	simm.s32 @p2 $0x1082  }
0x22: {  	[simem:s7], [sflag:s8] =	dma.local @!p0 [hbm:s6], $0xF7A  }
0x23: {  	s9 =	sor.u32 $0xD0000000, s2;
	s6 =	simm.s32 $0x108;
	_ =	swait.ge @!p0 [sflag:s8], $0x0  }
0x24: {  	s3 =	sadd.s32 $0x88, s3;
	s6 =	simm.s32 @!p1 $0x1082;
	[sflag:s4] =	ssyncset.s32 $0xFFFFF086  }
0x25: {  	[simem:s6], [sflag:s4] =	dma.local [hbm:s3], $0xF7A  }
0x26: {  	[smem:$0x3F9A] =	sst s1;
	(tag) =	ssettag s2;
	_ =	strace s9  }
0x27: {  	s1 =	sld [smem:$0x3FAA]  }
0x28: {  	s2 =	sld [smem:$0x3FAB]  }
0x29: {  	s4 =	sld [smem:$0x3FAD]  }
0x2a: {  	p0 =	seq.s32 s5, $0x0;
	s5 =	sld [smem:$0x3FAE]  }
0x2b: {  	s6 =	sld [smem:$0x3FAF]  }
0x2c: {  	s7 =	sld [smem:$0x3FB0]  }
0x2d: {  	s3 =	simm.s32 $0x108;
	s8 =	sld [smem:$0x3FB1]  }
0x2e: {  	s3 =	simm.s32 @!p0 $0x1082;
	s9 =	sld [smem:$0x3FB2]  }
0x2f: {  	lr =	sadd.s32 s0, s3;
	s0 =	sld [smem:$0x3FA9]  }
0x30: {  	s3 =	sld [smem:$0x3FAC]  }
0x31: {  	[smem:$0x3FB5] =	sst s10  }
0x32: {  	s10 =	sld [smem:$0x3FB3];
	_ =	sdelay $0x3  }
0x33: {  	p0 =	seq.s32 s10, $0x1;
	s10 =	sld [smem:$0x3FB5];
	_ =	sdelay $0x3  }
0x34: {  	[smem:$0x3FB5] =	sst s10  }
0x35: {  	s10 =	sld [smem:$0x3FB4];
	_ =	sdelay $0x3  }
0x36: {  	p1 =	seq.s32 s10, $0x1;
	s10 =	sld [smem:$0x3FB5];
	_ =	sdelay $0x3  }
0x37: {  	[smem:$0x3FB5] =	sst s10  }
0x38: {  	s10 =	sld [smem:$0x3FB6]  }
0x39: {  	_ = 	snop;
	(pc) =	sbr.ind lr, $3  }
0x3a: {  	_ = 	snop  }
0x3b: {  	_ = 	snop  }
0x3c: {  	p2 =	seq.s32 s10, $0x1;
	s10 =	sld [smem:$0x3FB5]  }
0x3d: {  	_ =	shalt  }
0x3e: {  	_ =	shalt  }
0x3f: {  	_ =	shalt  }
0x40: {  	_ =	shalt  }
0x41: {  	_ =	shalt  }
0x42: {  	_ =	shalt  }
0x43: {  	_ =	shalt  }
0x44: {  	_ =	shalt  }
0x45: {  	_ =	shalt  }
0x46: {  	_ =	shalt  }
0x47: {  	_ =	shalt  }
0x48: {  	_ =	shalt  }
0x49: {  	_ =	shalt  }
0x4a: {  	_ =	shalt  }
0x4b: {  	_ =	shalt  }
0x4c: {  	_ =	shalt  }
0x4d: {  	_ =	shalt  }
0x4e: {  	_ =	shalt  }
0x4f: {  	_ =	shalt  }
0x50: {  	_ =	shalt  }
0x51: {  	_ =	shalt  }
0x52: {  	_ =	shalt  }
0x53: {  	_ =	shalt  }
0x54: {  	_ =	shalt  }
0x55: {  	_ =	shalt  }
0x56: {  	_ =	shalt  }
0x57: {  	_ =	shalt  }
0x58: {  	_ =	shalt  }
0x59: {  	_ =	shalt  }
0x5a: {  	_ =	shalt  }
0x5b: {  	_ =	shalt  }
0x5c: {  	_ =	shalt  }
0x5d: {  	_ =	shalt  }
0x5e: {  	_ =	shalt  }
0x5f: {  	_ =	shalt  }
0x60: {  	_ =	shalt  }
0x61: {  	_ =	shalt  }
0x62: {  	_ =	shalt  }
0x63: {  	_ =	shalt  }
0x64: {  	_ =	shalt  }
0x65: {  	_ =	shalt  }
0x66: {  	_ =	shalt  }
0x67: {  	_ =	shalt  }
0x68: {  	_ =	shalt  }
0x69: {  	_ =	shalt  }
0x6a: {  	_ =	shalt  }
0x6b: {  	_ =	shalt  }
0x6c: {  	_ =	shalt  }
0x6d: {  	_ =	shalt  }
0x6e: {  	_ =	shalt  }
0x6f: {  	_ =	shalt  }
0x70: {  	_ =	shalt  }
0x71: {  	_ =	shalt  }
0x72: {  	_ =	shalt  }
0x73: {  	_ =	shalt  }
0x74: {  	_ =	shalt  }
0x75: {  	_ =	shalt  }
0x76: {  	_ =	shalt  }
0x77: {  	_ =	shalt  }
0x78: {  	_ =	shalt  }
0x79: {  	_ =	shalt  }
0x7a: {  	_ =	shalt  }
0x7b: {  	_ =	shalt  }
0x7c: {  	_ =	shalt  }
0x7d: {  	_ =	shalt  }
0x7e: {  	_ =	shalt  }
0x7f: {  	_ =	shalt  }
0x80: {  	_ =	shalt  }
0x81: {  	_ =	shalt  }
0x82: {  	_ =	shalt  }
0x83: {  	_ =	shalt  }
0x84: {  	_ =	shalt  }
0x85: {  	_ =	shalt  }
0x86: {  	_ =	shalt  }
0x87: {  	_ =	shalt  }
.Lfunc_end0:
.L_simem_size_0:
called_computation_lowered:
.L_overlay_start_0:
0x88: {  	s0 =	sld [smem:$0x3FD9]  }
0x89: {  	s1 =	sld [smem:$0x3FFE];
	_ =	sdelay $0x3  }
0x8a: {  	s0 =	sadd.s32 s1, s0  }
0x8b: {  	[smem:$0x3FC1] =	sst s0  }
0x8c: {  	_ = 	snop  }
0x8d: {  	s0 =	sld [smem:$0x3FC9]  }
0x8e: {  	s16 =	sld [smem:$0x3FC8]  }
0x8f: {  	s2 =	sld [smem:$0x3FC7]  }
0x90: {  	s3 =	sld [smem:$0x3FC6]  }
0x91: {  	s4 =	sld [smem:$0x3FC5];
	(tm) =	ssettm $0x1  }
0x92: {  	s5 =	sld [smem:$0x3FFB];
	_ =	sdelay $0x3  }
0x93: {  	_ =	strace s5  }
0x94: {  	s5 =	sld [smem:$0x3FFC];
	_ =	sdelay $0x3  }
0x95: {  	_ =	strace s5  }
0x96: {  	s5 =	sld [smem:$0x3FFD];
	_ =	sdelay $0x3  }
0x97: {  	_ =	strace s5  }
0x98: {  	_ =	strace $0x8FFFFFFF  }
0x99: {  	s17 =	sld [smem:$0x3FDB];
	_ =	sdelay $0x1  }
0x9a: {  	s6 =	simm.s32 $_scs_section_size  }
0x9b: {  	s7 =	simm.s32 $_size__tile_overlayer_lowered;
	s8 =	simm.s32 $_tile_overlayer_lowered  }
0x9c: {  	s20 =	simm.s32 $0x1BFF;
	s19 =	sshll.u32 s8, $0x1;
	s5 =	sadd.s32 s6, s17  }
0x9d: {  	s9 =	simm.s32 $0x0;
	s18 =	sshll.u32 s7, $0x1;
	s7 =	sadd.s32 s19, s5  }
0x9e: {  	[timem:s9], [sflag:s20] =	dma.local [hbm:s7], s18  }
0x9f: {  	_ =	swait.ge [sflag:s20], s18  }
0xa0: {  	s6 =	ssub.s32 $0x0, s18;
	[sflag:s20] =	ssyncset.done $0x0  }
0xa1: {  	[sflag:s20] =	ssyncadd.s32 s6;
	_ =	sdelay $0x1  }
0xa2: {  	s21 =	simm.s32 $0x1B8B  }
0xa3: {  	_ =	swait.ge [sflag:s21], $0x1  }
0xa4: {  	[sflag:s21] =	ssyncset.done $0x0  }
0xa5: {  	s23 =	simm.s32 $0x1B8E;
	s22 =	sld [smem:$0x3FFE];
	[sflag:s21] =	ssyncadd.s32 $0xFFFFFFFF  }
0xa6: {  	s24 =	simm.s32 $execute0_lowered;
	[smem:$0x3FD2] =	sst s23  }
0xa7: {  	s7 =	sshll.u32 s24, $0x1;
	_ =	strace $0x80000046;
	[dreg:$0x1] =	wrdreg $0xFFFFFFFF  }
0xa8: {  	s25 =	simm.s32 $_size_execute0_lowered;
	s5 =	sadd.s32 s5, s7;
	[dreg:$0x0] =	wrdreg $0x0  }
0xa9: {  	s7 =	sshll.u32 s25, $0x1;
	[dreg:$0x2] =	wrdreg s5  }
0xaa: {  	[dreg:$0x3] =	wrdreg s7  }
0xab: {  	[dreg:$0x4] =	wrdreg $0xC0  }
0xac: {  	_ =	task [dreg:s9], $0x5FFFF  }
0xad: {  	[dreg:$0x1] =	wrdreg $0xFFFFFFFF  }
0xae: {  	[dreg:$0x0] =	wrdreg $0x60  }
0xaf: {  	[dreg:$0x2] =	wrdreg s0  }
0xb0: {  	[dreg:$0x3] =	wrdreg s16  }
0xb1: {  	[dreg:$0x4] =	wrdreg s2  }
0xb2: {  	[dreg:$0x5] =	wrdreg s3  }
0xb3: {  	[dreg:$0x6] =	wrdreg s4  }
0xb4: {  	[dreg:$0x7] =	wrdreg s22  }
0xb5: {  	[dreg:$0x8] =	wrdreg $0x9  }
0xb6: {  	_ =	task.clear_ibuf [dreg:s9], $0x9FFFF;
	_ =	strace $0x90000046  }
0xb7: {  	s26 =	simm.s32 $0x9;
	_ =	strace $0x80000048  }
0xb8: {  	_ =	swait.ge [sflag:s26], $0x1  }
0xb9: {  	[sflag:s26] =	ssyncadd.s32 $0xFFFFFFFF  }
0xba: {  	_ =	strace $0x90000048  }
0xbb: {  	_ =	sfence  }
0xbc: {  	s28 =	sld [smem:$0x0];
	_ =	sdelay $0x1  }
0xbd: {  	s29 =	srdreg.scid  }
0xbe: {  	s30 =	sshll.u32 s29, $0xD;
	s31 =	sshrl.u32 s29, $0x2  }
0xbf: {  	s1 =	sand.u32 $0x1, s29;
	s2 =	sand.u32 $0x4000, s30;
	s0 =	sadd.s32 s31, s28  }
0xc0: {  	s1 =	sor.u32 s2, s1;
	s0 =	sshll.u32 s0, $0x11  }
0xc1: {  	s0 =	sor.u32 s0, s1  }
0xc2: {  	s0 =	sadd.s32 $0x8F2B, s0  }
0xc3: {  	[sflag:s0] =	ssyncadd.remote.s32 $0x1  }
0xc4: {  	_ =	sfence.sel $0xFFFF  }
0xc5: {  	[dreg:$0x0] =	wrdreg $0xFFFFFFFF;
	(pc) =	sbr.abs _section_cstart, $3  }
0xc6: {  	[dreg:$0x1] =	wrdreg $0xFFFFFFFF  }
0xc7: {  	_ =	task.clear_ibuf [dreg:s9], $0x2FFFF;
	_ =	strace $0x9FFFFFFF  }
0xc8: {  	(tm) =	ssettm $0x7FFFFFFF  }
0xc9: {  	_ =	shalt  }
tec
execute0_lowered:
.L_overlay_start_1:
0x0: {  	(tag) =	ssettag $0x1  }
0x1: {  	s4 =	rddreg [dreg:$0x0]  }
0x2: {  	s1 =	rddreg [dreg:$0x1]  }
0x3: {  	s2 =	rddreg [dreg:$0x2]  }
0x4: {  	s5 =	rddreg [dreg:$0x3]  }
0x5: {  	s8 =	rddreg [dreg:$0x4]  }
0x6: {  	s3 =	rddreg [dreg:$0x5];
	s7 =	simm.s32 $0x0  }
0x7: {  	[smem:$0x7FF] =	sst s7  }
0x8: {  	s0 =	rddreg [dreg:$0x6];
	s30 =	simm.s32 $0x3;
	_ =	strace $0x80000047  }
0x9: {  	[tilespmem:s7], [sflag:$0x3] =	stream.linear.gather [hbm4b:s4+s7], $0x80, $0x38;
	[tilespmem:$0xE480] =	vst v63  }
0xa: {  	_ =	swait.ge [sflag:s30], $0x80  }
0xb: {  	[sflag:s30] =	ssyncset.done $0x0  }
0xc: {  	s6 =	simm.s32 $0x80;
	[sflag:s30] =	ssyncadd.s32 $0xFFFFFF80  }
0xd: {  	v48 =	vlaneseq.u32;
	[tilespmem:s6], [sflag:$0x3] =	stream.linear.gather [hbm4b:s5+s7], $0x4000, $0x38;
	[tilespmem:$0xE480] =	vst v63  }
0xe: {  	v1 =	vmul.u32 $0x80, v48;
	_ =	swait.ge [sflag:s30], $0x4000  }
0xf: {  	[sflag:s30] =	ssyncset.done $0x0  }
0x10: {  	s31 =	simm.s32 $0x4080;
	v2 =	vor.u32 $0x800, v1;
	v6 =	vor.u32 v1, v48;
	[sflag:s30] =	ssyncadd.s32 $0xFFFFC000  }
0x11: {  	v3 =	vor.u32 $0x1800, v1;
	v7 =	vor.u32 v2, v48;
	[tilespmem:s31], [sflag:$0x3] =	stream.linear.gather [hbm4b:s8+s7], $0x80, $0x38;
	[tilespmem:$0xE480] =	vst v63  }
0x12: {  	v5 =	vor.u32 $0x3800, v1;
	v9 =	vor.u32 v3, v48;
	_ =	swait.ge [sflag:s30], $0x80  }
0x13: {  	v4 =	vor.u32 $0x2800, v1;
	v10 =	vor.u32 v5, v48;
	[sflag:s30] =	ssyncset.done $0x0  }
0x14: {  	v8 =	vadd.s32 $0x1, v48;
	v30 =	vor.u32 $0x3000, v1;
	v11 =	vor.u32 v4, v48;
	[sflag:s30] =	ssyncadd.s32 $0xFFFFFF80  }
0x15: {  	v19 =	vand.u32 $0x7F, v8;
	v13 =	vor.u32 v30, v48;
	v12 =	vld.idx.msk [tilespmem:v6+s6+$0x0], $0xffff  }
0x16: {  	v15 =	vor.u32 v1, v19;
	v29 =	vld.idx.msk [tilespmem:v7+s6+$0x0], $0xffff  }
0x17: {  	v16 =	vor.u32 v30, v19;
	v27 =	vld.idx.msk [tilespmem:v9+s6+$0x0], $0xffff  }
0x18: {  	v17 =	vadd.s32 $0x2, v48;
	v18 =	vor.u32 v5, v19;
	v24 =	vld.idx.msk [tilespmem:v10+s6+$0x0], $0xffff  }
0x19: {  	v17 =	vand.u32 $0x7F, v17;
	v25 =	vld.idx.msk [tilespmem:v11+s6+$0x0], $0xffff  }
0x1a: {  	v33 =	vadd.s32 $0x3, v48;
	v21 =	vor.u32 v4, v17;
	v8 =	vld.idx.msk [tilespmem:v13+s6+$0x0], $0xffff  }
0x1b: {  	v33 =	vand.u32 $0x7F, v33;
	v32 =	vor.u32 v5, v17;
	v15 =	vld.idx.msk [tilespmem:v15+s6+$0x0], $0xffff  }
0x1c: {  	v34 =	vor.u32 v2, v33;
	v26 =	vld.idx.msk [tilespmem:v16+s6+$0x0], $0xffff  }
0x1d: {  	v42 =	vadd.s32 $0x4, v48;
	v37 =	vor.u32 v3, v33;
	v23 =	vld.idx.msk [tilespmem:v18+s6+$0x0], $0xffff  }
0x1e: {  	v42 =	vand.u32 $0x7F, v42;
	v58 =	vor.u32 v30, v33;
	v31 =	vld.idx.msk [tilespmem:v19+s7+$0x0], $0xffff  }
0x1f: {  	v43 =	vor.u32 v1, v42;
	v21 =	vld.idx.msk [tilespmem:v21+s6+$0x0], $0xffff  }
0x20: {  	v46 =	vadd.s32 $0x5, v48;
	v13 =	vor.u32 v4, v19;
	v32 =	vld.idx.msk [tilespmem:v32+s6+$0x0], $0xffff  }
0x21: {  	v46 =	vand.u32 $0x7F, v46;
	v7 =	vor.u32 $0x2000, v1;
	v40 =	vld.idx.msk [tilespmem:v34+s6+$0x0], $0xffff  }
0x22: {  	v37 =	vld.idx.msk [tilespmem:v37+s6+$0x0], $0xffff;
	v20 =	vor.u32 v7, v17  }
0x23: {  	v45 =	vld.idx.msk [tilespmem:v58+s6+$0x0], $0xffff  }
0x24: {  	v10 =	vor.u32 v3, v19;
	v63 =	vld.idx.msk [tilespmem:v43+s6+$0x0], $0xffff  }
0x25: {  	v50 =	vld.idx.msk [tilespmem:v13+s6+$0x0], $0xffff;
	v13 =	vor.u32 v2, v17  }
0x26: {  	v18 =	vor.u32 v3, v17;
	v57 =	vld.idx.msk [tilespmem:v46+s7+$0x0], $0xffff  }
0x27: {  	v35 =	vld.idx.msk [tilespmem:v20+s6+$0x0], $0xffff;
	v20 =	vor.u32 v1, v33  }
0x28: {  	v62 =	vld.idx.msk [tilespmem:v48+s7+$0x0], $0xffff;
	v11 =	vor.u32 v7, v19  }
0x29: {  	v10 =	vld.idx.msk [tilespmem:v10+s6+$0x0], $0xffff  }
0x2a: {  	v6 =	vor.u32 $0x1000, v1;
	v22 =	vld.idx.msk [tilespmem:v13+s6+$0x0], $0xffff;
	v13 =	vor.u32 v30, v17  }
0x2b: {  	v9 =	vor.u32 v6, v19;
	v18 =	vld.idx.msk [tilespmem:v18+s6+$0x0], $0xffff  }
0x2c: {  	v39 =	vld.idx.msk [tilespmem:v20+s6+$0x0], $0xffff;
	v20 =	vor.u32 v4, v33  }
0x2d: {  	v16 =	vor.u32 v6, v17;
	v53 =	vld.idx.msk [tilespmem:v11+s6+$0x0], $0xffff  }
0x2e: {  	v38 =	vor.u32 v7, v33;
	v11 =	vor.u32 v1, v17;
	v17 =	vld.idx.msk [tilespmem:v17+s7+$0x0], $0xffff  }
0x2f: {  	v36 =	vld.idx.msk [tilespmem:v13+s6+$0x0], $0xffff;
	v13 =	vor.u32 v6, v33  }
0x30: {  	v9 =	vld.idx.msk [tilespmem:v9+s6+$0x0], $0xffff  }
0x31: {  	v44 =	vld.idx.msk [tilespmem:v20+s6+$0x0], $0xffff;
	v20 =	vor.u32 v2, v42  }
0x32: {  	v49 =	vor.u32 v6, v46;
	v16 =	vld.idx.msk [tilespmem:v16+s6+$0x0], $0xffff  }
0x33: {  	v38 =	vld.idx.msk [tilespmem:v38+s6+$0x0], $0xffff;
	v58 =	vmul.f32 v10, v31;
	v10 =	vmul.f32 v35, v17  }
0x34: {  	v51 =	vor.u32 v6, v48;
	v41 =	vld.idx.msk [tilespmem:v13+s6+$0x0], $0xffff  }
0x35: {  	[tilespmem:$0x1FED0] =	vst v10;
	v10 =	vmul.f32 v22, v17;
	v13 =	vor.u32 v5, v33;
	v33 =	vld.idx.msk [tilespmem:v33+s7+$0x0], $0xffff  }
0x36: {  	v59 =	vor.u32 v6, v42;
	v0 =	vld.idx.msk [tilespmem:v20+s6+$0x0], $0xffff  }
0x37: {  	v54 =	vmul.f32 v15, v31;
	v15 =	vld.idx.msk [tilespmem:v49+s6+$0x0], $0xffff;
	[tilespmem:$0x1FEE0] =	vst v10;
	v10 =	vmul.f32 v36, v17  }
0x38: {  	v49 =	vor.u32 v2, v19;
	v11 =	vld.idx.msk [tilespmem:v11+s6+$0x0], $0xffff  }
0x39: {  	v56 =	vor.u32 v7, v46;
	[tilespmem:$0x1FEF0] =	vst v10;
	v10 =	vmul.f32 v32, v17;
	v32 =	vld.idx.msk [tilespmem:v51+s6+$0x0], $0xffff  }
0x3a: {  	v20 =	vadd.s32 $0x6, v48;
	v47 =	vld.idx.msk [tilespmem:v13+s6+$0x0], $0xffff;
	v13 =	vor.u32 v1, v46  }
0x3b: {  	v34 =	vld.idx.msk [tilespmem:v59+s6+$0x0], $0xffff;
	v19 =	vmul.f32 v45, v33;
	v45 =	vor.u32 v30, v42;
	[tilespmem:$0x1FF80] =	vst v0;
	v0 =	vand.u32 $0x7F, v20  }
0x3c: {  	v55 =	vmul.f32 v9, v31;
	[tilespmem:$0x1FF00] =	vst v10;
	v10 =	vmul.f32 v21, v17;
	v9 =	vor.u32 v1, v0  }
0x3d: {  	v52 =	vor.u32 v7, v48;
	v49 =	vld.idx.msk [tilespmem:v49+s6+$0x0], $0xffff;
	v59 =	vmul.f32 v11, v17;
	v22 =	vor.u32 v6, v0  }
0x3e: {  	v11 =	vmul.f32 v18, v17;
	v18 =	vld.idx.msk [tilespmem:v56+s6+$0x0], $0xffff;
	[tilespmem:$0x1FF10] =	vst v10;
	v10 =	vmul.f32 v38, v33  }
0x3f: {  	v38 =	vmul.f32 v39, v33;
	v39 =	vor.u32 v5, v42;
	v32 =	vmul.f32 v32, v62;
	v60 =	vld.idx.msk [tilespmem:v13+s6+$0x0], $0xffff  }
0x40: {  	v14 =	vimm.f32 $0.0e+00;
	v28 =	vmul.f32 v24, v62;
	[tilespmem:$0x1FF20] =	vst v10;
	v10 =	vmul.f32 v47, v33;
	v45 =	vld.idx.msk [tilespmem:v45+s6+$0x0], $0xffff  }
0x41: {  	v61 =	vmul.f32 v16, v17;
	v36 =	vor.u32 v3, v0;
	v32 =	vadd.f32 v32, v14;
	v16 =	vld.idx.msk [tilespmem:v9+s6+$0x0], $0xffff  }
0x42: {  	v27 =	vmul.f32 v27, v62;
	v9 =	vmul.f32 v12, v62;
	[tilespmem:$0x1FF30] =	vst v10;
	v10 =	vld.idx.msk [tilespmem:v22+s6+$0x0], $0xffff  }
0x43: {  	v32 =	vadd.f32 v55, v32;
	v55 =	vor.u32 v2, v46;
	v22 =	vmul.f32 v40, v33;
	v40 =	vld.idx.msk [tilespmem:v52+s6+$0x0], $0xffff  }
0x44: {  	v12 =	vld.idx.msk [tilespmem:v39+s6+$0x0], $0xffff;
	v39 =	vor.u32 v30, v46;
	v56 =	vadd.f32 v9, v14;
	v9 =	vmul.f32 v44, v33  }
0x45: {  	v21 =	vmul.f32 v37, v33;
	v41 =	vmul.f32 v41, v33;
	v17 =	vld.idx.msk [tilespmem:v0+s7+$0x0], $0xffff;
	v33 =	vor.u32 v7, v42  }
0x46: {  	v25 =	vmul.f32 v25, v62;
	v44 =	vor.u32 v4, v42;
	[tilespmem:$0x1FF40] =	vst v9;
	v9 =	vld.idx.msk [tilespmem:v36+s6+$0x0], $0xffff  }
0x47: {  	v47 =	vadd.f32 v54, v56;
	v54 =	vor.u32 v4, v46;
	v56 =	vmul.f32 v8, v62;
	v8 =	vld.idx.msk [tilespmem:v42+s7+$0x0], $0xffff  }
0x48: {  	v24 =	vmul.f32 v29, v62;
	v35 =	vadd.s32 $0x7, v48;
	v42 =	vor.u32 v3, v42;
	v55 =	vld.idx.msk [tilespmem:v55+s6+$0x0], $0xffff  }
0x49: {  	v32 =	vadd.f32 v61, v32;
	v40 =	vmul.f32 v40, v62;
	v62 =	vor.u32 v3, v46;
	v43 =	vld.idx.msk [tilespmem:v39+s6+$0x0], $0xffff  }
0x4a: {  	[tilespmem:$0x1FF50] =	vst v30;
	v27 =	vadd.f32 v27, v14;
	v20 =	vmul.f32 v50, v31;
	v39 =	vand.u32 $0x7F, v35;
	v29 =	vld.idx.msk [tilespmem:v33+s6+$0x0], $0xffff  }
0x4b: {  	v35 =	vadd.f32 v41, v32;
	v41 =	vmul.f32 v60, v57;
	v60 =	vor.u32 v4, v0;
	v44 =	vld.idx.msk [tilespmem:v44+s6+$0x0], $0xffff  }
0x4c: {  	v36 =	vmul.f32 v23, v31;
	v23 =	vmul.f32 v53, v31;
	v33 =	vadd.f32 v59, v47;
	v13 =	vld.idx.msk [tilespmem:v54+s6+$0x0], $0xffff  }
0x4d: {  	v59 =	vmul.f32 v26, v31;
	v26 =	vmul.f32 v49, v31;
	v31 =	vor.u32 v7, v0;
	v42 =	vld.idx.msk [tilespmem:v42+s6+$0x0], $0xffff  }
0x4e: {  	v28 =	vadd.f32 v28, v14;
	v32 =	vor.u32 v2, v0;
	v49 =	vor.u32 v30, v0;
	v61 =	vld.idx.msk [tilespmem:v62+s6+$0x0], $0xffff  }
0x4f: {  	[tilespmem:$0x1FF70] =	vst v2;
	v62 =	vadd.f32 v58, v27;
	v58 =	vadd.f32 v40, v14;
	v40 =	vor.u32 v2, v39;
	v2 =	vld [tilespmem:$0x1FF80]  }
0x50: {  	v46 =	vor.u32 v5, v46;
	v33 =	vadd.f32 v38, v33;
	v37 =	vmul.f32 v63, v8;
	v27 =	vld.idx.msk [tilespmem:v60+s6+$0x0], $0xffff  }
0x51: {  	v38 =	vor.u32 v30, v39;
	v54 =	vadd.f32 v36, v28;
	v28 =	vmul.f32 v34, v8;
	v34 =	vld.idx.msk [tilespmem:v39+s7+$0x0], $0xffff  }
0x52: {  	[tilespmem:$0x1FF60] =	vst v4;
	v56 =	vadd.f32 v56, v14;
	v50 =	vadd.f32 v37, v33;
	v52 =	vld.idx.msk [tilespmem:v31+s6+$0x0], $0xffff  }
0x53: {  	v51 =	vor.u32 v3, v39;
	v30 =	vor.u32 v6, v39;
	v31 =	vor.u32 v4, v39;
	v4 =	vld.idx.msk [tilespmem:v49+s6+$0x0], $0xffff  }
0x54: {  	v60 =	vadd.f32 v59, v56;
	v63 =	vadd.f32 v41, v50;
	v50 =	vld.idx.msk [tilespmem:v32+s6+$0x0], $0xffff;
	v41 =	vor.u32 v1, v39  }
0x55: {  	v37 =	vadd.f32 v25, v14;
	v33 =	vadd.f32 v24, v14;
	v47 =	vmul.f32 v29, v8;
	v32 =	vld.idx.msk [tilespmem:v46+s6+$0x0], $0xffff  }
0x56: {  	v25 =	vor.u32 v5, v39;
	v49 =	vmul.f32 v45, v8;
	v45 =	vmul.f32 v43, v57;
	v53 =	vld.idx.msk [tilespmem:v38+s6+$0x0], $0xffff  }
0x57: {  	v43 =	vmul.f32 v10, v17;
	[tilespmem:$0x1FFD0] =	vst v13;
	v29 =	vmul.f32 v42, v8;
	v59 =	vld.idx.msk [tilespmem:v40+s6+$0x0], $0xffff  }
0x58: {  	[tilespmem:$0x1FFB0] =	vst v1;
	v14 =	vor.u32 v7, v39;
	v13 =	vmul.f32 v44, v8;
	v44 =	vmul.f32 v15, v57;
	v1 =	vld [tilespmem:$0x1FFD0]  }
0x59: {  	v42 =	vmul.f32 v55, v57;
	v56 =	vmul.f32 v61, v57;
	[tilespmem:$0x1FFF0] =	vst v4;
	v61 =	vld.idx.msk [tilespmem:v41+s6+$0x0], $0xffff  }
0x5a: {  	v55 =	vadd.f32 v20, v37;
	v37 =	vmul.f32 v16, v17;
	v41 =	vor.u32 v5, v0;
	v0 =	vld [tilespmem:$0x1FFF0]  }
0x5b: {  	v38 =	vmul.f32 v2, v8;
	v25 =	vld.idx.msk [tilespmem:v25+s6+$0x0], $0xffff;
	v4 =	vmul.f32 v12, v8  }
0x5c: {  	[tilespmem:$0x1FFC0] =	vst v3;
	v24 =	vld.idx.msk [tilespmem:v31+s6+$0x0], $0xffff;
	v31 =	vmul.f32 v18, v57;
	v52 =	vmul.f32 v52, v17  }
0x5d: {  	[tilespmem:$0x1FFE0] =	vst v5;
	v40 =	vmul.f32 v32, v57;
	v2 =	vmul.f32 v53, v34;
	v53 =	vld.idx.msk [tilespmem:v51+s6+$0x0], $0xffff  }
0x5e: {  	s4 =	sadd.s32 $0x1C00, s3;
	[tilespmem:$0x1FF90] =	vst v6;
	v48 =	vadd.s32 $0x8, v48;
	v32 =	vmul.f32 v9, v17;
	v46 =	vmul.f32 v1, v57;
	v57 =	vld.idx.msk [tilespmem:v30+s6+$0x0], $0xffff  }
0x5f: {  	s5 =	sadd.s32 $0x1A00, s3;
	s3 =	stileid.u32;
	s8 =	simm.s32 $0x0;
	[tilespmem:$0x1FFA0] =	vst v7;
	v50 =	vmul.f32 v50, v17;
	v30 =	vld.idx.msk [tilespmem:v14+s6+$0x0], $0xffff;
	v14 =	vand.u32 $0x7F, v48;
	v48 =	vmul.f32 v0, v17  }
.LBB2_1:
0x60: {  	v36 =	vld [tilespmem:$0x1FF70];
	_ =	sdelay $0x3  }
0x61: {  	v1 =	vld [tilespmem:$0x1FFB0]  }
0x62: {  	v62 =	vadd.f32 v11, v62;
	v11 =	vor.u32 v36, v14;
	_ =	sdelay $0x2  }
0x63: {  	v5 =	vld [tilespmem:$0x1FFA0]  }
0x64: {  	v7 =	vld [tilespmem:$0x1FF60];
	v9 =	vor.u32 v1, v14  }
0x65: {  	v8 =	vld.idx.msk [tilespmem:v11+s6+$0x0], $0xffff;
	_ =	sdelay $0x2  }
0x66: {  	v0 =	vor.u32 v5, v14  }
0x67: {  	[tilespmem:$0x1FE00] =	vst v0;
	v0 =	vld.idx.msk [tilespmem:v9+s6+$0x0], $0xffff;
	v9 =	vor.u32 v7, v14  }
0x68: {  	[tilespmem:$0x1FE30] =	vst v8;
	v8 =	vld [tilespmem:$0x1FF50];
	_ =	sdelay $0x3  }
0x69: {  	v21 =	vadd.f32 v21, v62;
	v62 =	vmul.f32 v30, v34;
	v30 =	vld.idx.msk [tilespmem:v9+s6+$0x0], $0xffff  }
0x6a: {  	v9 =	vld [tilespmem:$0x1FEF0];
	v18 =	vor.u32 v8, v14;
	_ =	sdelay $0x4  }
0x6b: {  	v60 =	vadd.f32 v9, v60;
	v9 =	vld.idx.msk [tilespmem:v18+s6+$0x0], $0xffff;
	_ =	sdelay $0x4  }
0x6c: {  	v63 =	vadd.f32 v37, v63;
	v11 =	vld [tilespmem:$0x1FED0];
	[tilespmem:$0x1FE20] =	vst v9;
	v9 =	vmul.f32 v61, v34;
	_ =	sdelay $0x1  }
0x6d: {  	v37 =	vmul.f32 v24, v34;
	v24 =	vmul.f32 v25, v34;
	v25 =	vadd.f32 v9, v63;
	v9 =	vld [tilespmem:$0x1FF00]  }
0x6e: {  	v23 =	vadd.f32 v23, v58  }
0x6f: {  	v3 =	vld [tilespmem:$0x1FFC0]  }
0x70: {  	v23 =	vadd.f32 v11, v23;
	v11 =	vld [tilespmem:$0x1FEE0];
	_ =	sdelay $0x1  }
0x71: {  	v54 =	vadd.f32 v9, v54;
	v9 =	vld [tilespmem:$0x1FF10]  }
0x72: {  	v10 =	vld.idx.msk [tilespmem:v41+s6+$0x0], $0xffff;
	v39 =	vadd.f32 v26, v33  }
0x73: {  	v15 =	vor.u32 v3, v14  }
0x74: {  	v58 =	vadd.f32 v11, v39;
	v11 =	vld [tilespmem:$0x1FF20]  }
0x75: {  	v12 =	vadd.s32 $0x1, v14;
	[tilespmem:$0x1FE10] =	vst v0;
	v0 =	vld [tilespmem:$0x1FFE0]  }
0x76: {  	v12 =	vand.u32 $0x7F, v12;
	v55 =	vadd.f32 v9, v55;
	v9 =	vld [tilespmem:$0x1FF30]  }
0x77: {  	v20 =	vmul.f32 v27, v17;
	v10 =	vmul.f32 v10, v17;
	v17 =	vor.u32 v3, v12  }
0x78: {  	v26 =	vld.idx.msk [tilespmem:v15+s6+$0x0], $0xffff;
	v15 =	vor.u32 v1, v12  }
0x79: {  	v28 =	vadd.f32 v28, v35;
	v35 =	vadd.s32 $0x2, v14;
	v23 =	vadd.f32 v11, v23  }
0x7a: {  	v35 =	vand.u32 $0x7F, v35;
	v21 =	vadd.f32 v29, v21;
	v39 =	vor.u32 v0, v12  }
0x7b: {  	v23 =	vadd.f32 v47, v23;
	v47 =	vor.u32 v1, v35;
	v54 =	vadd.f32 v9, v54;
	v9 =	vld [tilespmem:$0x1FF40]  }
0x7c: {  	v27 =	vadd.s32 $0x7, v14;
	v17 =	vld.idx.msk [tilespmem:v17+s6+$0x0], $0xffff;
	v22 =	vadd.f32 v22, v58  }
0x7d: {  	v27 =	vand.u32 $0x7F, v27;
	v21 =	vadd.f32 v56, v21;
	v15 =	vld.idx.msk [tilespmem:v15+s6+$0x0], $0xffff;
	v19 =	vadd.f32 v19, v60  }
0x7e: {  	v44 =	vadd.f32 v44, v28;
	v16 =	vor.u32 v0, v14;
	v22 =	vadd.f32 v38, v22;
	v38 =	vld.idx.msk [tilespmem:v12+s7+$0x0], $0xffff  }
0x7f: {  	v21 =	vadd.f32 v32, v21;
	v58 =	vor.u32 v7, v12;
	v19 =	vadd.f32 v49, v19;
	v32 =	vld.idx.msk [tilespmem:v39+s6+$0x0], $0xffff  }
0x80: {  	v53 =	vmul.f32 v53, v34;
	v39 =	vadd.f32 v9, v55;
	v55 =	vld.idx.msk [tilespmem:v47+s6+$0x0], $0xffff;
	v47 =	vor.u32 v7, v35  }
0x81: {  	v6 =	vld [tilespmem:$0x1FF90];
	v43 =	vadd.f32 v43, v44;
	v44 =	vor.u32 v8, v12;
	v19 =	vadd.f32 v45, v19  }
0x82: {  	v59 =	vmul.f32 v59, v34;
	v57 =	vmul.f32 v57, v34;
	v28 =	vor.u32 v36, v12  }
0x83: {  	v29 =	vadd.f32 v53, v21;
	v33 =	vld.idx.msk [tilespmem:v16+s6+$0x0], $0xffff;
	v18 =	vor.u32 v5, v12;
	v19 =	vadd.f32 v48, v19  }
0x84: {  	v22 =	vadd.f32 v42, v22;
	v56 =	vld.idx.msk [tilespmem:v58+s6+$0x0], $0xffff;
	v63 =	vor.u32 v3, v35;
	v60 =	vadd.f32 v4, v54  }
0x85: {  	v42 =	vmul.f32 v15, v38;
	v15 =	vld.idx.msk [tilespmem:v47+s6+$0x0], $0xffff;
	v47 =	vadd.f32 v2, v19;
	v2 =	vmul.f32 v17, v38  }
0x86: {  	v16 =	vor.u32 v6, v12;
	v23 =	vadd.f32 v31, v23;
	v31 =	vld.idx.msk [tilespmem:v44+s6+$0x0], $0xffff;
	v40 =	vadd.f32 v40, v60  }
0x87: {  	v12 =	vor.u32 v5, v35;
	v34 =	vld.idx.msk [tilespmem:v27+s7+$0x0], $0xffff;
	[tilespmem:$0x1FE50] =	vst v2;
	v2 =	vmul.f32 v32, v38  }
0x88: {  	v58 =	vor.u32 v36, v35;
	v44 =	vor.u32 v6, v35;
	v18 =	vld.idx.msk [tilespmem:v18+s6+$0x0], $0xffff;
	v10 =	vadd.f32 v10, v40  }
0x89: {  	v22 =	vadd.f32 v50, v22;
	v53 =	vld.idx.msk [tilespmem:v63+s6+$0x0], $0xffff;
	[tilespmem:$0x1FE70] =	vst v2;
	v2 =	vmul.f32 v56, v38  }
0x8a: {  	v23 =	vadd.f32 v52, v23;
	v52 =	vadd.f32 v24, v10;
	v10 =	vld.idx.msk [tilespmem:v35+s7+$0x0], $0xffff  }
0x8b: {  	v50 =	vor.u32 v8, v35;
	v16 =	vld.idx.msk [tilespmem:v16+s6+$0x0], $0xffff;
	[tilespmem:$0x1FEB0] =	vst v2;
	v2 =	vmul.f32 v31, v38  }
0x8c: {  	v12 =	vld.idx.msk [tilespmem:v12+s6+$0x0], $0xffff;
	v4 =	vadd.f32 v62, v23  }
0x8d: {  	v61 =	vadd.s32 $0x3, v14;
	v21 =	vld.idx.msk [tilespmem:v44+s6+$0x0], $0xffff;
	v44 =	vor.u32 v0, v35;
	[tilespmem:$0x1FE90] =	vst v2;
	v2 =	vmul.f32 v18, v38  }
0x8e: {  	v58 =	vld.idx.msk [tilespmem:v58+s6+$0x0], $0xffff;
	v60 =	vand.u32 $0x7F, v61;
	[tilespmem:$0x1FE60] =	vst v4;
	v4 =	vadd.f32 v59, v22  }
0x8f: {  	v22 =	vor.u32 v6, v60;
	v39 =	vadd.f32 v13, v39;
	[tilespmem:$0x1FE80] =	vst v2;
	v2 =	vmul.f32 v53, v10  }
0x90: {  	v45 =	vmul.f32 v16, v38;
	v16 =	vld.idx.msk [tilespmem:v50+s6+$0x0], $0xffff;
	v49 =	vor.u32 v3, v60  }
0x91: {  	v63 =	vor.u32 v1, v60;
	v46 =	vadd.f32 v46, v39;
	[tilespmem:$0x1FEA0] =	vst v2;
	v2 =	vmul.f32 v12, v10  }
0x92: {  	v44 =	vld.idx.msk [tilespmem:v44+s6+$0x0], $0xffff;
	v19 =	vor.u32 v5, v60  }
0x93: {  	v13 =	vadd.f32 v20, v46;
	v31 =	vor.u32 v8, v60;
	[tilespmem:$0x1FED0] =	vst v2;
	v2 =	vmul.f32 v58, v10  }
0x94: {  	v20 =	vadd.s32 $0x4, v14;
	v18 =	vld.idx.msk [tilespmem:v22+s6+$0x0], $0xffff;
	v22 =	vor.u32 v0, v60  }
0x95: {  	v32 =	vld.idx.msk [tilespmem:v49+s6+$0x0], $0xffff;
	v35 =	vand.u32 $0x7F, v20;
	v39 =	vadd.f32 v37, v13;
	[tilespmem:$0x1FEE0] =	vst v2;
	v2 =	vmul.f32 v16, v10  }
0x96: {  	v13 =	vld.idx.msk [tilespmem:v63+s6+$0x0], $0xffff;
	v56 =	vmul.f32 v55, v10;
	v55 =	vmul.f32 v21, v10;
	v21 =	vor.u32 v6, v35  }
0x97: {  	v23 =	vor.u32 v36, v60;
	v19 =	vld.idx.msk [tilespmem:v19+s6+$0x0], $0xffff;
	[tilespmem:$0x1FEF0] =	vst v2;
	v2 =	vmul.f32 v44, v10  }
0x98: {  	v17 =	vor.u32 v7, v60;
	v63 =	vadd.s32 $0x5, v14;
	v31 =	vld.idx.msk [tilespmem:v31+s6+$0x0], $0xffff  }
0x99: {  	v50 =	vor.u32 v1, v35;
	v61 =	vand.u32 $0x7F, v63;
	v12 =	vld.idx.msk [tilespmem:v22+s6+$0x0], $0xffff;
	[tilespmem:$0x1FF00] =	vst v2;
	v2 =	vmul.f32 v15, v10  }
0x9a: {  	v22 =	vor.u32 v1, v61;
	v58 =	vld.idx.msk [tilespmem:v60+s7+$0x0], $0xffff  }
0x9b: {  	v54 =	vadd.f32 v57, v43;
	v43 =	vor.u32 v6, v61;
	[tilespmem:$0x1FF10] =	vst v2;
	v2 =	vld.idx.msk [tilespmem:v21+s6+$0x0], $0xffff  }
0x9c: {  	v24 =	vld.idx.msk [tilespmem:v23+s6+$0x0], $0xffff;
	v60 =	vor.u32 v5, v61  }
0x9d: {  	v57 =	vld.idx.msk [tilespmem:v17+s6+$0x0], $0xffff;
	v17 =	vor.u32 v36, v35  }
0x9e: {  	v16 =	vld.idx.msk [tilespmem:v50+s6+$0x0], $0xffff  }
0x9f: {  	v51 =	vadd.s32 $0x6, v14;
	v44 =	vld.idx.msk [tilespmem:v22+s6+$0x0], $0xffff;
	v46 =	vmul.f32 v31, v58;
	v31 =	vor.u32 v8, v35  }
0xa0: {  	v50 =	vmul.f32 v32, v58;
	v32 =	vld.idx.msk [tilespmem:v43+s6+$0x0], $0xffff;
	v15 =	vand.u32 $0x7F, v51;
	[tilespmem:$0x1FEC0] =	vst v2;
	v2 =	vmul.f32 v19, v58  }
0xa1: {  	v60 =	vld.idx.msk [tilespmem:v60+s6+$0x0], $0xffff;
	v53 =	vor.u32 v6, v15  }
0xa2: {  	v10 =	vld.idx.msk [tilespmem:v17+s6+$0x0], $0xffff;
	[tilespmem:$0x1FF20] =	vst v2;
	v2 =	vmul.f32 v12, v58;
	v12 =	vor.u32 v3, v15  }
0xa3: {  	v41 =	vor.u32 v6, v14;
	v51 =	vld.idx.msk [tilespmem:v61+s7+$0x0], $0xffff  }
0xa4: {  	v37 =	vor.u32 v1, v15;
	v20 =	vld.idx.msk [tilespmem:v31+s6+$0x0], $0xffff  }
0xa5: {  	v17 =	vld.idx.msk [tilespmem:v15+s7+$0x0], $0xffff  }
0xa6: {  	[tilespmem:$0x1FE40] =	vst v4;
	v23 =	vor.u32 v5, v27;
	v43 =	vld.idx.msk [tilespmem:v53+s6+$0x0], $0xffff;
	v53 =	vor.u32 v7, v35  }
0xa7: {  	v59 =	vor.u32 v3, v35;
	v22 =	vor.u32 v3, v61;
	v31 =	vor.u32 v7, v61;
	v12 =	vld.idx.msk [tilespmem:v12+s6+$0x0], $0xffff  }
0xa8: {  	v63 =	vld.idx.msk [tilespmem:v41+s6+$0x0], $0xffff;
	v40 =	vmul.f32 v18, v58;
	v18 =	vor.u32 v1, v27;
	v4 =	vor.u32 v5, v15  }
0xa9: {  	v1 =	vmul.f32 v60, v51;
	v60 =	vor.u32 v7, v27;
	v41 =	vld.idx.msk [tilespmem:v37+s6+$0x0], $0xffff;
	v37 =	vor.u32 v5, v35  }
0xaa: {  	v21 =	vld.idx.msk [tilespmem:v14+s7+$0x0], $0xffff;
	v5 =	vor.u32 v36, v27;
	v19 =	vmul.f32 v44, v51;
	v44 =	vmul.f32 v32, v51  }
0xab: {  	v32 =	vor.u32 v8, v61;
	[tilespmem:$0x1FF30] =	vst v2;
	v2 =	vmul.f32 v57, v58;
	v62 =	vld.idx.msk [tilespmem:v53+s6+$0x0], $0xffff  }
0xac: {  	v53 =	vor.u32 v3, v27;
	v3 =	vld.idx.msk [tilespmem:v31+s6+$0x0], $0xffff;
	v31 =	vor.u32 v8, v15;
	v9 =	vmul.f32 v12, v17  }
0xad: {  	v12 =	vor.u32 v6, v27;
	v6 =	vor.u32 v0, v27;
	v27 =	vor.u32 v8, v27;
	v8 =	vld [tilespmem:$0x1FE10];
	_ =	sdelay $0x1  }
0xae: {  	[tilespmem:$0x1FF40] =	vst v2;
	v2 =	vld [tilespmem:$0x1FE00]  }
0xaf: {  	v11 =	vor.u32 v36, v61;
	v49 =	vmul.f32 v13, v58;
	v48 =	vmul.f32 v24, v58  }
0xb0: {  	v24 =	vor.u32 v0, v35;
	v7 =	vor.u32 v7, v15;
	v61 =	vor.u32 v0, v61;
	v57 =	vld.idx.msk [tilespmem:v37+s6+$0x0], $0xffff  }
0xb1: {  	v37 =	vmul.f32 v41, v17;
	v41 =	vor.u32 v0, v15;
	v0 =	vld [tilespmem:$0x1FE20];
	v13 =	vmul.f32 v8, v21  }
0xb2: {  	v33 =	vmul.f32 v33, v21;
	v15 =	vor.u32 v36, v15;
	v36 =	vmul.f32 v63, v21  }
0xb3: {  	v26 =	vmul.f32 v26, v21;
	v13 =	vadd.f32 v13, v25  }
0xb4: {  	v25 =	vmul.f32 v30, v21;
	v30 =	vadd.f32 v33, v52;
	v33 =	vadd.f32 v36, v54  }
0xb5: {  	v11 =	vld.idx.msk [tilespmem:v11+s6+$0x0], $0xffff;
	v63 =	vadd.f32 v26, v29  }
0xb6: {  	v58 =	vld.idx.msk [tilespmem:v2+s6+$0x0], $0xffff;
	v26 =	vmul.f32 v0, v21;
	v0 =	vadd.f32 v25, v39;
	v25 =	vadd.f32 v45, v33  }
0xb7: {  	v8 =	vld [tilespmem:$0x1FE30]  }
0xb8: {  	v2 =	vld.idx.msk [tilespmem:v32+s6+$0x0], $0xffff;
	v25 =	vadd.f32 v55, v25  }
0xb9: {  	v32 =	vld.idx.msk [tilespmem:v35+s7+$0x0], $0xffff  }
0xba: {  	v35 =	vadd.f32 v40, v25;
	v25 =	vld.idx.msk [tilespmem:v6+s6+$0x0], $0xffff  }
0xbb: {  	v6 =	vld [tilespmem:$0x1FE40]  }
0xbc: {  	v13 =	vadd.f32 v42, v13;
	v42 =	vmul.f32 v11, v51;
	v11 =	vld.idx.msk [tilespmem:v31+s6+$0x0], $0xffff;
	v31 =	vmul.f32 v8, v21;
	_ =	sdelay $0x3  }
0xbd: {  	v33 =	vadd.f32 v31, v6;
	v31 =	vmov v1;
	v1 =	vld [tilespmem:$0x1FE50]  }
0xbe: {  	v13 =	vadd.f32 v56, v13;
	_ =	sdelay $0x1  }
0xbf: {  	v16 =	vmul.f32 v16, v32;
	v39 =	vld.idx.msk [tilespmem:v27+s6+$0x0], $0xffff;
	v13 =	vadd.f32 v49, v13  }
0xc0: {  	v27 =	vld.idx.msk [tilespmem:v7+s6+$0x0], $0xffff  }
0xc1: {  	v7 =	vadd.f32 v16, v13;
	v13 =	vmul.f32 v62, v32;
	v62 =	vadd.f32 v1, v63;
	v1 =	vld [tilespmem:$0x1FE60];
	_ =	sdelay $0x2  }
0xc2: {  	v21 =	vmul.f32 v58, v21;
	_ =	sdelay $0x1  }
0xc3: {  	v58 =	vadd.f32 v21, v1;
	v1 =	vld [tilespmem:$0x1FE70];
	_ =	sdelay $0x2  }
0xc4: {  	v24 =	vld.idx.msk [tilespmem:v24+s6+$0x0], $0xffff  }
0xc5: {  	v4 =	vld.idx.msk [tilespmem:v4+s6+$0x0], $0xffff  }
0xc6: {  	v54 =	vadd.f32 v1, v30;
	v1 =	vld [tilespmem:$0x1FE90]  }
0xc7: {  	v28 =	vld.idx.msk [tilespmem:v28+s6+$0x0], $0xffff  }
0xc8: {  	v22 =	vld.idx.msk [tilespmem:v22+s6+$0x0], $0xffff  }
0xc9: {  	v29 =	vld.idx.msk [tilespmem:v59+s6+$0x0], $0xffff;
	v36 =	vadd.f32 v26, v47  }
0xca: {  	v52 =	vmul.f32 v4, v17;
	v4 =	vmul.f32 v24, v32;
	v24 =	vld.idx.msk [tilespmem:v60+s6+$0x0], $0xffff  }
0xcb: {  	v60 =	vadd.f32 v1, v36;
	v1 =	vld [tilespmem:$0x1FEB0]  }
0xcc: {  	v59 =	vld.idx.msk [tilespmem:v5+s6+$0x0], $0xffff  }
0xcd: {  	v26 =	vmul.f32 v28, v38;
	v38 =	vmul.f32 v10, v32;
	v10 =	vld.idx.msk [tilespmem:v61+s6+$0x0], $0xffff  }
0xce: {  	v15 =	vld.idx.msk [tilespmem:v15+s6+$0x0], $0xffff  }
0xcf: {  	s8 =	sadd.s32 $0x8, s8;
	v43 =	vmul.f32 v43, v17;
	v53 =	vld.idx.msk [tilespmem:v53+s6+$0x0], $0xffff  }
0xd0: {  	p0 =	slt.u32 s8, $0x78;
	v47 =	vmul.f32 v57, v32;
	v29 =	vmul.f32 v29, v32;
	v55 =	vadd.f32 v1, v0;
	v0 =	vld [tilespmem:$0x1FEC0]  }
.Ltmp0:
0xd1: {  	v57 =	vld.idx.msk [tilespmem:v12+s6+$0x0], $0xffff;
	v45 =	vmul.f32 v2, v51;
	v56 =	vmul.f32 v22, v51;
	(pc) =	sbr.rel @p0 .LBB2_1-.Ltmp0, $4  }
0xd2: {  	v61 =	vld.idx.msk [tilespmem:v18+s6+$0x0], $0xffff;
	v49 =	vmul.f32 v20, v32;
	v40 =	vmul.f32 v10, v51  }
0xd3: {  	v22 =	vmov v48;
	v2 =	vmul.f32 v39, v34;
	v48 =	vmul.f32 v11, v17;
	v11 =	vld [tilespmem:$0x1FEA0]  }
0xd4: {  	v14 =	vadd.s32 $0x8, v14;
	v63 =	vadd.f32 v19, v7;
	v19 =	vmovc v46;
	v46 =	vmul.f32 v3, v51;
	v30 =	vld.idx.msk [tilespmem:v23+s6+$0x0], $0xffff  }
0xd5: {  	v14 =	vand.u32 $0x7F, v14;
	v21 =	vmovc v50;
	v50 =	vmul.f32 v15, v17;
	v23 =	vld [tilespmem:$0x1FE80];
	v28 =	vmul.f32 v0, v32;
	v32 =	vmovc v9  }
0xd6: {  	v7 =	vld [tilespmem:$0x1FEE0];
	_ =	sdelay $0x2  }
0xd7: {  	v5 =	vadd.f32 v26, v33;
	_ =	sdelay $0x1  }
0xd8: {  	v5 =	vadd.f32 v7, v5;
	v7 =	vld [tilespmem:$0x1FED0];
	_ =	sdelay $0x1  }
0xd9: {  	v8 =	vld [tilespmem:$0x1FF20]  }
0xda: {  	v6 =	vadd.f32 v23, v58;
	_ =	sdelay $0x1  }
0xdb: {  	v6 =	vadd.f32 v7, v6;
	_ =	sdelay $0x1  }
0xdc: {  	v6 =	vadd.f32 v8, v6;
	v8 =	vld [tilespmem:$0x1FF00];
	_ =	sdelay $0x2  }
0xdd: {  	v1 =	vadd.f32 v37, v63;
	v9 =	vmul.f32 v61, v34;
	_ =	sdelay $0x1  }
0xde: {  	v1 =	vadd.f32 v9, v1;
	v9 =	vadd.f32 v8, v54;
	v8 =	vld [tilespmem:$0x1FF10];
	_ =	sdelay $0x1  }
0xdf: {  	v0 =	vadd.f32 v11, v62;
	_ =	sdelay $0x1  }
0xe0: {  	v0 =	vadd.f32 v21, v0  }
0xe1: {  	v3 =	vadd.f32 v28, v35;
	v10 =	vadd.f32 v8, v55;
	v8 =	vld [tilespmem:$0x1FF30]  }
0xe2: {  	v0 =	vadd.f32 v29, v0  }
0xe3: {  	v3 =	vadd.f32 v44, v3;
	v5 =	vadd.f32 v22, v5  }
0xe4: {  	v16 =	vld [tilespmem:$0x40B0];
	v0 =	vadd.f32 v56, v0  }
0xe5: {  	v12 =	vmul.f32 v53, v34;
	v3 =	vadd.f32 v43, v3;
	v5 =	vadd.f32 v38, v5;
	v7 =	vld [tilespmem:$0x1FEF0]  }
0xe6: {  	v15 =	vmul.f32 v57, v34;
	v0 =	vadd.f32 v32, v0;
	v9 =	vadd.f32 v8, v9;
	v8 =	vld [tilespmem:$0x1FF40]  }
0xe7: {  	v5 =	vadd.f32 v42, v5  }
0xe8: {  	v3 =	vadd.f32 v15, v3;
	v0 =	vadd.f32 v12, v0  }
0xe9: {  	v11 =	vld.idx.msk [tilespmem:v41+s6+$0x0], $0xffff;
	v5 =	vadd.f32 v50, v5;
	v6 =	vadd.f32 v47, v6  }
0xea: {  	v0 =	vadd.f32 v16, v0;
	v7 =	vadd.f32 v7, v60  }
0xeb: {  	v6 =	vadd.f32 v31, v6;
	v10 =	vadd.f32 v8, v10  }
0xec: {  	v14 =	vmul.f32 v59, v34;
	v7 =	vadd.f32 v19, v7;
	v9 =	vadd.f32 v4, v9;
	v8 =	vld [tilespmem:$0x4080]  }
0xed: {  	v61 =	vmul.f32 v30, v34;
	v6 =	vadd.f32 v52, v6;
	v4 =	vadd.f32 v13, v10;
	v10 =	vld [tilespmem:$0x4090]  }
0xee: {  	v59 =	vld [tilespmem:$0x40A0];
	v11 =	vmul.f32 v11, v17;
	v5 =	vadd.f32 v14, v5;
	v9 =	vadd.f32 v40, v9  }
0xef: {  	v7 =	vadd.f32 v49, v7;
	v6 =	vadd.f32 v61, v6  }
0xf0: {  	v60 =	vmul.f32 v27, v17;
	v9 =	vadd.f32 v11, v9;
	v11 =	vld [tilespmem:$0x40C0];
	v4 =	vadd.f32 v46, v4  }
0xf1: {  	v62 =	vld [tilespmem:$0x40D0];
	v7 =	vadd.f32 v45, v7;
	v1 =	vadd.f32 v8, v1  }
0xf2: {  	v63 =	vmul.f32 v24, v34;
	v4 =	vadd.f32 v60, v4;
	v5 =	vadd.f32 v10, v5;
	v10 =	vld [tilespmem:$0x40E0]  }
0xf3: {  	v7 =	vadd.f32 v48, v7;
	[tilespmem:$0x4100] =	vst v1;
	v1 =	vadd.f32 v59, v3;
	v3 =	vld [tilespmem:$0x40F0]  }
0xf4: {  	[tilespmem:$0x4130] =	vst v0;
	v8 =	vmul.f32 v25, v34;
	v4 =	vadd.f32 v63, v4  }
0xf5: {  	v2 =	vadd.f32 v2, v7;
	[tilespmem:$0x4120] =	vst v1;
	v1 =	vadd.f32 v11, v6  }
0xf6: {  	[tilespmem:$0x4110] =	vst v5;
	v5 =	vadd.f32 v8, v9;
	v0 =	vadd.f32 v62, v4  }
0xf7: {  	[tilespmem:$0x4140] =	vst v1;
	v1 =	vadd.f32 v10, v2  }
0xf8: {  	s26 =	smul.u32 $0xA0, s3;
	[tilespmem:$0x4150] =	vst v0;
	v0 =	vadd.f32 v3, v5  }
0xf9: {  	[tilespmem:$0x4160] =	vst v1  }
0xfa: {  	s7 =	sor.u32 $0x14000, s26;
	[tilespmem:$0x4170] =	vst v0;
	v0 =	vimm.f32 $-Inf  }
0xfb: {  	s11 =	simm.s32 $0xE180;
	s6 =	simm.s32 $0x0;
	s8 =	sshll.u32 s7, $0x4;
	[tilespmem:$0xE380] =	vst v0;
	v0 =	vimm.s32 $0x0  }
0xfc: {  	s9 =	sshrl.u32 s7, $0x3;
	s7 =	simm.s32 $0x4180;
	s8 =	sadd.s32 s1, s8;
	[tilespmem:$0xE400] =	vst v0  }
0xfd: {  	[tilespmem:s7], [sflag:$0x1] =	stream.linear.gather [hbm4b:s8+s6], $0x5000, $0x38;
	[tilespmem:$0xE480] =	vst v63  }
0xfe: {  	s31 =	simm.s32 $0xE280;
	s10 =	sadd.s32 $0x14A00, s26;
	s28 =	sadd.s32 s2, s9  }
0xff: {  	v0 =	vlaneseq.u32;
	[tilespmem:s11], [sflag:$0x1] =	stream.linear.gather [hbm4b:s28+s6], $0xA0, $0x38;
	[tilespmem:$0xE480] =	vst v63  }
.Ltmp1:
0x100: {  	s29 =	sshll.u32 s10, $0x4;
	s10 =	sshrl.u32 s10, $0x3;
	v1 =	vmul.u32 $0x80, v0;
	(pc) =	sbr.rel .LBB2_3-.Ltmp1, $4  }
0x101: {  	s9 =	sadd.s32 s1, s29;
	s30 =	sadd.s32 s2, s10;
	s8 =	simm.s32 $0x9180  }
0x102: {  	v2 =	vor.u32 $0x800, v1;
	v3 =	vor.u32 $0x1000, v1;
	v4 =	vor.u32 $0x1800, v1;
	[tilespmem:s8], [sflag:$0x2] =	stream.linear.gather [hbm4b:s9+s6], $0x5000, $0x38;
	[tilespmem:$0xE480] =	vst v63  }
0x103: {  	s10 =	simm.s32 $0x4100;
	v5 =	vor.u32 $0x2000, v1;
	v6 =	vor.u32 $0x2800, v1;
	v7 =	vor.u32 $0x3000, v1;
	s11 =	simm.s32 $0x2;
	s9 =	simm.s32 $0x1  }
0x104: {  	v8 =	vor.u32 $0x3800, v1;
	v9 =	vor.u32 $0x4000, v1;
	v10 =	vor.u32 $0x4800, v1;
	[tilespmem:s31], [sflag:$0x2] =	stream.linear.gather [hbm4b:s30+s6], $0xA0, $0x38;
	[tilespmem:$0xE480] =	vst v63  }
.LBB2_9:
0x105: {  	s6 =	sadd.s32 $0x1, s6  }
0x106: {  	p0 =	sne.s32 s6, $0x4  }
.Ltmp2:
0x107: {  	_ = 	snop;
	(pc) =	sbr.rel @!p0 .LBB2_10-.Ltmp2, $1  }
0x108: {  	_ =	sdelay $0x3  }
.LBB2_3:
0x109: {  	v14 =	vimm.f32 $0.0e+00;
	v15 =	vimm.f32 $0.0e+00;
	v16 =	vimm.f32 $0.0e+00  }
0x10a: {  	_ =	swait.ge [sflag:s9], $0x5000;
	v19 =	vimm.f32 $0.0e+00;
	v20 =	vimm.f32 $0.0e+00;
	v22 =	vimm.f32 $0.0e+00  }
0x10b: {  	v25 =	vimm.f32 $0.0e+00;
	v27 =	vimm.f32 $0.0e+00;
	v29 =	vimm.f32 $0.0e+00;
	[sflag:s9] =	ssyncset.done $0x0  }
0x10c: {  	v30 =	vimm.f32 $0.0e+00;
	v12 =	vimm.f32 $0.0e+00;
	v13 =	vimm.f32 $0.0e+00;
	[sflag:s9] =	ssyncadd.s32 $0xFFFFB000  }
0x10d: {  	v17 =	vimm.f32 $0.0e+00;
	v18 =	vimm.f32 $0.0e+00;
	v21 =	vimm.f32 $0.0e+00;
	_ =	swait.ge [sflag:s9], $0xA0  }
0x10e: {  	s12 =	sshll.u32 s6, $0x5;
	v23 =	vimm.f32 $0.0e+00;
	v24 =	vimm.f32 $0.0e+00;
	v26 =	vimm.f32 $0.0e+00;
	[sflag:s9] =	ssyncset.done $0x0  }
0x10f: {  	s13 =	simm.s32 $0xFFFFFFF8;
	v28 =	vimm.f32 $0.0e+00;
	v31 =	vimm.f32 $0.0e+00;
	v11 =	vlaneseq.u32;
	s12 =	sor.u32 s3, s12;
	[sflag:s9] =	ssyncadd.s32 $0xFFFFFF60  }
.LBB2_4:
0x110: {  	v32 =	vor.u32 v1, v11  }
0x111: {  	v33 =	vor.u32 v2, v11  }
0x112: {  	v34 =	vor.u32 v3, v11  }
0x113: {  	v36 =	vor.u32 v4, v11  }
0x114: {  	v35 =	vld.idx.msk [tilespmem:v11+s10+$0x0], $0xffff;
	v37 =	vor.u32 v5, v11  }
0x115: {  	v38 =	vor.u32 v6, v11;
	v32 =	vld.idx.msk [tilespmem:v32+s7+$0x0], $0xffff  }
0x116: {  	v40 =	vor.u32 v7, v11;
	v33 =	vld.idx.msk [tilespmem:v33+s7+$0x0], $0xffff  }
0x117: {  	v42 =	vor.u32 v8, v11;
	v34 =	vld.idx.msk [tilespmem:v34+s7+$0x0], $0xffff  }
0x118: {  	v36 =	vld.idx.msk [tilespmem:v36+s7+$0x0], $0xffff  }
0x119: {  	v37 =	vld.idx.msk [tilespmem:v37+s7+$0x0], $0xffff  }
0x11a: {  	v61 =	vld.idx.msk [tilespmem:v38+s7+$0x0], $0xffff;
	v39 =	vmul.f32 v32, v35  }
0x11b: {  	v40 =	vld.idx.msk [tilespmem:v40+s7+$0x0], $0xffff;
	v32 =	vmul.f32 v32, v32;
	v41 =	vmul.f32 v33, v35  }
0x11c: {  	v42 =	vld.idx.msk [tilespmem:v42+s7+$0x0], $0xffff;
	v33 =	vmul.f32 v33, v33;
	v58 =	vmul.f32 v34, v35  }
0x11d: {  	v60 =	vmul.f32 v34, v34;
	v63 =	vmul.f32 v36, v35  }
0x11e: {  	v36 =	vmul.f32 v36, v36;
	v46 =	vmul.f32 v37, v35  }
0x11f: {  	v62 =	vor.u32 v10, v11;
	v48 =	vmul.f32 v37, v37;
	v50 =	vmul.f32 v61, v35  }
0x120: {  	v59 =	vor.u32 v9, v11;
	v34 =	vmul.f32 v61, v61;
	v51 =	vmul.f32 v40, v35  }
0x121: {  	v45 =	vadd.s32 $0x1, v11;
	v40 =	vmul.f32 v40, v40;
	v52 =	vmul.f32 v42, v35  }
0x122: {  	v55 =	vmul.f32 v42, v42;
	v28 =	vadd.f32 v41, v28;
	v41 =	vand.u32 $0x7F, v45  }
0x123: {  	v31 =	vadd.f32 v39, v31;
	v30 =	vadd.f32 v32, v30;
	v47 =	vor.u32 v1, v41  }
0x124: {  	v38 =	vld.idx.msk [tilespmem:v62+s7+$0x0], $0xffff;
	v29 =	vadd.f32 v33, v29;
	v26 =	vadd.f32 v58, v26;
	v49 =	vor.u32 v2, v41  }
0x125: {  	v27 =	vadd.f32 v60, v27;
	v24 =	vadd.f32 v63, v24;
	v43 =	vor.u32 v3, v41  }
0x126: {  	v25 =	vadd.f32 v36, v25;
	v23 =	vadd.f32 v46, v23;
	v33 =	vld.idx.msk [tilespmem:v59+s7+$0x0], $0xffff;
	v54 =	vor.u32 v4, v41  }
0x127: {  	v22 =	vadd.f32 v48, v22;
	v21 =	vadd.f32 v50, v21;
	v58 =	vor.u32 v5, v41;
	v39 =	vld.idx.msk [tilespmem:v41+s10+$0x0], $0xffff  }
0x128: {  	v20 =	vadd.f32 v34, v20;
	v18 =	vadd.f32 v51, v18;
	v44 =	vor.u32 v7, v41;
	v53 =	vld.idx.msk [tilespmem:v47+s7+$0x0], $0xffff  }
0x129: {  	v19 =	vadd.f32 v40, v19;
	v59 =	vmul.f32 v38, v38;
	v62 =	vor.u32 v6, v41;
	v37 =	vld.idx.msk [tilespmem:v49+s7+$0x0], $0xffff  }
0x12a: {  	v17 =	vadd.f32 v52, v17;
	v16 =	vadd.f32 v55, v16;
	v51 =	vor.u32 v9, v41;
	v57 =	vld.idx.msk [tilespmem:v43+s7+$0x0], $0xffff  }
0x12b: {  	v14 =	vadd.f32 v59, v14;
	v56 =	vmul.f32 v33, v35;
	v33 =	vmul.f32 v33, v33;
	v61 =	vld.idx.msk [tilespmem:v54+s7+$0x0], $0xffff  }
0x12c: {  	v35 =	vmul.f32 v38, v35;
	v47 =	vld.idx.msk [tilespmem:v58+s7+$0x0], $0xffff;
	v49 =	vor.u32 v8, v41;
	v54 =	vadd.s32 $0x2, v11  }
0x12d: {  	v52 =	vld.idx.msk [tilespmem:v44+s7+$0x0], $0xffff;
	v13 =	vadd.f32 v56, v13;
	v60 =	vmul.f32 v53, v39;
	v32 =	vmul.f32 v53, v53  }
0x12e: {  	v12 =	vadd.f32 v35, v12;
	v35 =	vld.idx.msk [tilespmem:v62+s7+$0x0], $0xffff;
	v63 =	vmul.f32 v37, v39;
	v45 =	vmul.f32 v37, v37  }
0x12f: {  	v15 =	vadd.f32 v33, v15;
	v46 =	vmul.f32 v57, v39;
	v48 =	vmul.f32 v57, v57  }
0x130: {  	v50 =	vmul.f32 v61, v39;
	v34 =	vmul.f32 v61, v61;
	v53 =	vor.u32 v10, v41  }
0x131: {  	v55 =	vmul.f32 v47, v39;
	v40 =	vmul.f32 v47, v47;
	v41 =	vand.u32 $0x7F, v54  }
0x132: {  	v59 =	vmul.f32 v52, v39;
	v37 =	vmul.f32 v52, v52;
	v56 =	vor.u32 v1, v41  }
0x133: {  	v57 =	vmul.f32 v35, v39;
	v35 =	vmul.f32 v35, v35;
	v31 =	vadd.f32 v60, v31  }
0x134: {  	v36 =	vld.idx.msk [tilespmem:v51+s7+$0x0], $0xffff;
	v58 =	vor.u32 v2, v41;
	v30 =	vadd.f32 v32, v30;
	v28 =	vadd.f32 v63, v28  }
0x135: {  	v62 =	vor.u32 v4, v41;
	v29 =	vadd.f32 v45, v29;
	v26 =	vadd.f32 v46, v26  }
0x136: {  	v33 =	vld.idx.msk [tilespmem:v49+s7+$0x0], $0xffff;
	v44 =	vor.u32 v5, v41;
	v27 =	vadd.f32 v48, v27;
	v24 =	vadd.f32 v50, v24  }
0x137: {  	v51 =	vor.u32 v6, v41;
	v25 =	vadd.f32 v34, v25;
	v23 =	vadd.f32 v55, v23;
	v38 =	vld.idx.msk [tilespmem:v53+s7+$0x0], $0xffff  }
0x138: {  	v22 =	vadd.f32 v40, v22;
	v60 =	vor.u32 v3, v41;
	v18 =	vadd.f32 v59, v18;
	v34 =	vld.idx.msk [tilespmem:v41+s10+$0x0], $0xffff  }
0x139: {  	v19 =	vadd.f32 v37, v19;
	v63 =	vmul.f32 v36, v39;
	v36 =	vmul.f32 v36, v36;
	v32 =	vld.idx.msk [tilespmem:v56+s7+$0x0], $0xffff  }
0x13a: {  	v45 =	vadd.s32 $0x3, v11;
	v21 =	vadd.f32 v57, v21;
	v20 =	vadd.f32 v35, v20;
	v40 =	vld.idx.msk [tilespmem:v58+s7+$0x0], $0xffff  }
0x13b: {  	v13 =	vadd.f32 v63, v13;
	v15 =	vadd.f32 v36, v15;
	v61 =	vmul.f32 v33, v39;
	v52 =	vld.idx.msk [tilespmem:v62+s7+$0x0], $0xffff  }
0x13c: {  	v33 =	vmul.f32 v33, v33;
	v53 =	vor.u32 v7, v41;
	v56 =	vld.idx.msk [tilespmem:v44+s7+$0x0], $0xffff;
	v58 =	vor.u32 v8, v41  }
0x13d: {  	v62 =	vor.u32 v10, v41;
	v48 =	vld.idx.msk [tilespmem:v60+s7+$0x0], $0xffff;
	v47 =	vmul.f32 v38, v39;
	v49 =	vmul.f32 v38, v38  }
0x13e: {  	v59 =	vld.idx.msk [tilespmem:v51+s7+$0x0], $0xffff;
	v17 =	vadd.f32 v61, v17;
	v50 =	vmul.f32 v32, v34;
	v32 =	vmul.f32 v32, v32  }
0x13f: {  	v16 =	vadd.f32 v33, v16;
	v54 =	vmul.f32 v40, v34;
	v55 =	vmul.f32 v40, v40  }
0x140: {  	v60 =	vor.u32 v9, v41;
	v61 =	vmul.f32 v52, v34;
	v36 =	vmul.f32 v52, v52  }
0x141: {  	v63 =	vmul.f32 v56, v34;
	v40 =	vmul.f32 v56, v56;
	v12 =	vadd.f32 v47, v12  }
0x142: {  	v14 =	vadd.f32 v49, v14;
	v57 =	vmul.f32 v48, v34;
	v35 =	vmul.f32 v48, v48  }
0x143: {  	v47 =	vmul.f32 v59, v34;
	v31 =	vadd.f32 v50, v31;
	v30 =	vadd.f32 v32, v30  }
0x144: {  	v28 =	vadd.f32 v54, v28;
	v25 =	vadd.f32 v36, v25;
	v36 =	vand.u32 $0x7F, v45  }
0x145: {  	v37 =	vld.idx.msk [tilespmem:v53+s7+$0x0], $0xffff;
	v29 =	vadd.f32 v55, v29;
	v24 =	vadd.f32 v61, v24;
	v46 =	vor.u32 v1, v36  }
0x146: {  	v33 =	vld.idx.msk [tilespmem:v58+s7+$0x0], $0xffff;
	v23 =	vadd.f32 v63, v23;
	v22 =	vadd.f32 v40, v22;
	v48 =	vor.u32 v2, v36  }
0x147: {  	v39 =	vld.idx.msk [tilespmem:v62+s7+$0x0], $0xffff;
	v32 =	vmul.f32 v59, v59;
	v26 =	vadd.f32 v57, v26;
	v50 =	vor.u32 v3, v36  }
0x148: {  	v27 =	vadd.f32 v35, v27;
	v35 =	vld.idx.msk [tilespmem:v60+s7+$0x0], $0xffff;
	v21 =	vadd.f32 v47, v21;
	v52 =	vor.u32 v4, v36  }
0x149: {  	v54 =	vor.u32 v5, v36;
	v58 =	vor.u32 v6, v36;
	v20 =	vadd.f32 v32, v20;
	v32 =	vld.idx.msk [tilespmem:v36+s10+$0x0], $0xffff  }
0x14a: {  	v61 =	vor.u32 v7, v36;
	v49 =	vmul.f32 v37, v34;
	v37 =	vmul.f32 v37, v37;
	v38 =	vld.idx.msk [tilespmem:v46+s7+$0x0], $0xffff  }
0x14b: {  	v45 =	vor.u32 v8, v36;
	v51 =	vmul.f32 v33, v34;
	v33 =	vmul.f32 v33, v33;
	v41 =	vld.idx.msk [tilespmem:v48+s7+$0x0], $0xffff  }
0x14c: {  	v55 =	vmul.f32 v39, v34;
	v18 =	vadd.f32 v49, v18;
	v19 =	vadd.f32 v37, v19;
	v56 =	vld.idx.msk [tilespmem:v50+s7+$0x0], $0xffff  }
0x14d: {  	v57 =	vmul.f32 v39, v39;
	v17 =	vadd.f32 v51, v17;
	v16 =	vadd.f32 v33, v16;
	v60 =	vld.idx.msk [tilespmem:v52+s7+$0x0], $0xffff  }
0x14e: {  	v12 =	vadd.f32 v55, v12;
	v53 =	vmul.f32 v35, v34;
	v35 =	vmul.f32 v35, v35;
	v63 =	vld.idx.msk [tilespmem:v54+s7+$0x0], $0xffff  }
0x14f: {  	v14 =	vadd.f32 v57, v14;
	v40 =	vld.idx.msk [tilespmem:v61+s7+$0x0], $0xffff;
	v59 =	vmul.f32 v38, v32;
	v38 =	vmul.f32 v38, v38  }
0x150: {  	v46 =	vor.u32 v9, v36;
	v33 =	vld.idx.msk [tilespmem:v45+s7+$0x0], $0xffff;
	v62 =	vmul.f32 v41, v32;
	v41 =	vmul.f32 v41, v41  }
0x151: {  	v36 =	vor.u32 v10, v36;
	v44 =	vmul.f32 v56, v32;
	v34 =	vmul.f32 v56, v56  }
0x152: {  	v48 =	vadd.s32 $0x4, v11;
	v47 =	vmul.f32 v60, v32;
	v39 =	vmul.f32 v60, v60  }
0x153: {  	v13 =	vadd.f32 v53, v13;
	v49 =	vmul.f32 v63, v32;
	v51 =	vmul.f32 v63, v63  }
0x154: {  	v15 =	vadd.f32 v35, v15;
	v35 =	vld.idx.msk [tilespmem:v58+s7+$0x0], $0xffff;
	v54 =	vmul.f32 v40, v32;
	v56 =	vmul.f32 v40, v40  }
0x155: {  	v58 =	vmul.f32 v33, v32;
	v31 =	vadd.f32 v59, v31;
	v30 =	vadd.f32 v38, v30  }
0x156: {  	v33 =	vmul.f32 v33, v33;
	v28 =	vadd.f32 v62, v28;
	v29 =	vadd.f32 v41, v29  }
0x157: {  	v26 =	vadd.f32 v44, v26;
	v41 =	vand.u32 $0x7F, v48;
	v27 =	vadd.f32 v34, v27  }
0x158: {  	v24 =	vadd.f32 v47, v24;
	v25 =	vadd.f32 v39, v25;
	v50 =	vor.u32 v1, v41  }
0x159: {  	v37 =	vld.idx.msk [tilespmem:v46+s7+$0x0], $0xffff;
	v23 =	vadd.f32 v49, v23;
	v52 =	vmul.f32 v35, v32;
	v53 =	vor.u32 v2, v41  }
0x15a: {  	v36 =	vld.idx.msk [tilespmem:v36+s7+$0x0], $0xffff;
	v35 =	vmul.f32 v35, v35;
	v22 =	vadd.f32 v51, v22;
	v55 =	vor.u32 v3, v41  }
0x15b: {  	v18 =	vadd.f32 v54, v18;
	v19 =	vadd.f32 v56, v19;
	v57 =	vor.u32 v4, v41  }
0x15c: {  	v17 =	vadd.f32 v58, v17;
	v16 =	vadd.f32 v33, v16;
	v60 =	vor.u32 v5, v41;
	v39 =	vld.idx.msk [tilespmem:v41+s10+$0x0], $0xffff  }
0x15d: {  	v54 =	vadd.s32 $0x5, v11;
	v63 =	vor.u32 v6, v41;
	v51 =	vor.u32 v9, v41;
	v34 =	vld.idx.msk [tilespmem:v50+s7+$0x0], $0xffff  }
0x15e: {  	v21 =	vadd.f32 v52, v21;
	v59 =	vmul.f32 v37, v32;
	v37 =	vmul.f32 v37, v37;
	v42 =	vld.idx.msk [tilespmem:v53+s7+$0x0], $0xffff  }
0x15f: {  	v20 =	vadd.f32 v35, v20;
	v32 =	vmul.f32 v36, v32;
	v36 =	vmul.f32 v36, v36;
	v61 =	vld.idx.msk [tilespmem:v55+s7+$0x0], $0xffff  }
0x160: {  	v45 =	vor.u32 v7, v41;
	v13 =	vadd.f32 v59, v13;
	v15 =	vadd.f32 v37, v15;
	v35 =	vld.idx.msk [tilespmem:v57+s7+$0x0], $0xffff  }
0x161: {  	v12 =	vadd.f32 v32, v12;
	v14 =	vadd.f32 v36, v14;
	v48 =	vld.idx.msk [tilespmem:v60+s7+$0x0], $0xffff;
	v50 =	vor.u32 v8, v41  }
0x162: {  	v37 =	vld.idx.msk [tilespmem:v63+s7+$0x0], $0xffff;
	v53 =	vor.u32 v10, v41;
	v62 =	vmul.f32 v34, v39;
	v34 =	vmul.f32 v34, v34  }
0x163: {  	v41 =	vand.u32 $0x7F, v54;
	v32 =	vld.idx.msk [tilespmem:v51+s7+$0x0], $0xffff;
	v46 =	vmul.f32 v42, v39;
	v47 =	vmul.f32 v42, v42  }
0x164: {  	v57 =	vor.u32 v1, v41;
	v49 =	vmul.f32 v61, v39;
	v33 =	vmul.f32 v61, v61  }
0x165: {  	v59 =	vor.u32 v2, v41;
	v52 =	vmul.f32 v35, v39;
	v35 =	vmul.f32 v35, v35  }
0x166: {  	v51 =	vor.u32 v6, v41;
	v55 =	vmul.f32 v48, v39;
	v58 =	vmul.f32 v48, v48  }
0x167: {  	v36 =	vld.idx.msk [tilespmem:v45+s7+$0x0], $0xffff;
	v60 =	vmul.f32 v37, v39;
	v37 =	vmul.f32 v37, v37;
	v61 =	vor.u32 v3, v41  }
0x168: {  	v45 =	vmul.f32 v32, v39;
	v31 =	vadd.f32 v62, v31;
	v30 =	vadd.f32 v34, v30  }
0x169: {  	v32 =	vmul.f32 v32, v32;
	v28 =	vadd.f32 v46, v28;
	v29 =	vadd.f32 v47, v29  }
0x16a: {  	v56 =	vld.idx.msk [tilespmem:v50+s7+$0x0], $0xffff;
	v48 =	vor.u32 v5, v41;
	v26 =	vadd.f32 v49, v26;
	v27 =	vadd.f32 v33, v27  }
0x16b: {  	v38 =	vld.idx.msk [tilespmem:v53+s7+$0x0], $0xffff;
	v53 =	vor.u32 v7, v41;
	v24 =	vadd.f32 v52, v24;
	v25 =	vadd.f32 v35, v25  }
0x16c: {  	v40 =	vld.idx.msk [tilespmem:v59+s7+$0x0], $0xffff;
	v23 =	vadd.f32 v55, v23;
	v22 =	vadd.f32 v58, v22;
	v62 =	vmul.f32 v36, v39  }
0x16d: {  	v36 =	vmul.f32 v36, v36;
	v21 =	vadd.f32 v60, v21;
	v20 =	vadd.f32 v37, v20;
	v37 =	vld.idx.msk [tilespmem:v41+s10+$0x0], $0xffff  }
0x16e: {  	v35 =	vld.idx.msk [tilespmem:v57+s7+$0x0], $0xffff;
	v46 =	vor.u32 v4, v41;
	v13 =	vadd.f32 v45, v13;
	v15 =	vadd.f32 v32, v15  }
0x16f: {  	v60 =	vor.u32 v8, v41;
	v45 =	vor.u32 v10, v41;
	v18 =	vadd.f32 v62, v18  }
0x170: {  	v19 =	vadd.f32 v36, v19;
	v63 =	vmul.f32 v56, v39;
	v34 =	vmul.f32 v56, v56  }
0x171: {  	v62 =	vor.u32 v9, v41;
	v47 =	vld.idx.msk [tilespmem:v61+s7+$0x0], $0xffff;
	v49 =	vmul.f32 v38, v39;
	v50 =	vmul.f32 v38, v38  }
0x172: {  	v59 =	vld.idx.msk [tilespmem:v48+s7+$0x0], $0xffff;
	v57 =	vmul.f32 v40, v40;
	v17 =	vadd.f32 v63, v17;
	v16 =	vadd.f32 v34, v16  }
0x173: {  	v61 =	vld.idx.msk [tilespmem:v51+s7+$0x0], $0xffff;
	v12 =	vadd.f32 v49, v12;
	v52 =	vmul.f32 v35, v37;
	v14 =	vadd.f32 v50, v14  }
0x174: {  	v54 =	vmul.f32 v35, v35;
	v55 =	vmul.f32 v40, v37;
	v56 =	vld.idx.msk [tilespmem:v46+s7+$0x0], $0xffff;
	v46 =	vadd.s32 $0x6, v11  }
0x175: {  	v29 =	vadd.f32 v57, v29;
	v40 =	vand.u32 $0x7F, v46;
	v31 =	vadd.f32 v52, v31  }
0x176: {  	v63 =	vld.idx.msk [tilespmem:v53+s7+$0x0], $0xffff;
	v30 =	vadd.f32 v54, v30;
	v28 =	vadd.f32 v55, v28;
	v49 =	vor.u32 v1, v40  }
0x177: {  	v53 =	vor.u32 v2, v40;
	v58 =	vmul.f32 v47, v37;
	v33 =	vmul.f32 v47, v47  }
0x178: {  	v32 =	vld.idx.msk [tilespmem:v60+s7+$0x0], $0xffff;
	v54 =	vor.u32 v3, v40;
	v48 =	vmul.f32 v59, v37;
	v50 =	vmul.f32 v59, v59  }
0x179: {  	v38 =	vld.idx.msk [tilespmem:v45+s7+$0x0], $0xffff;
	v51 =	vmul.f32 v61, v37;
	v34 =	vmul.f32 v61, v61;
	v61 =	vor.u32 v5, v40  }
0x17a: {  	v26 =	vadd.f32 v58, v26;
	v47 =	vmul.f32 v56, v37;
	v39 =	vmul.f32 v56, v56  }
0x17b: {  	v35 =	vld.idx.msk [tilespmem:v62+s7+$0x0], $0xffff;
	v27 =	vadd.f32 v33, v27;
	v23 =	vadd.f32 v48, v23;
	v52 =	vmul.f32 v63, v37  }
0x17c: {  	v22 =	vadd.f32 v50, v22;
	v21 =	vadd.f32 v51, v21;
	v55 =	vmul.f32 v63, v63  }
0x17d: {  	v20 =	vadd.f32 v34, v20;
	v57 =	vmul.f32 v32, v37;
	v32 =	vmul.f32 v32, v32;
	v33 =	vld.idx.msk [tilespmem:v40+s10+$0x0], $0xffff  }
0x17e: {  	v58 =	vor.u32 v4, v40;
	v62 =	vmul.f32 v38, v37;
	v45 =	vmul.f32 v38, v38;
	v56 =	vld.idx.msk [tilespmem:v49+s7+$0x0], $0xffff  }
0x17f: {  	v50 =	vor.u32 v7, v40;
	v24 =	vadd.f32 v47, v24;
	v25 =	vadd.f32 v39, v25;
	v60 =	vld.idx.msk [tilespmem:v53+s7+$0x0], $0xffff  }
0x180: {  	v18 =	vadd.f32 v52, v18;
	v19 =	vadd.f32 v55, v19;
	v59 =	vmul.f32 v35, v37;
	v63 =	vld.idx.msk [tilespmem:v54+s7+$0x0], $0xffff  }
0x181: {  	v35 =	vmul.f32 v35, v35;
	v17 =	vadd.f32 v57, v17;
	v16 =	vadd.f32 v32, v16  }
0x182: {  	v47 =	vor.u32 v6, v40;
	v12 =	vadd.f32 v62, v12;
	v14 =	vadd.f32 v45, v14;
	v52 =	vld.idx.msk [tilespmem:v61+s7+$0x0], $0xffff  }
0x183: {  	v54 =	vor.u32 v8, v40;
	v13 =	vadd.f32 v59, v13;
	v46 =	vmul.f32 v56, v33  }
0x184: {  	v15 =	vadd.f32 v35, v15;
	v48 =	vmul.f32 v56, v56;
	v51 =	vmul.f32 v60, v33  }
0x185: {  	v59 =	vor.u32 v10, v40;
	v32 =	vmul.f32 v60, v60;
	v53 =	vmul.f32 v63, v33  }
0x186: {  	v49 =	vld.idx.msk [tilespmem:v58+s7+$0x0], $0xffff;
	v35 =	vmul.f32 v63, v63;
	v56 =	vor.u32 v9, v40;
	v60 =	vadd.s32 $0x7, v11  }
0x187: {  	v58 =	vld.idx.msk [tilespmem:v50+s7+$0x0], $0xffff;
	v61 =	vmul.f32 v52, v33;
	v31 =	vadd.f32 v46, v31;
	v30 =	vadd.f32 v48, v30  }
0x188: {  	v40 =	vand.u32 $0x7F, v60;
	v28 =	vadd.f32 v51, v28;
	v29 =	vadd.f32 v32, v29  }
0x189: {  	v55 =	vld.idx.msk [tilespmem:v47+s7+$0x0], $0xffff;
	v62 =	vmul.f32 v52, v52;
	v26 =	vadd.f32 v53, v26;
	v27 =	vadd.f32 v35, v27  }
0x18a: {  	v63 =	vld.idx.msk [tilespmem:v54+s7+$0x0], $0xffff;
	v45 =	vor.u32 v1, v40;
	v48 =	vor.u32 v2, v40;
	v51 =	vor.u32 v3, v40  }
0x18b: {  	v53 =	vor.u32 v4, v40;
	v57 =	vmul.f32 v49, v33;
	v36 =	vmul.f32 v49, v49  }
0x18c: {  	v23 =	vadd.f32 v61, v23;
	v22 =	vadd.f32 v62, v22;
	v47 =	vmul.f32 v58, v33  }
0x18d: {  	v49 =	vld.idx.msk [tilespmem:v59+s7+$0x0], $0xffff;
	v50 =	vmul.f32 v58, v58;
	v58 =	vor.u32 v7, v40;
	v61 =	vor.u32 v8, v40  }
0x18e: {  	v24 =	vadd.f32 v57, v24;
	v25 =	vadd.f32 v36, v25;
	v46 =	vmul.f32 v55, v33;
	v34 =	vld.idx.msk [tilespmem:v56+s7+$0x0], $0xffff  }
0x18f: {  	v32 =	vmul.f32 v55, v55;
	v18 =	vadd.f32 v47, v18;
	v52 =	vmul.f32 v63, v33;
	v36 =	vld.idx.msk [tilespmem:v40+s10+$0x0], $0xffff  }
0x190: {  	v37 =	vmul.f32 v63, v63;
	v19 =	vadd.f32 v50, v19;
	v55 =	vor.u32 v5, v40;
	v41 =	vld.idx.msk [tilespmem:v45+s7+$0x0], $0xffff  }
0x191: {  	v57 =	vor.u32 v6, v40;
	v21 =	vadd.f32 v46, v21;
	v20 =	vadd.f32 v32, v20;
	v56 =	vld.idx.msk [tilespmem:v48+s7+$0x0], $0xffff  }
0x192: {  	v17 =	vadd.f32 v52, v17;
	v16 =	vadd.f32 v37, v16;
	v38 =	vld.idx.msk [tilespmem:v51+s7+$0x0], $0xffff;
	v32 =	vmul.f32 v49, v49  }
0x193: {  	v60 =	vld.idx.msk [tilespmem:v53+s7+$0x0], $0xffff;
	v46 =	vor.u32 v9, v40;
	v48 =	vor.u32 v10, v40;
	v54 =	vmul.f32 v34, v33  }
0x194: {  	v39 =	vld.idx.msk [tilespmem:v58+s7+$0x0], $0xffff;
	v34 =	vmul.f32 v34, v34;
	v33 =	vmul.f32 v49, v33;
	v14 =	vadd.f32 v32, v14  }
0x195: {  	v13 =	vadd.f32 v54, v13;
	v59 =	vmul.f32 v41, v36;
	v62 =	vmul.f32 v41, v41  }
0x196: {  	v52 =	vld.idx.msk [tilespmem:v61+s7+$0x0], $0xffff;
	v15 =	vadd.f32 v34, v15;
	v45 =	vmul.f32 v56, v36;
	v47 =	vmul.f32 v56, v56  }
0x197: {  	v63 =	vld.idx.msk [tilespmem:v55+s7+$0x0], $0xffff;
	v12 =	vadd.f32 v33, v12;
	v49 =	vmul.f32 v38, v36;
	v38 =	vmul.f32 v38, v38  }
0x198: {  	v50 =	vmul.f32 v60, v36;
	v51 =	vmul.f32 v60, v60;
	v31 =	vadd.f32 v59, v31  }
0x199: {  	v35 =	vld.idx.msk [tilespmem:v57+s7+$0x0], $0xffff;
	v57 =	vmul.f32 v39, v36;
	v30 =	vadd.f32 v62, v30;
	v28 =	vadd.f32 v45, v28  }
0x19a: {  	v58 =	vmul.f32 v39, v39;
	v29 =	vadd.f32 v47, v29;
	v26 =	vadd.f32 v49, v26  }
0x19b: {  	v55 =	vld.idx.msk [tilespmem:v46+s7+$0x0], $0xffff;
	v60 =	vmul.f32 v52, v52;
	v27 =	vadd.f32 v38, v27;
	v24 =	vadd.f32 v50, v24  }
0x19c: {  	v37 =	vld.idx.msk [tilespmem:v48+s7+$0x0], $0xffff;
	v25 =	vadd.f32 v51, v25;
	v59 =	vmul.f32 v52, v36;
	v53 =	vmul.f32 v63, v36  }
0x19d: {  	s13 =	sadd.s32 $0x8, s13;
	v54 =	vmul.f32 v63, v63;
	v18 =	vadd.f32 v57, v18;
	v19 =	vadd.f32 v58, v19  }
0x19e: {  	p0 =	slt.u32 s13, $0x78;
	v56 =	vmul.f32 v35, v36;
	v16 =	vadd.f32 v60, v16;
	v17 =	vadd.f32 v59, v17  }
.Ltmp3:
0x19f: {  	v35 =	vmul.f32 v35, v35;
	v23 =	vadd.f32 v53, v23;
	v22 =	vadd.f32 v54, v22;
	(pc) =	sbr.rel @p0 .LBB2_4-.Ltmp3, $4  }
0x1a0: {  	v21 =	vadd.f32 v56, v21;
	v61 =	vmul.f32 v55, v36;
	v33 =	vmul.f32 v55, v55  }
0x1a1: {  	v20 =	vadd.f32 v35, v20;
	v62 =	vmul.f32 v37, v36;
	v63 =	vmul.f32 v37, v37  }
0x1a2: {  	v11 =	vadd.s32 $0x8, v11;
	v13 =	vadd.f32 v61, v13;
	v15 =	vadd.f32 v33, v15  }
0x1a3: {  	v11 =	vand.u32 $0x7F, v11;
	v12 =	vadd.f32 v62, v12;
	v14 =	vadd.f32 v63, v14  }
0x1a4: {  	v11 =	vmax.f32 v30, $1.000000020e-16  }
0x1a5: {  	(erf) = vrcp.f32 v11;
	_ =	sdelay $0x4  }
0x1a6: {  	v29 =	vmax.f32 v29, $1.000000020e-16;
	v39 =	vand.u32 $0x7FFFFFFF, v31  }
0x1a7: {  	v27 =	vmax.f32 v27, $1.000000020e-16;
	v44 =	vand.u32 $0x7FFFFFFF, v28;
	v25 =	vmax.f32 v25, $1.000000020e-16  }
0x1a8: {  	v41 =	vld [tilespmem:$0xE190];
	v51 =	vand.u32 $0x7FFFFFFF, v26;
	v22 =	vmax.f32 v22, $1.000000020e-16;
	v56 =	vand.u32 $0x7FFFFFFF, v24  }
0x1a9: {  	v47 =	vld [tilespmem:$0xE1A0];
	v60 =	vand.u32 $0x7FFFFFFF, v23;
	v20 =	vmax.f32 v20, $1.000000020e-16;
	(erf) = vrcp.f32 v29  }
0x1aa: {  	v50 =	vld [tilespmem:$0xE1B0];
	v19 =	vmax.f32 v19, $1.000000020e-16;
	v16 =	vmax.f32 v16, $1.000000020e-16;
	v43 =	vpop (erf);
	(erf) = vrcp.f32 v27  }
0x1ab: {  	v38 =	vand.u32 $0x7FFFFFFF, v18;
	v11 =	vld [tilespmem:$0xE180];
	v40 =	vmul.f32 v39, v31;
	v45 =	vmul.f32 v44, v28  }
0x1ac: {  	s13 =	smul.u32 $0xA0, s12;
	v54 =	vld [tilespmem:$0xE1C0];
	v15 =	vmax.f32 v15, $1.000000020e-16;
	v26 =	vmul.f32 v51, v26;
	v24 =	vmul.f32 v56, v24  }
0x1ad: {  	v61 =	vld [tilespmem:$0xE1D0];
	v23 =	vmul.f32 v60, v23;
	v39 =	vand.u32 $0x7FFFFFFF, v17;
	(erf) = vrcp.f32 v25  }
0x1ae: {  	v33 =	vld [tilespmem:$0xE1E0];
	v18 =	vmul.f32 v38, v18;
	v14 =	vmax.f32 v14, $1.000000020e-16;
	s14 =	sadd.s32 $0x14000, s13;
	v17 =	vmul.f32 v39, v17  }
0x1af: {  	s22 =	sadd.s32 $0x14010, s13;
	v48 =	vor.u32 s14, v0;
	v46 =	vmul.f32 v41, v41;
	v52 =	vmul.f32 v47, v47  }
0x1b0: {  	s23 =	sadd.s32 $0x14020, s13;
	v53 =	vor.u32 s22, v0;
	v58 =	vmul.f32 v50, v50;
	v11 =	vmul.f32 v11, v11  }
0x1b1: {  	v42 =	vld [tilespmem:$0xE380];
	s24 =	sadd.s32 $0x14030, s13;
	v59 =	vor.u32 s23, v0;
	v63 =	vmul.f32 v54, v54;
	(erf) = vrcp.f32 v22  }
0x1b2: {  	v32 =	vld [tilespmem:$0xE400];
	s25 =	sadd.s32 $0x14040, s13;
	v37 =	vor.u32 s24, v0;
	v35 =	vmul.f32 v61, v61;
	v11 =	vmul.f32 v11, v40;
	v49 =	vpop (erf)  }
0x1b3: {  	s26 =	sadd.s32 $0x14050, s13;
	v51 =	vor.u32 s25, v0;
	v41 =	vmul.f32 v33, v33;
	v57 =	vpop (erf);
	(erf) = vrcp.f32 v20  }
0x1b4: {  	v56 =	vor.u32 s26, v0;
	v27 =	vmul.f32 v46, v45;
	v11 =	vmul.f32 v11, v43  }
0x1b5: {  	v47 =	vand.u32 $0x7FFFFFFF, v13;
	v55 =	vmul.f32 v52, v26;
	v24 =	vmul.f32 v58, v24  }
0x1b6: {  	v36 =	vld [tilespmem:$0xE1F0];
	v27 =	vmul.f32 v27, v49;
	vm0 =	vgt.f32 v11, v42;
	v62 =	vpop (erf);
	(erf) = vrcp.f32 v19  }
0x1b7: {  	v11 =	vsel vm0, v11, v42;
	v25 =	vsel vm0, v48, v32;
	v32 =	vand.u32 $0x7FFFFFFF, v21  }
0x1b8: {  	vm9 =	vgt.f32 v27, v11;
	v22 =	vmul.f32 v55, v57;
	(erf) = vrcp.f32 v16  }
0x1b9: {  	v23 =	vmul.f32 v63, v23;
	v21 =	vmul.f32 v32, v21;
	v11 =	vsel vm9, v27, v11  }
0x1ba: {  	v40 =	vld [tilespmem:$0xE200];
	v31 =	vmul.f32 v24, v62;
	v34 =	vpop (erf);
	vm10 =	vgt.f32 v22, v11;
	(erf) = vrcp.f32 v15  }
0x1bb: {  	v43 =	vmul.f32 v36, v36;
	v21 =	vmul.f32 v35, v21;
	v11 =	vsel vm10, v22, v11  }
0x1bc: {  	v46 =	vld [tilespmem:$0xE210];
	v19 =	vmul.f32 v23, v34;
	vm11 =	vgt.f32 v31, v11;
	v42 =	vpop (erf);
	(erf) = vrcp.f32 v14  }
0x1bd: {  	v13 =	vmul.f32 v47, v13;
	v17 =	vmul.f32 v43, v17;
	v11 =	vsel vm11, v31, v11  }
0x1be: {  	v15 =	vmul.f32 v41, v18;
	vm1 =	vgt.f32 v19, v11;
	v45 =	vmul.f32 v21, v42  }
0x1bf: {  	v49 =	vmul.f32 v40, v40;
	v25 =	vsel vm9, v53, v25;
	v11 =	vsel vm1, v19, v11;
	v48 =	vpop (erf)  }
0x1c0: {  	v53 =	vand.u32 $0x7FFFFFFF, v12;
	v15 =	vmul.f32 v15, v48;
	vm12 =	vgt.f32 v45, v11  }
0x1c1: {  	v54 =	vmul.f32 v46, v46;
	v12 =	vmul.f32 v53, v12;
	v50 =	vpop (erf);
	v11 =	vsel vm12, v45, v11  }
0x1c2: {  	v13 =	vmul.f32 v49, v13;
	v52 =	vmul.f32 v17, v50;
	vm2 =	vgt.f32 v15, v11  }
0x1c3: {  	v12 =	vmul.f32 v54, v12;
	v30 =	vsel vm10, v59, v25;
	v55 =	vpop (erf);
	v11 =	vsel vm2, v15, v11  }
0x1c4: {  	s28 =	sadd.s32 $0x14060, s13;
	v44 =	vsel vm11, v37, v30;
	v13 =	vmul.f32 v13, v55;
	vm13 =	vgt.f32 v52, v11  }
0x1c5: {  	v58 =	vor.u32 s28, v0;
	v14 =	vsel vm1, v51, v44;
	v11 =	vsel vm13, v52, v11;
	v57 =	vpop (erf)  }
0x1c6: {  	s29 =	sadd.s32 $0x14070, s13;
	v14 =	vsel vm12, v56, v14;
	vm14 =	vgt.f32 v13, v11;
	v12 =	vmul.f32 v12, v57  }
0x1c7: {  	s30 =	sadd.s32 $0x14080, s13;
	v59 =	vor.u32 s29, v0;
	v14 =	vsel vm2, v58, v14;
	v11 =	vsel vm14, v13, v11  }
0x1c8: {  	p0 =	sgt.u32 s12, $0x50;
	s31 =	sadd.s32 $0x14090, s13;
	v61 =	vor.u32 s30, v0;
	v60 =	vsel vm13, v59, v14;
	vm15 =	vgt.f32 v12, v11  }
0x1c9: {  	s14 =	sadd.s32 @!p0 $0x15400, s13;
	v62 =	vor.u32 s31, v0;
	v13 =	vsel vm14, v61, v60;
	v11 =	vsel vm15, v12, v11  }
0x1ca: {  	s16 =	simm.s32 @!p0 $0x0;
	s15 =	sshll.u32 @!p0 s14, $0x4;
	v63 =	vsel vm15, v62, v13;
	[tilespmem:$0xE380] =	vst v11  }
0x1cb: {  	s17 =	simm.s32 @!p0 $0x4180;
	s14 =	sshrl.u32 @!p0 s14, $0x3;
	s15 =	sadd.s32 @!p0 s1, s15;
	[tilespmem:$0xE400] =	vst v63  }
0x1cc: {  	[tilespmem:s17], [sflag:$0x1] =	stream.linear.gather @!p0 [hbm4b:s15+s16], $0x5000, $0x38;
	[tilespmem:$0xE480] =	vst v63  }
0x1cd: {  	s14 =	sadd.s32 @!p0 s2, s14;
	s15 =	simm.s32 @!p0 $0xE180  }
0x1ce: {  	[tilespmem:s15], [sflag:$0x1] =	stream.linear.gather @!p0 [hbm4b:s14+s16], $0xA0, $0x38;
	[tilespmem:$0xE480] =	vst v63  }
0x1cf: {  	s14 =	sor.u32 $0x10, s12  }
0x1d0: {  	p0 =	sgt.u32 s14, $0x70  }
.Ltmp4:
0x1d1: {  	_ = 	snop;
	(pc) =	sbr.rel @p0 .LBB2_9-.Ltmp4, $1  }
0x1d2: {  	_ =	sdelay $0x3  }
0x1d3: {  	v11 =	vlaneseq.u32;
	v14 =	vimm.f32 $0.0e+00;
	v15 =	vimm.f32 $0.0e+00  }
0x1d4: {  	_ =	swait.ge [sflag:s11], $0x5000;
	v16 =	vimm.f32 $0.0e+00;
	v19 =	vimm.f32 $0.0e+00;
	v20 =	vimm.f32 $0.0e+00  }
0x1d5: {  	v22 =	vimm.f32 $0.0e+00;
	v25 =	vimm.f32 $0.0e+00;
	v26 =	vimm.f32 $0.0e+00;
	[sflag:s11] =	ssyncset.done $0x0  }
0x1d6: {  	v30 =	vimm.f32 $0.0e+00;
	v29 =	vimm.f32 $0.0e+00;
	v12 =	vimm.f32 $0.0e+00;
	[sflag:s11] =	ssyncadd.s32 $0xFFFFB000  }
0x1d7: {  	v13 =	vimm.f32 $0.0e+00;
	v17 =	vimm.f32 $0.0e+00;
	v18 =	vimm.f32 $0.0e+00;
	_ =	swait.ge [sflag:s11], $0xA0  }
0x1d8: {  	v21 =	vimm.f32 $0.0e+00;
	v23 =	vimm.f32 $0.0e+00;
	v24 =	vimm.f32 $0.0e+00;
	[sflag:s11] =	ssyncset.done $0x0  }
0x1d9: {  	s15 =	simm.s32 $0xFFFFFFF8;
	v27 =	vimm.f32 $0.0e+00;
	v28 =	vimm.f32 $0.0e+00;
	v31 =	vimm.f32 $0.0e+00;
	[sflag:s11] =	ssyncadd.s32 $0xFFFFFF60  }
.LBB2_7:
0x1da: {  	v32 =	vor.u32 v1, v11  }
0x1db: {  	v33 =	vor.u32 v2, v11  }
0x1dc: {  	v34 =	vor.u32 v3, v11  }
0x1dd: {  	v36 =	vor.u32 v4, v11  }
0x1de: {  	v35 =	vld.idx.msk [tilespmem:v11+s10+$0x0], $0xffff;
	v37 =	vor.u32 v5, v11  }
0x1df: {  	v38 =	vor.u32 v6, v11;
	v32 =	vld.idx.msk [tilespmem:v32+s8+$0x0], $0xffff  }
0x1e0: {  	v40 =	vor.u32 v7, v11;
	v33 =	vld.idx.msk [tilespmem:v33+s8+$0x0], $0xffff  }
0x1e1: {  	v42 =	vor.u32 v8, v11;
	v34 =	vld.idx.msk [tilespmem:v34+s8+$0x0], $0xffff  }
0x1e2: {  	v36 =	vld.idx.msk [tilespmem:v36+s8+$0x0], $0xffff  }
0x1e3: {  	v37 =	vld.idx.msk [tilespmem:v37+s8+$0x0], $0xffff  }
0x1e4: {  	v61 =	vld.idx.msk [tilespmem:v38+s8+$0x0], $0xffff;
	v39 =	vmul.f32 v32, v35  }
0x1e5: {  	v40 =	vld.idx.msk [tilespmem:v40+s8+$0x0], $0xffff;
	v32 =	vmul.f32 v32, v32;
	v41 =	vmul.f32 v33, v35  }
0x1e6: {  	v42 =	vld.idx.msk [tilespmem:v42+s8+$0x0], $0xffff;
	v33 =	vmul.f32 v33, v33;
	v58 =	vmul.f32 v34, v35  }
0x1e7: {  	v60 =	vmul.f32 v34, v34;
	v63 =	vmul.f32 v36, v35  }
0x1e8: {  	v36 =	vmul.f32 v36, v36;
	v46 =	vmul.f32 v37, v35  }
0x1e9: {  	v62 =	vor.u32 v10, v11;
	v48 =	vmul.f32 v37, v37;
	v50 =	vmul.f32 v61, v35  }
0x1ea: {  	v59 =	vor.u32 v9, v11;
	v34 =	vmul.f32 v61, v61;
	v51 =	vmul.f32 v40, v35  }
0x1eb: {  	v45 =	vadd.s32 $0x1, v11;
	v40 =	vmul.f32 v40, v40;
	v52 =	vmul.f32 v42, v35  }
0x1ec: {  	v55 =	vmul.f32 v42, v42;
	v28 =	vadd.f32 v41, v28;
	v41 =	vand.u32 $0x7F, v45  }
0x1ed: {  	v31 =	vadd.f32 v39, v31;
	v29 =	vadd.f32 v32, v29;
	v47 =	vor.u32 v1, v41  }
0x1ee: {  	v38 =	vld.idx.msk [tilespmem:v62+s8+$0x0], $0xffff;
	v30 =	vadd.f32 v33, v30;
	v27 =	vadd.f32 v58, v27;
	v49 =	vor.u32 v2, v41  }
0x1ef: {  	v26 =	vadd.f32 v60, v26;
	v24 =	vadd.f32 v63, v24;
	v43 =	vor.u32 v3, v41  }
0x1f0: {  	v25 =	vadd.f32 v36, v25;
	v23 =	vadd.f32 v46, v23;
	v33 =	vld.idx.msk [tilespmem:v59+s8+$0x0], $0xffff;
	v54 =	vor.u32 v4, v41  }
0x1f1: {  	v22 =	vadd.f32 v48, v22;
	v21 =	vadd.f32 v50, v21;
	v58 =	vor.u32 v5, v41;
	v39 =	vld.idx.msk [tilespmem:v41+s10+$0x0], $0xffff  }
0x1f2: {  	v20 =	vadd.f32 v34, v20;
	v18 =	vadd.f32 v51, v18;
	v44 =	vor.u32 v7, v41;
	v53 =	vld.idx.msk [tilespmem:v47+s8+$0x0], $0xffff  }
0x1f3: {  	v19 =	vadd.f32 v40, v19;
	v59 =	vmul.f32 v38, v38;
	v62 =	vor.u32 v6, v41;
	v37 =	vld.idx.msk [tilespmem:v49+s8+$0x0], $0xffff  }
0x1f4: {  	v17 =	vadd.f32 v52, v17;
	v16 =	vadd.f32 v55, v16;
	v51 =	vor.u32 v9, v41;
	v57 =	vld.idx.msk [tilespmem:v43+s8+$0x0], $0xffff  }
0x1f5: {  	v14 =	vadd.f32 v59, v14;
	v56 =	vmul.f32 v33, v35;
	v33 =	vmul.f32 v33, v33;
	v61 =	vld.idx.msk [tilespmem:v54+s8+$0x0], $0xffff  }
0x1f6: {  	v35 =	vmul.f32 v38, v35;
	v47 =	vld.idx.msk [tilespmem:v58+s8+$0x0], $0xffff;
	v49 =	vor.u32 v8, v41;
	v54 =	vadd.s32 $0x2, v11  }
0x1f7: {  	v52 =	vld.idx.msk [tilespmem:v44+s8+$0x0], $0xffff;
	v13 =	vadd.f32 v56, v13;
	v60 =	vmul.f32 v53, v39;
	v32 =	vmul.f32 v53, v53  }
0x1f8: {  	v12 =	vadd.f32 v35, v12;
	v35 =	vld.idx.msk [tilespmem:v62+s8+$0x0], $0xffff;
	v63 =	vmul.f32 v37, v39;
	v45 =	vmul.f32 v37, v37  }
0x1f9: {  	v15 =	vadd.f32 v33, v15;
	v46 =	vmul.f32 v57, v39;
	v48 =	vmul.f32 v57, v57  }
0x1fa: {  	v50 =	vmul.f32 v61, v39;
	v34 =	vmul.f32 v61, v61;
	v53 =	vor.u32 v10, v41  }
0x1fb: {  	v55 =	vmul.f32 v47, v39;
	v40 =	vmul.f32 v47, v47;
	v41 =	vand.u32 $0x7F, v54  }
0x1fc: {  	v59 =	vmul.f32 v52, v39;
	v37 =	vmul.f32 v52, v52;
	v56 =	vor.u32 v1, v41  }
0x1fd: {  	v57 =	vmul.f32 v35, v39;
	v35 =	vmul.f32 v35, v35;
	v31 =	vadd.f32 v60, v31  }
0x1fe: {  	v36 =	vld.idx.msk [tilespmem:v51+s8+$0x0], $0xffff;
	v58 =	vor.u32 v2, v41;
	v29 =	vadd.f32 v32, v29;
	v28 =	vadd.f32 v63, v28  }
0x1ff: {  	v62 =	vor.u32 v4, v41;
	v30 =	vadd.f32 v45, v30;
	v27 =	vadd.f32 v46, v27  }
0x200: {  	v33 =	vld.idx.msk [tilespmem:v49+s8+$0x0], $0xffff;
	v44 =	vor.u32 v5, v41;
	v26 =	vadd.f32 v48, v26;
	v24 =	vadd.f32 v50, v24  }
0x201: {  	v51 =	vor.u32 v6, v41;
	v25 =	vadd.f32 v34, v25;
	v23 =	vadd.f32 v55, v23;
	v38 =	vld.idx.msk [tilespmem:v53+s8+$0x0], $0xffff  }
0x202: {  	v22 =	vadd.f32 v40, v22;
	v60 =	vor.u32 v3, v41;
	v18 =	vadd.f32 v59, v18;
	v34 =	vld.idx.msk [tilespmem:v41+s10+$0x0], $0xffff  }
0x203: {  	v19 =	vadd.f32 v37, v19;
	v63 =	vmul.f32 v36, v39;
	v36 =	vmul.f32 v36, v36;
	v32 =	vld.idx.msk [tilespmem:v56+s8+$0x0], $0xffff  }
0x204: {  	v45 =	vadd.s32 $0x3, v11;
	v21 =	vadd.f32 v57, v21;
	v20 =	vadd.f32 v35, v20;
	v40 =	vld.idx.msk [tilespmem:v58+s8+$0x0], $0xffff  }
0x205: {  	v13 =	vadd.f32 v63, v13;
	v15 =	vadd.f32 v36, v15;
	v61 =	vmul.f32 v33, v39;
	v52 =	vld.idx.msk [tilespmem:v62+s8+$0x0], $0xffff  }
0x206: {  	v33 =	vmul.f32 v33, v33;
	v53 =	vor.u32 v7, v41;
	v56 =	vld.idx.msk [tilespmem:v44+s8+$0x0], $0xffff;
	v58 =	vor.u32 v8, v41  }
0x207: {  	v62 =	vor.u32 v10, v41;
	v48 =	vld.idx.msk [tilespmem:v60+s8+$0x0], $0xffff;
	v47 =	vmul.f32 v38, v39;
	v49 =	vmul.f32 v38, v38  }
0x208: {  	v59 =	vld.idx.msk [tilespmem:v51+s8+$0x0], $0xffff;
	v17 =	vadd.f32 v61, v17;
	v50 =	vmul.f32 v32, v34;
	v32 =	vmul.f32 v32, v32  }
0x209: {  	v16 =	vadd.f32 v33, v16;
	v54 =	vmul.f32 v40, v34;
	v55 =	vmul.f32 v40, v40  }
0x20a: {  	v60 =	vor.u32 v9, v41;
	v61 =	vmul.f32 v52, v34;
	v36 =	vmul.f32 v52, v52  }
0x20b: {  	v63 =	vmul.f32 v56, v34;
	v40 =	vmul.f32 v56, v56;
	v12 =	vadd.f32 v47, v12  }
0x20c: {  	v14 =	vadd.f32 v49, v14;
	v57 =	vmul.f32 v48, v34;
	v35 =	vmul.f32 v48, v48  }
0x20d: {  	v47 =	vmul.f32 v59, v34;
	v31 =	vadd.f32 v50, v31;
	v29 =	vadd.f32 v32, v29  }
0x20e: {  	v28 =	vadd.f32 v54, v28;
	v25 =	vadd.f32 v36, v25;
	v36 =	vand.u32 $0x7F, v45  }
0x20f: {  	v37 =	vld.idx.msk [tilespmem:v53+s8+$0x0], $0xffff;
	v30 =	vadd.f32 v55, v30;
	v24 =	vadd.f32 v61, v24;
	v46 =	vor.u32 v1, v36  }
0x210: {  	v33 =	vld.idx.msk [tilespmem:v58+s8+$0x0], $0xffff;
	v23 =	vadd.f32 v63, v23;
	v22 =	vadd.f32 v40, v22;
	v48 =	vor.u32 v2, v36  }
0x211: {  	v39 =	vld.idx.msk [tilespmem:v62+s8+$0x0], $0xffff;
	v32 =	vmul.f32 v59, v59;
	v27 =	vadd.f32 v57, v27;
	v50 =	vor.u32 v3, v36  }
0x212: {  	v26 =	vadd.f32 v35, v26;
	v35 =	vld.idx.msk [tilespmem:v60+s8+$0x0], $0xffff;
	v21 =	vadd.f32 v47, v21;
	v52 =	vor.u32 v4, v36  }
0x213: {  	v54 =	vor.u32 v5, v36;
	v58 =	vor.u32 v6, v36;
	v20 =	vadd.f32 v32, v20;
	v32 =	vld.idx.msk [tilespmem:v36+s10+$0x0], $0xffff  }
0x214: {  	v61 =	vor.u32 v7, v36;
	v49 =	vmul.f32 v37, v34;
	v37 =	vmul.f32 v37, v37;
	v38 =	vld.idx.msk [tilespmem:v46+s8+$0x0], $0xffff  }
0x215: {  	v45 =	vor.u32 v8, v36;
	v51 =	vmul.f32 v33, v34;
	v33 =	vmul.f32 v33, v33;
	v41 =	vld.idx.msk [tilespmem:v48+s8+$0x0], $0xffff  }
0x216: {  	v55 =	vmul.f32 v39, v34;
	v18 =	vadd.f32 v49, v18;
	v19 =	vadd.f32 v37, v19;
	v56 =	vld.idx.msk [tilespmem:v50+s8+$0x0], $0xffff  }
0x217: {  	v57 =	vmul.f32 v39, v39;
	v17 =	vadd.f32 v51, v17;
	v16 =	vadd.f32 v33, v16;
	v60 =	vld.idx.msk [tilespmem:v52+s8+$0x0], $0xffff  }
0x218: {  	v12 =	vadd.f32 v55, v12;
	v53 =	vmul.f32 v35, v34;
	v35 =	vmul.f32 v35, v35;
	v63 =	vld.idx.msk [tilespmem:v54+s8+$0x0], $0xffff  }
0x219: {  	v14 =	vadd.f32 v57, v14;
	v40 =	vld.idx.msk [tilespmem:v61+s8+$0x0], $0xffff;
	v59 =	vmul.f32 v38, v32;
	v38 =	vmul.f32 v38, v38  }
0x21a: {  	v46 =	vor.u32 v9, v36;
	v33 =	vld.idx.msk [tilespmem:v45+s8+$0x0], $0xffff;
	v62 =	vmul.f32 v41, v32;
	v41 =	vmul.f32 v41, v41  }
0x21b: {  	v36 =	vor.u32 v10, v36;
	v44 =	vmul.f32 v56, v32;
	v34 =	vmul.f32 v56, v56  }
0x21c: {  	v48 =	vadd.s32 $0x4, v11;
	v47 =	vmul.f32 v60, v32;
	v39 =	vmul.f32 v60, v60  }
0x21d: {  	v13 =	vadd.f32 v53, v13;
	v49 =	vmul.f32 v63, v32;
	v51 =	vmul.f32 v63, v63  }
0x21e: {  	v15 =	vadd.f32 v35, v15;
	v35 =	vld.idx.msk [tilespmem:v58+s8+$0x0], $0xffff;
	v54 =	vmul.f32 v40, v32;
	v56 =	vmul.f32 v40, v40  }
0x21f: {  	v58 =	vmul.f32 v33, v32;
	v31 =	vadd.f32 v59, v31;
	v29 =	vadd.f32 v38, v29  }
0x220: {  	v33 =	vmul.f32 v33, v33;
	v28 =	vadd.f32 v62, v28;
	v30 =	vadd.f32 v41, v30  }
0x221: {  	v27 =	vadd.f32 v44, v27;
	v41 =	vand.u32 $0x7F, v48;
	v26 =	vadd.f32 v34, v26  }
0x222: {  	v24 =	vadd.f32 v47, v24;
	v25 =	vadd.f32 v39, v25;
	v50 =	vor.u32 v1, v41  }
0x223: {  	v37 =	vld.idx.msk [tilespmem:v46+s8+$0x0], $0xffff;
	v23 =	vadd.f32 v49, v23;
	v52 =	vmul.f32 v35, v32;
	v53 =	vor.u32 v2, v41  }
0x224: {  	v36 =	vld.idx.msk [tilespmem:v36+s8+$0x0], $0xffff;
	v35 =	vmul.f32 v35, v35;
	v22 =	vadd.f32 v51, v22;
	v55 =	vor.u32 v3, v41  }
0x225: {  	v18 =	vadd.f32 v54, v18;
	v19 =	vadd.f32 v56, v19;
	v57 =	vor.u32 v4, v41  }
0x226: {  	v17 =	vadd.f32 v58, v17;
	v16 =	vadd.f32 v33, v16;
	v60 =	vor.u32 v5, v41;
	v39 =	vld.idx.msk [tilespmem:v41+s10+$0x0], $0xffff  }
0x227: {  	v54 =	vadd.s32 $0x5, v11;
	v63 =	vor.u32 v6, v41;
	v51 =	vor.u32 v9, v41;
	v34 =	vld.idx.msk [tilespmem:v50+s8+$0x0], $0xffff  }
0x228: {  	v21 =	vadd.f32 v52, v21;
	v59 =	vmul.f32 v37, v32;
	v37 =	vmul.f32 v37, v37;
	v42 =	vld.idx.msk [tilespmem:v53+s8+$0x0], $0xffff  }
0x229: {  	v20 =	vadd.f32 v35, v20;
	v32 =	vmul.f32 v36, v32;
	v36 =	vmul.f32 v36, v36;
	v61 =	vld.idx.msk [tilespmem:v55+s8+$0x0], $0xffff  }
0x22a: {  	v45 =	vor.u32 v7, v41;
	v13 =	vadd.f32 v59, v13;
	v15 =	vadd.f32 v37, v15;
	v35 =	vld.idx.msk [tilespmem:v57+s8+$0x0], $0xffff  }
0x22b: {  	v12 =	vadd.f32 v32, v12;
	v14 =	vadd.f32 v36, v14;
	v48 =	vld.idx.msk [tilespmem:v60+s8+$0x0], $0xffff;
	v50 =	vor.u32 v8, v41  }
0x22c: {  	v37 =	vld.idx.msk [tilespmem:v63+s8+$0x0], $0xffff;
	v53 =	vor.u32 v10, v41;
	v62 =	vmul.f32 v34, v39;
	v34 =	vmul.f32 v34, v34  }
0x22d: {  	v41 =	vand.u32 $0x7F, v54;
	v32 =	vld.idx.msk [tilespmem:v51+s8+$0x0], $0xffff;
	v46 =	vmul.f32 v42, v39;
	v47 =	vmul.f32 v42, v42  }
0x22e: {  	v57 =	vor.u32 v1, v41;
	v49 =	vmul.f32 v61, v39;
	v33 =	vmul.f32 v61, v61  }
0x22f: {  	v59 =	vor.u32 v2, v41;
	v52 =	vmul.f32 v35, v39;
	v35 =	vmul.f32 v35, v35  }
0x230: {  	v51 =	vor.u32 v6, v41;
	v55 =	vmul.f32 v48, v39;
	v58 =	vmul.f32 v48, v48  }
0x231: {  	v36 =	vld.idx.msk [tilespmem:v45+s8+$0x0], $0xffff;
	v60 =	vmul.f32 v37, v39;
	v37 =	vmul.f32 v37, v37;
	v61 =	vor.u32 v3, v41  }
0x232: {  	v45 =	vmul.f32 v32, v39;
	v31 =	vadd.f32 v62, v31;
	v29 =	vadd.f32 v34, v29  }
0x233: {  	v32 =	vmul.f32 v32, v32;
	v28 =	vadd.f32 v46, v28;
	v30 =	vadd.f32 v47, v30  }
0x234: {  	v56 =	vld.idx.msk [tilespmem:v50+s8+$0x0], $0xffff;
	v48 =	vor.u32 v5, v41;
	v27 =	vadd.f32 v49, v27;
	v26 =	vadd.f32 v33, v26  }
0x235: {  	v38 =	vld.idx.msk [tilespmem:v53+s8+$0x0], $0xffff;
	v53 =	vor.u32 v7, v41;
	v24 =	vadd.f32 v52, v24;
	v25 =	vadd.f32 v35, v25  }
0x236: {  	v40 =	vld.idx.msk [tilespmem:v59+s8+$0x0], $0xffff;
	v23 =	vadd.f32 v55, v23;
	v22 =	vadd.f32 v58, v22;
	v62 =	vmul.f32 v36, v39  }
0x237: {  	v36 =	vmul.f32 v36, v36;
	v21 =	vadd.f32 v60, v21;
	v20 =	vadd.f32 v37, v20;
	v37 =	vld.idx.msk [tilespmem:v41+s10+$0x0], $0xffff  }
0x238: {  	v35 =	vld.idx.msk [tilespmem:v57+s8+$0x0], $0xffff;
	v46 =	vor.u32 v4, v41;
	v13 =	vadd.f32 v45, v13;
	v15 =	vadd.f32 v32, v15  }
0x239: {  	v60 =	vor.u32 v8, v41;
	v45 =	vor.u32 v10, v41;
	v18 =	vadd.f32 v62, v18  }
0x23a: {  	v19 =	vadd.f32 v36, v19;
	v63 =	vmul.f32 v56, v39;
	v34 =	vmul.f32 v56, v56  }
0x23b: {  	v62 =	vor.u32 v9, v41;
	v47 =	vld.idx.msk [tilespmem:v61+s8+$0x0], $0xffff;
	v49 =	vmul.f32 v38, v39;
	v50 =	vmul.f32 v38, v38  }
0x23c: {  	v59 =	vld.idx.msk [tilespmem:v48+s8+$0x0], $0xffff;
	v57 =	vmul.f32 v40, v40;
	v17 =	vadd.f32 v63, v17;
	v16 =	vadd.f32 v34, v16  }
0x23d: {  	v61 =	vld.idx.msk [tilespmem:v51+s8+$0x0], $0xffff;
	v12 =	vadd.f32 v49, v12;
	v52 =	vmul.f32 v35, v37;
	v14 =	vadd.f32 v50, v14  }
0x23e: {  	v54 =	vmul.f32 v35, v35;
	v55 =	vmul.f32 v40, v37;
	v56 =	vld.idx.msk [tilespmem:v46+s8+$0x0], $0xffff;
	v46 =	vadd.s32 $0x6, v11  }
0x23f: {  	v30 =	vadd.f32 v57, v30;
	v40 =	vand.u32 $0x7F, v46;
	v31 =	vadd.f32 v52, v31  }
0x240: {  	v63 =	vld.idx.msk [tilespmem:v53+s8+$0x0], $0xffff;
	v29 =	vadd.f32 v54, v29;
	v28 =	vadd.f32 v55, v28;
	v49 =	vor.u32 v1, v40  }
0x241: {  	v53 =	vor.u32 v2, v40;
	v58 =	vmul.f32 v47, v37;
	v33 =	vmul.f32 v47, v47  }
0x242: {  	v32 =	vld.idx.msk [tilespmem:v60+s8+$0x0], $0xffff;
	v54 =	vor.u32 v3, v40;
	v48 =	vmul.f32 v59, v37;
	v50 =	vmul.f32 v59, v59  }
0x243: {  	v38 =	vld.idx.msk [tilespmem:v45+s8+$0x0], $0xffff;
	v51 =	vmul.f32 v61, v37;
	v34 =	vmul.f32 v61, v61;
	v61 =	vor.u32 v5, v40  }
0x244: {  	v27 =	vadd.f32 v58, v27;
	v47 =	vmul.f32 v56, v37;
	v39 =	vmul.f32 v56, v56  }
0x245: {  	v35 =	vld.idx.msk [tilespmem:v62+s8+$0x0], $0xffff;
	v26 =	vadd.f32 v33, v26;
	v23 =	vadd.f32 v48, v23;
	v52 =	vmul.f32 v63, v37  }
0x246: {  	v22 =	vadd.f32 v50, v22;
	v21 =	vadd.f32 v51, v21;
	v55 =	vmul.f32 v63, v63  }
0x247: {  	v20 =	vadd.f32 v34, v20;
	v57 =	vmul.f32 v32, v37;
	v32 =	vmul.f32 v32, v32;
	v33 =	vld.idx.msk [tilespmem:v40+s10+$0x0], $0xffff  }
0x248: {  	v58 =	vor.u32 v4, v40;
	v62 =	vmul.f32 v38, v37;
	v45 =	vmul.f32 v38, v38;
	v56 =	vld.idx.msk [tilespmem:v49+s8+$0x0], $0xffff  }
0x249: {  	v50 =	vor.u32 v7, v40;
	v24 =	vadd.f32 v47, v24;
	v25 =	vadd.f32 v39, v25;
	v60 =	vld.idx.msk [tilespmem:v53+s8+$0x0], $0xffff  }
0x24a: {  	v18 =	vadd.f32 v52, v18;
	v19 =	vadd.f32 v55, v19;
	v59 =	vmul.f32 v35, v37;
	v63 =	vld.idx.msk [tilespmem:v54+s8+$0x0], $0xffff  }
0x24b: {  	v35 =	vmul.f32 v35, v35;
	v17 =	vadd.f32 v57, v17;
	v16 =	vadd.f32 v32, v16  }
0x24c: {  	v47 =	vor.u32 v6, v40;
	v12 =	vadd.f32 v62, v12;
	v14 =	vadd.f32 v45, v14;
	v52 =	vld.idx.msk [tilespmem:v61+s8+$0x0], $0xffff  }
0x24d: {  	v54 =	vor.u32 v8, v40;
	v13 =	vadd.f32 v59, v13;
	v46 =	vmul.f32 v56, v33  }
0x24e: {  	v15 =	vadd.f32 v35, v15;
	v48 =	vmul.f32 v56, v56;
	v51 =	vmul.f32 v60, v33  }
0x24f: {  	v59 =	vor.u32 v10, v40;
	v32 =	vmul.f32 v60, v60;
	v53 =	vmul.f32 v63, v33  }
0x250: {  	v49 =	vld.idx.msk [tilespmem:v58+s8+$0x0], $0xffff;
	v35 =	vmul.f32 v63, v63;
	v56 =	vor.u32 v9, v40;
	v60 =	vadd.s32 $0x7, v11  }
0x251: {  	v58 =	vld.idx.msk [tilespmem:v50+s8+$0x0], $0xffff;
	v61 =	vmul.f32 v52, v33;
	v31 =	vadd.f32 v46, v31;
	v29 =	vadd.f32 v48, v29  }
0x252: {  	v40 =	vand.u32 $0x7F, v60;
	v28 =	vadd.f32 v51, v28;
	v30 =	vadd.f32 v32, v30  }
0x253: {  	v55 =	vld.idx.msk [tilespmem:v47+s8+$0x0], $0xffff;
	v62 =	vmul.f32 v52, v52;
	v27 =	vadd.f32 v53, v27;
	v26 =	vadd.f32 v35, v26  }
0x254: {  	v63 =	vld.idx.msk [tilespmem:v54+s8+$0x0], $0xffff;
	v45 =	vor.u32 v1, v40;
	v48 =	vor.u32 v2, v40;
	v51 =	vor.u32 v3, v40  }
0x255: {  	v53 =	vor.u32 v4, v40;
	v57 =	vmul.f32 v49, v33;
	v36 =	vmul.f32 v49, v49  }
0x256: {  	v23 =	vadd.f32 v61, v23;
	v22 =	vadd.f32 v62, v22;
	v47 =	vmul.f32 v58, v33  }
0x257: {  	v49 =	vld.idx.msk [tilespmem:v59+s8+$0x0], $0xffff;
	v50 =	vmul.f32 v58, v58;
	v58 =	vor.u32 v7, v40;
	v61 =	vor.u32 v8, v40  }
0x258: {  	v24 =	vadd.f32 v57, v24;
	v25 =	vadd.f32 v36, v25;
	v46 =	vmul.f32 v55, v33;
	v34 =	vld.idx.msk [tilespmem:v56+s8+$0x0], $0xffff  }
0x259: {  	v32 =	vmul.f32 v55, v55;
	v18 =	vadd.f32 v47, v18;
	v52 =	vmul.f32 v63, v33;
	v36 =	vld.idx.msk [tilespmem:v40+s10+$0x0], $0xffff  }
0x25a: {  	v37 =	vmul.f32 v63, v63;
	v19 =	vadd.f32 v50, v19;
	v55 =	vor.u32 v5, v40;
	v41 =	vld.idx.msk [tilespmem:v45+s8+$0x0], $0xffff  }
0x25b: {  	v57 =	vor.u32 v6, v40;
	v21 =	vadd.f32 v46, v21;
	v20 =	vadd.f32 v32, v20;
	v56 =	vld.idx.msk [tilespmem:v48+s8+$0x0], $0xffff  }
0x25c: {  	v17 =	vadd.f32 v52, v17;
	v16 =	vadd.f32 v37, v16;
	v38 =	vld.idx.msk [tilespmem:v51+s8+$0x0], $0xffff;
	v32 =	vmul.f32 v49, v49  }
0x25d: {  	v60 =	vld.idx.msk [tilespmem:v53+s8+$0x0], $0xffff;
	v46 =	vor.u32 v9, v40;
	v48 =	vor.u32 v10, v40;
	v54 =	vmul.f32 v34, v33  }
0x25e: {  	v39 =	vld.idx.msk [tilespmem:v58+s8+$0x0], $0xffff;
	v34 =	vmul.f32 v34, v34;
	v33 =	vmul.f32 v49, v33;
	v14 =	vadd.f32 v32, v14  }
0x25f: {  	v13 =	vadd.f32 v54, v13;
	v59 =	vmul.f32 v41, v36;
	v62 =	vmul.f32 v41, v41  }
0x260: {  	v52 =	vld.idx.msk [tilespmem:v61+s8+$0x0], $0xffff;
	v15 =	vadd.f32 v34, v15;
	v45 =	vmul.f32 v56, v36;
	v47 =	vmul.f32 v56, v56  }
0x261: {  	v63 =	vld.idx.msk [tilespmem:v55+s8+$0x0], $0xffff;
	v12 =	vadd.f32 v33, v12;
	v49 =	vmul.f32 v38, v36;
	v38 =	vmul.f32 v38, v38  }
0x262: {  	v50 =	vmul.f32 v60, v36;
	v51 =	vmul.f32 v60, v60;
	v31 =	vadd.f32 v59, v31  }
0x263: {  	v35 =	vld.idx.msk [tilespmem:v57+s8+$0x0], $0xffff;
	v57 =	vmul.f32 v39, v36;
	v29 =	vadd.f32 v62, v29;
	v28 =	vadd.f32 v45, v28  }
0x264: {  	v58 =	vmul.f32 v39, v39;
	v30 =	vadd.f32 v47, v30;
	v27 =	vadd.f32 v49, v27  }
0x265: {  	v55 =	vld.idx.msk [tilespmem:v46+s8+$0x0], $0xffff;
	v60 =	vmul.f32 v52, v52;
	v26 =	vadd.f32 v38, v26;
	v24 =	vadd.f32 v50, v24  }
0x266: {  	v37 =	vld.idx.msk [tilespmem:v48+s8+$0x0], $0xffff;
	v25 =	vadd.f32 v51, v25;
	v59 =	vmul.f32 v52, v36;
	v53 =	vmul.f32 v63, v36  }
0x267: {  	s15 =	sadd.s32 $0x8, s15;
	v54 =	vmul.f32 v63, v63;
	v18 =	vadd.f32 v57, v18;
	v19 =	vadd.f32 v58, v19  }
0x268: {  	p0 =	slt.u32 s15, $0x78;
	v56 =	vmul.f32 v35, v36;
	v16 =	vadd.f32 v60, v16;
	v17 =	vadd.f32 v59, v17  }
.Ltmp5:
0x269: {  	v35 =	vmul.f32 v35, v35;
	v23 =	vadd.f32 v53, v23;
	v22 =	vadd.f32 v54, v22;
	(pc) =	sbr.rel @p0 .LBB2_7-.Ltmp5, $4  }
0x26a: {  	v21 =	vadd.f32 v56, v21;
	v61 =	vmul.f32 v55, v36;
	v33 =	vmul.f32 v55, v55  }
0x26b: {  	v20 =	vadd.f32 v35, v20;
	v62 =	vmul.f32 v37, v36;
	v63 =	vmul.f32 v37, v37  }
0x26c: {  	v11 =	vadd.s32 $0x8, v11;
	v13 =	vadd.f32 v61, v13;
	v15 =	vadd.f32 v33, v15  }
0x26d: {  	v11 =	vand.u32 $0x7F, v11;
	v12 =	vadd.f32 v62, v12;
	v14 =	vadd.f32 v63, v14  }
0x26e: {  	v11 =	vmax.f32 v29, $1.000000020e-16  }
0x26f: {  	(erf) = vrcp.f32 v11;
	_ =	sdelay $0x4  }
0x270: {  	v38 =	vmax.f32 v30, $1.000000020e-16;
	v39 =	vand.u32 $0x7FFFFFFF, v31  }
0x271: {  	v26 =	vmax.f32 v26, $1.000000020e-16;
	v44 =	vand.u32 $0x7FFFFFFF, v28;
	v25 =	vmax.f32 v25, $1.000000020e-16  }
0x272: {  	v41 =	vld [tilespmem:$0xE290];
	v51 =	vand.u32 $0x7FFFFFFF, v27;
	v22 =	vmax.f32 v22, $1.000000020e-16;
	v56 =	vand.u32 $0x7FFFFFFF, v24  }
0x273: {  	v47 =	vld [tilespmem:$0xE2A0];
	v60 =	vand.u32 $0x7FFFFFFF, v23;
	v20 =	vmax.f32 v20, $1.000000020e-16;
	(erf) = vrcp.f32 v38  }
0x274: {  	v50 =	vld [tilespmem:$0xE2B0];
	v19 =	vmax.f32 v19, $1.000000020e-16;
	v40 =	vmul.f32 v39, v31;
	v43 =	vpop (erf);
	(erf) = vrcp.f32 v26  }
0x275: {  	v16 =	vmax.f32 v16, $1.000000020e-16;
	v11 =	vld [tilespmem:$0xE280];
	v45 =	vmul.f32 v44, v28;
	v27 =	vmul.f32 v51, v27  }
0x276: {  	s14 =	smul.u32 $0xA0, s14;
	v54 =	vld [tilespmem:$0xE2C0];
	v15 =	vmax.f32 v15, $1.000000020e-16;
	v24 =	vmul.f32 v56, v24;
	v23 =	vmul.f32 v60, v23  }
0x277: {  	v61 =	vld [tilespmem:$0xE2D0];
	v39 =	vand.u32 $0x7FFFFFFF, v17;
	v38 =	vand.u32 $0x7FFFFFFF, v18;
	(erf) = vrcp.f32 v25  }
0x278: {  	v33 =	vld [tilespmem:$0xE2E0];
	v14 =	vmax.f32 v14, $1.000000020e-16;
	s15 =	sadd.s32 $0x14000, s14;
	v17 =	vmul.f32 v39, v17;
	v18 =	vmul.f32 v38, v18  }
0x279: {  	s23 =	sadd.s32 $0x14010, s14;
	v48 =	vor.u32 s15, v0;
	v46 =	vmul.f32 v41, v41;
	v52 =	vmul.f32 v47, v47  }
0x27a: {  	s24 =	sadd.s32 $0x14020, s14;
	v53 =	vor.u32 s23, v0;
	v58 =	vmul.f32 v50, v50;
	v11 =	vmul.f32 v11, v11  }
0x27b: {  	v42 =	vld [tilespmem:$0xE380];
	s25 =	sadd.s32 $0x14030, s14;
	v59 =	vor.u32 s24, v0;
	v63 =	vmul.f32 v54, v54;
	(erf) = vrcp.f32 v22  }
0x27c: {  	v32 =	vld [tilespmem:$0xE400];
	s26 =	sadd.s32 $0x14040, s14;
	v37 =	vor.u32 s25, v0;
	v35 =	vmul.f32 v61, v61;
	v11 =	vmul.f32 v11, v40;
	v49 =	vpop (erf)  }
0x27d: {  	s28 =	sadd.s32 $0x14050, s14;
	v51 =	vor.u32 s26, v0;
	v41 =	vmul.f32 v33, v33;
	v57 =	vpop (erf);
	(erf) = vrcp.f32 v20  }
0x27e: {  	v56 =	vor.u32 s28, v0;
	v26 =	vmul.f32 v46, v45;
	v11 =	vmul.f32 v11, v43  }
0x27f: {  	v47 =	vand.u32 $0x7FFFFFFF, v13;
	v55 =	vmul.f32 v52, v27;
	v24 =	vmul.f32 v58, v24  }
0x280: {  	v36 =	vld [tilespmem:$0xE2F0];
	v26 =	vmul.f32 v26, v49;
	vm0 =	vgt.f32 v11, v42;
	v62 =	vpop (erf);
	(erf) = vrcp.f32 v19  }
0x281: {  	v11 =	vsel vm0, v11, v42;
	v25 =	vsel vm0, v48, v32;
	v32 =	vand.u32 $0x7FFFFFFF, v21  }
0x282: {  	vm9 =	vgt.f32 v26, v11;
	v22 =	vmul.f32 v55, v57;
	(erf) = vrcp.f32 v16  }
0x283: {  	v23 =	vmul.f32 v63, v23;
	v21 =	vmul.f32 v32, v21;
	v11 =	vsel vm9, v26, v11  }
0x284: {  	v40 =	vld [tilespmem:$0xE300];
	v31 =	vmul.f32 v24, v62;
	v34 =	vpop (erf);
	vm10 =	vgt.f32 v22, v11;
	(erf) = vrcp.f32 v15  }
0x285: {  	v43 =	vmul.f32 v36, v36;
	v21 =	vmul.f32 v35, v21;
	v11 =	vsel vm10, v22, v11  }
0x286: {  	v46 =	vld [tilespmem:$0xE310];
	v19 =	vmul.f32 v23, v34;
	vm11 =	vgt.f32 v31, v11;
	v42 =	vpop (erf);
	(erf) = vrcp.f32 v14  }
0x287: {  	v13 =	vmul.f32 v47, v13;
	v17 =	vmul.f32 v43, v17;
	v11 =	vsel vm11, v31, v11  }
0x288: {  	v15 =	vmul.f32 v41, v18;
	vm1 =	vgt.f32 v19, v11;
	v45 =	vmul.f32 v21, v42  }
0x289: {  	v49 =	vmul.f32 v40, v40;
	v25 =	vsel vm9, v53, v25;
	v11 =	vsel vm1, v19, v11;
	v48 =	vpop (erf)  }
0x28a: {  	v53 =	vand.u32 $0x7FFFFFFF, v12;
	v15 =	vmul.f32 v15, v48;
	vm12 =	vgt.f32 v45, v11  }
0x28b: {  	v54 =	vmul.f32 v46, v46;
	v12 =	vmul.f32 v53, v12;
	v50 =	vpop (erf);
	v11 =	vsel vm12, v45, v11  }
0x28c: {  	v13 =	vmul.f32 v49, v13;
	v52 =	vmul.f32 v17, v50;
	vm2 =	vgt.f32 v15, v11  }
0x28d: {  	v12 =	vmul.f32 v54, v12;
	v30 =	vsel vm10, v59, v25;
	v55 =	vpop (erf);
	v11 =	vsel vm2, v15, v11  }
0x28e: {  	s29 =	sadd.s32 $0x14060, s14;
	v44 =	vsel vm11, v37, v30;
	v13 =	vmul.f32 v13, v55;
	vm13 =	vgt.f32 v52, v11  }
0x28f: {  	v58 =	vor.u32 s29, v0;
	v14 =	vsel vm1, v51, v44;
	v11 =	vsel vm13, v52, v11;
	v57 =	vpop (erf)  }
0x290: {  	s30 =	sadd.s32 $0x14070, s14;
	v14 =	vsel vm12, v56, v14;
	vm14 =	vgt.f32 v13, v11;
	v12 =	vmul.f32 v12, v57  }
0x291: {  	s31 =	sadd.s32 $0x14080, s14;
	v59 =	vor.u32 s30, v0;
	v14 =	vsel vm2, v58, v14;
	v11 =	vsel vm14, v13, v11  }
0x292: {  	p0 =	sgt.u32 s12, $0x40;
	s14 =	sadd.s32 $0x14090, s14;
	v61 =	vor.u32 s31, v0;
	v60 =	vsel vm13, v59, v14;
	vm15 =	vgt.f32 v12, v11  }
0x293: {  	s12 =	sadd.s32 @!p0 $0x15E00, s13;
	v62 =	vor.u32 s14, v0;
	v13 =	vsel vm14, v61, v60;
	v11 =	vsel vm15, v12, v11  }
.Ltmp6:
0x294: {  	s13 =	sshll.u32 @!p0 s12, $0x4;
	s12 =	sshrl.u32 @!p0 s12, $0x3;
	v63 =	vsel vm15, v62, v13;
	[tilespmem:$0xE380] =	vst v11;
	(pc) =	sbr.rel .LBB2_9-.Ltmp6, $4  }
0x295: {  	s13 =	sadd.s32 @!p0 s1, s13;
	s15 =	simm.s32 @!p0 $0x9180;
	s14 =	simm.s32 @!p0 $0x0;
	[tilespmem:$0xE400] =	vst v63  }
0x296: {  	[tilespmem:s15], [sflag:$0x2] =	stream.linear.gather @!p0 [hbm4b:s13+s14], $0x5000, $0x38;
	[tilespmem:$0xE480] =	vst v63  }
0x297: {  	s12 =	sadd.s32 @!p0 s2, s12;
	s13 =	simm.s32 @!p0 $0xE280  }
0x298: {  	[tilespmem:s13], [sflag:$0x2] =	stream.linear.gather @!p0 [hbm4b:s12+s14], $0xA0, $0x38;
	[tilespmem:$0xE480] =	vst v63  }
.LBB2_10:
0x299: {  	s1 =	sshll.u32 s3, $0x4;
	s29 =	simm.s32 $0x0  }
0x29a: {  	s6 =	simm.s32 $0xE380;
	s30 =	simm.s32 $0x3;
	s2 =	sadd.s32 s5, s1  }
0x29b: {  	[hbm4b:s2+s29] =	stream.linear.scatter [tilespmem:s6], [sflag:$0x3], $0x80, $0x38;
	[tilespmem:$0xE480] =	vst v63  }
0x29c: {  	_ =	swait.ge [sflag:s30], $0x80  }
0x29d: {  	[sflag:s30] =	ssyncset.done $0x0  }
0x29e: {  	s31 =	simm.s32 $0xE400;
	s1 =	sadd.s32 s4, s1;
	[sflag:s30] =	ssyncadd.s32 $0xFFFFFF80  }
0x29f: {  	[hbm4b:s1+s29] =	stream.linear.scatter [tilespmem:s31], [sflag:$0x3], $0x80, $0x38;
	[tilespmem:$0xE480] =	vst v63  }
0x2a0: {  	_ =	swait.ge [sflag:s30], $0x80  }
0x2a1: {  	[sflag:s30] =	ssyncset.done $0x0  }
0x2a2: {  	[sflag:s30] =	ssyncadd.s32 $0xFFFFFF80  }
0x2a3: {  	_ =	sfence.sel $0x180000  }
0x2a4: {  	[bflag:$0x0] =	sbarrier.arrive $0xFFFF  }
0x2a5: {  	p0 =	sne.s32 s3, $0x0;
	_ =	strace $0x90000047  }
0x2a6: {  	s0 =	sadd.s32 @!p0 $0x100000, s0;
	[bflag:$0x2] =	sbarrier.arrive $0xFFFF  }
0x2a7: {  	[sflag:s0] =	ssyncadd.tile.s32 @!p0 $0x1;
	_ =	shalt  }
.Lfunc_end2:
_tile_overlayer_lowered:
.L_overlay_start_2:
0x2a8: {  	(tag) =	ssettag $0x2  }
0x2a9: {  	s0 =	rddreg [dreg:$0x0];
	s2 =	stileid.u32  }
0x2aa: {  	s1 =	rddreg [dreg:$0x1];
	p0 =	sne.s32 s2, $0x0  }
0x2ab: {  	s3 =	rddreg [dreg:$0x2];
	[bflag:$0x3] =	sbarrier.arrive $0xFFFF;
	s2 =	simm.s32 @!p0 $0x1C03  }
0x2ac: {  	[timem:s3], [sflag:s2] =	dma.local @!p0 [hbm:s0], s1  }
0x2ad: {  	s0 =	simm.s32 @!p0 $0x3  }
0x2ae: {  	_ =	swait.ge @!p0 [sflag:s0], s1  }
0x2af: {  	s1 =	ssub.s32 @!p0 $0x0, s1;
	[sflag:s0] =	ssyncset.done @!p0 $0x0  }
0x2b0: {  	[sflag:s0] =	ssyncadd.s32 @!p0 s1  }
0x2b1: {  	[bflag:$0x3] =	sbarrier.arrive $0xFFFF  }
0x2b2: {  	_ =	shalt  }

</sc_bundles>
